<compile_context>
chip_gen: v7x
topology: tpu7x:2x2x1
jax: 0.10.2.dev20260603
libtpu: 0.0.44.dev20260713+nightly
codegen_flags: <defaults>
</compile_context>

<pallas_src>
import functools

import jax
import jax.numpy as jnp
from jax import lax
from jax.experimental import pallas as pl
from jax.experimental.pallas import tpu as pltpu
from jax.experimental.pallas import tpu_sc as plsc

NUM_NODES = 100000
NUM_ELS = 10000
N_EDGES = 32
BATCH = 128

NC = 2
NS = 16
NW = NC * NS
L = 16
NVEC = BATCH // L

W_MAIN = NUM_ELS // NW
TAIL = NUM_ELS - W_MAIN * NW
C = 4
IDXC = C * N_EDGES
NCHUNK = W_MAIN // C
NBUF = 3


def _make_prod_kernel():
    mesh = plsc.VectorSubcoreMesh(core_axis_name="c", subcore_axis_name="s")

    @functools.partial(
        pl.kernel,
        out_type=jax.ShapeDtypeStruct((NUM_ELS, BATCH), jnp.float32),
        mesh=mesh,
        scratch_types=[
            pltpu.VMEM((W_MAIN * N_EDGES,), jnp.int32),
            pltpu.VMEM((N_EDGES,), jnp.int32),
            pltpu.VMEM((NBUF, IDXC, BATCH), jnp.float32),
            pltpu.VMEM((W_MAIN, BATCH), jnp.float32),
            [pltpu.SemaphoreType.DMA] * NBUF,
        ],
    )
    def prod_kernel(node_hbm, cids_hbm, out_hbm, idx_v, tidx_v, gat_v, out_v,
                    sems):
        w = lax.axis_index("s") * NC + lax.axis_index("c")
        base = w * W_MAIN

        pltpu.sync_copy(cids_hbm.at[pl.ds(base * N_EDGES, W_MAIN * N_EDGES)],
                        idx_v)

        for p in range(NBUF - 1):
            pltpu.async_copy(node_hbm.at[idx_v.at[pl.ds(p * IDXC, IDXC)]],
                             gat_v.at[p], sems[p])

        @pl.loop(0, NCHUNK, step=NBUF)
        def _chunk_group(cstep):
            for b in range(NBUF):
                c = cstep + b
                nxt = c + NBUF - 1
                nb = (b + NBUF - 1) % NBUF

                @pl.when(nxt < NCHUNK)
                def _start_next():
                    pltpu.async_copy(
                        node_hbm.at[idx_v.at[pl.ds(nxt * IDXC, IDXC)]],
                        gat_v.at[nb], sems[nb])

                pltpu.make_async_copy(
                    node_hbm.at[idx_v.at[pl.ds(0, IDXC)]],
                    gat_v.at[b], sems[b]).wait()

        pltpu.sync_copy(out_v, out_hbm.at[pl.ds(base, W_MAIN)])

        @pl.when(w < TAIL)
        def _tail():
            e = NW * W_MAIN + w
            pltpu.sync_copy(cids_hbm.at[pl.ds(e * N_EDGES, N_EDGES)], tidx_v)
            pltpu.async_copy(node_hbm.at[tidx_v],
                             gat_v.at[0].at[pl.ds(0, N_EDGES)], sems[0]).wait()
            for d in range(NVEC):
                acc = gat_v[0, 0, pl.ds(d * L, L)]
                for j in range(1, N_EDGES):
                    acc = acc + gat_v[0, j, pl.ds(d * L, L)]
                out_v[0, pl.ds(d * L, L)] = acc
            pltpu.sync_copy(out_v.at[0], out_hbm.at[e])

    return prod_kernel


_PROD_KERNEL = _make_prod_kernel()


def kernel(node_mars, element_mars, nids, cids):
    del element_mars, nids
    cids_flat = cids.astype(jnp.int32).reshape(-1)
    return _PROD_KERNEL(node_mars, cids_flat)

# --- scband reference (transcript-rebuilt; emitter-appended) ---
"""Pipeline reference for scband-prod-layer-49813030699584 (READ-ONLY COPY).

The authoritative reference and input builder live on the scoring server;
editing this copy changes nothing except your own understanding.
"""

import jax, jax.numpy as jnp
import numpy as np

NUM_NODES = 100000
NUM_ELS = 10000
N_EDGES = 32
BATCH = 128


def setup_inputs(seed: int = 0) -> dict:
    key = jax.random.key(seed)
    k1, k2 = jax.random.split(key)
    node_mars = jax.random.normal(k1, (NUM_NODES, BATCH), dtype=jnp.float32)
    element_mars = jnp.zeros((NUM_ELS, BATCH), dtype=jnp.float32)
    nids = jnp.arange(NUM_ELS, dtype=jnp.int64)
    cids = jax.random.randint(k2, (NUM_ELS, N_EDGES), 0, NUM_NODES, dtype=jnp.int64)
    return {"node_mars": node_mars, "element_mars": element_mars, "nids": nids, "cids": cids}


def reference(node_mars, element_mars, nids, cids):
    # ProdLayer.forward with group_size == 1 is equivalent to:
    #   element_mars[nids] = node_mars[cids].sum(dim=1)
    # (log-space product of children = sum of child log-marginals)
    gathered = jnp.take(node_mars, cids, axis=0)          # [NUM_ELS, N_EDGES, BATCH]
    summed = jnp.sum(gathered, axis=1)                    # [NUM_ELS, BATCH]
    out = element_mars.at[nids].set(summed)               # scatter-overwrite into element buffer
    return out

if __name__ == "__main__":
    import jax
    _d = setup_inputs()
    print(jax.jit(kernel)(*tuple(_d.values())))

</pallas_src>

<mosaic_0001>
#map = affine_map<(d0, d1) -> (0, 0)>
#map1 = affine_map<(d0, d1) -> (0)>
module attributes {stable_mosaic.version = 14 : i64} {
  func.func @prod_kernel(%arg0: i32, %arg1: i32, %arg2: memref<100000x128xf32, #tpu.memory_space<hbm>>, %arg3: memref<320000xi32, #tpu.memory_space<hbm>>, %arg4: memref<10000x128xf32, #tpu.memory_space<hbm>>, %arg5: memref<9984xi32, #tpu.memory_space<vmem>>, %arg6: memref<32xi32, #tpu.memory_space<vmem>>, %arg7: memref<3x128x128xf32, #tpu.memory_space<vmem>>, %arg8: memref<312x128xf32, #tpu.memory_space<vmem>>, %arg9: memref<!tpu.dma_semaphore, #tpu.memory_space<semaphore_mem>>, %arg10: memref<!tpu.dma_semaphore, #tpu.memory_space<semaphore_mem>>, %arg11: memref<!tpu.dma_semaphore, #tpu.memory_space<semaphore_mem>>) attributes {dimension_semantics = [#tpu.dimension_semantics<core_parallel>, #tpu.dimension_semantics<subcore_parallel>], iteration_bounds = array<i64: 2, 16>, scalar_prefetch = 0 : i64, scratch_operands = 7 : i64, tpu.core_type = #tpu.core_type<sc_vector_subcore>, window_params = [{transform_indices = #map}, {transform_indices = #map1}, {transform_indices = #map}]} {
    %mul3A = arith.constant 2 : i32
    %mul3A_0 = arith.muli %arg1, %mul3A : i32
    %add3A = arith.addi %mul3A_0, %arg0 : i32
    %mul3A_1 = arith.constant 312 : i32
    %mul3A_2 = arith.muli %add3A, %mul3A_1 : i32
    %mul3A_3 = arith.constant 32 : i32
    %mul3A_4 = arith.muli %mul3A_2, %mul3A_3 : i32
    "tpu.region"() ({
      %run_scoped3A = tpu.sem_alloc : memref<!tpu.dma_semaphore, #tpu.memory_space<semaphore_mem>>
      %dma_start3A_30 = tpu.memref_slice %arg3[%mul3A_4] : memref<320000xi32, #tpu.memory_space<hbm>> -> memref<9984xi32, #tpu.memory_space<hbm>>
      %dma_start3A_31 = tpu.memref_slice %arg3[%mul3A_4] : memref<320000xi32, #tpu.memory_space<hbm>> -> memref<9984xi32, #tpu.memory_space<hbm>>
      tpu.enqueue_dma source(%dma_start3A_31 : memref<9984xi32, #tpu.memory_space<hbm>>) target(%arg5 : memref<9984xi32, #tpu.memory_space<vmem>>) target_semaphore(%run_scoped3A : memref<!tpu.dma_semaphore, #tpu.memory_space<semaphore_mem>>)
      %dma_wait3A = tpu.memref_slice %arg3[%mul3A_4] : memref<320000xi32, #tpu.memory_space<hbm>> -> memref<9984xi32, #tpu.memory_space<hbm>>
      %dma_wait3A_32 = tpu.memref_slice %arg3[%mul3A_4] : memref<320000xi32, #tpu.memory_space<hbm>> -> memref<9984xi32, #tpu.memory_space<hbm>>
      tpu.wait_dma2 semaphore(%run_scoped3A : memref<!tpu.dma_semaphore, #tpu.memory_space<semaphore_mem>>) src(%dma_wait3A_32 : memref<9984xi32, #tpu.memory_space<hbm>>) dst(%arg5 : memref<9984xi32, #tpu.memory_space<vmem>>)
      tpu.yield
    }) : () -> ()
    %dma_start3A = arith.constant 0 : i32
    %dma_start3A_5 = arith.constant 0 : i32
    %dma_start3A_6 = arith.constant 0 : i32
    %dma_start3A_7 = tpu.memref_slice %arg7[%dma_start3A, %dma_start3A_5, %dma_start3A_6] : memref<3x128x128xf32, #tpu.memory_space<vmem>> -> memref<1x128x128xf32, #tpu.memory_space<vmem>>
    %dma_start3A_8 = tpu.memref_squeeze %dma_start3A_7 : memref<1x128x128xf32, #tpu.memory_space<vmem>> -> memref<128x128xf32, #tpu.memory_space<vmem>>
    %dma_start3A_9 = arith.constant 0 : i32
    %dma_start3A_10 = tpu.memref_slice %arg5[%dma_start3A_9] : memref<9984xi32, #tpu.memory_space<vmem>> -> memref<128xi32, #tpu.memory_space<vmem>>
    %dma_start3A_11 = arith.constant 0 : i32
    %dma_start3A_12 = arith.constant 0 : i32
    %dma_start3A_13 = tpu.memref_slice %arg2[%dma_start3A_11, %dma_start3A_12] : memref<100000x128xf32, #tpu.memory_space<hbm>> -> memref<100000x128xf32, #tpu.memory_space<hbm>>
    tpu.enqueue_indirect_dma source(%dma_start3A_13 : memref<100000x128xf32, #tpu.memory_space<hbm>>) target(%dma_start3A_8 : memref<128x128xf32, #tpu.memory_space<vmem>>) offsets(%dma_start3A_10 : memref<128xi32, #tpu.memory_space<vmem>>) semaphore(%arg9 : memref<!tpu.dma_semaphore, #tpu.memory_space<semaphore_mem>>)
    %dma_start3A_14 = arith.constant 1 : i32
    %dma_start3A_15 = arith.constant 0 : i32
    %dma_start3A_16 = arith.constant 0 : i32
    %dma_start3A_17 = tpu.memref_slice %arg7[%dma_start3A_14, %dma_start3A_15, %dma_start3A_16] : memref<3x128x128xf32, #tpu.memory_space<vmem>> -> memref<1x128x128xf32, #tpu.memory_space<vmem>>
    %dma_start3A_18 = tpu.memref_squeeze %dma_start3A_17 : memref<1x128x128xf32, #tpu.memory_space<vmem>> -> memref<128x128xf32, #tpu.memory_space<vmem>>
    %dma_start3A_19 = arith.constant 128 : i32
    %dma_start3A_20 = tpu.memref_slice %arg5[%dma_start3A_19] : memref<9984xi32, #tpu.memory_space<vmem>> -> memref<128xi32, #tpu.memory_space<vmem>>
    %dma_start3A_21 = arith.constant 0 : i32
    %dma_start3A_22 = arith.constant 0 : i32
    %dma_start3A_23 = tpu.memref_slice %arg2[%dma_start3A_21, %dma_start3A_22] : memref<100000x128xf32, #tpu.memory_space<hbm>> -> memref<100000x128xf32, #tpu.memory_space<hbm>>
    tpu.enqueue_indirect_dma source(%dma_start3A_23 : memref<100000x128xf32, #tpu.memory_space<hbm>>) target(%dma_start3A_18 : memref<128x128xf32, #tpu.memory_space<vmem>>) offsets(%dma_start3A_20 : memref<128xi32, #tpu.memory_space<vmem>>) semaphore(%arg10 : memref<!tpu.dma_semaphore, #tpu.memory_space<semaphore_mem>>)
    %scan3A = arith.constant 0 : i32
    %scan3A_24 = arith.constant 26 : i32
    %scan3A_25 = arith.addi %scan3A, %scan3A_24 : i32
    %scan3A_26 = arith.constant 1 : i32
    scf.for %scan3A_30 = %scan3A to %scan3A_25 step %scan3A_26  : i32 {
      %mul3A_31 = arith.constant 3 : i32
      %mul3A_32 = arith.muli %scan3A_30, %mul3A_31 : i32
      %add3A_33 = arith.constant 0 : i32
      %add3A_34 = arith.addi %add3A_33, %mul3A_32 : i32
      %add3A_35 = arith.constant 0 : i32
      %add3A_36 = arith.addi %add3A_34, %add3A_35 : i32
      %add3A_37 = arith.constant 3 : i32
      %add3A_38 = arith.addi %add3A_36, %add3A_37 : i32
      %sub3A = arith.constant 1 : i32
      %sub3A_39 = arith.subi %add3A_38, %sub3A : i32
      %lt3A_40 = arith.constant 78 : i32
      %lt3A_41 = arith.cmpi slt, %sub3A_39, %lt3A_40 : i32
      %convert_element_type3A_42 = arith.extui %lt3A_41 : i1 to i32
      %cond3A_43 = arith.constant 0 : i32
      %cond3A_44 = arith.cmpi ne, %convert_element_type3A_42, %cond3A_43 : i32
      scf.if %cond3A_44 {
        %mul3A_96 = arith.constant 128 : i32
        %mul3A_97 = arith.muli %sub3A_39, %mul3A_96 : i32
        %dma_start3A_98 = arith.constant 2 : i32
        %dma_start3A_99 = arith.constant 0 : i32
        %dma_start3A_100 = arith.constant 0 : i32
        %dma_start3A_101 = tpu.memref_slice %arg7[%dma_start3A_98, %dma_start3A_99, %dma_start3A_100] : memref<3x128x128xf32, #tpu.memory_space<vmem>> -> memref<1x128x128xf32, #tpu.memory_space<vmem>>
        %dma_start3A_102 = tpu.memref_squeeze %dma_start3A_101 : memref<1x128x128xf32, #tpu.memory_space<vmem>> -> memref<128x128xf32, #tpu.memory_space<vmem>>
        %dma_start3A_103 = tpu.memref_slice %arg5[%mul3A_97] : memref<9984xi32, #tpu.memory_space<vmem>> -> memref<128xi32, #tpu.memory_space<vmem>>
        %dma_start3A_104 = arith.constant 0 : i32
        %dma_start3A_105 = arith.constant 0 : i32
        %dma_start3A_106 = tpu.memref_slice %arg2[%dma_start3A_104, %dma_start3A_105] : memref<100000x128xf32, #tpu.memory_space<hbm>> -> memref<100000x128xf32, #tpu.memory_space<hbm>>
        tpu.enqueue_indirect_dma source(%dma_start3A_106 : memref<100000x128xf32, #tpu.memory_space<hbm>>) target(%dma_start3A_102 : memref<128x128xf32, #tpu.memory_space<vmem>>) offsets(%dma_start3A_103 : memref<128xi32, #tpu.memory_space<vmem>>) semaphore(%arg11 : memref<!tpu.dma_semaphore, #tpu.memory_space<semaphore_mem>>)
      } else {
      }
      %dma_wait3A = arith.constant 0 : i32
      %dma_wait3A_45 = arith.constant 0 : i32
      %dma_wait3A_46 = arith.constant 0 : i32
      %dma_wait3A_47 = tpu.memref_slice %arg7[%dma_wait3A, %dma_wait3A_45, %dma_wait3A_46] : memref<3x128x128xf32, #tpu.memory_space<vmem>> -> memref<1x128x128xf32, #tpu.memory_space<vmem>>
      %dma_wait3A_48 = tpu.memref_squeeze %dma_wait3A_47 : memref<1x128x128xf32, #tpu.memory_space<vmem>> -> memref<128x128xf32, #tpu.memory_space<vmem>>
      %dma_wait3A_49 = arith.constant 0 : i32
      %dma_wait3A_50 = tpu.memref_slice %arg5[%dma_wait3A_49] : memref<9984xi32, #tpu.memory_space<vmem>> -> memref<128xi32, #tpu.memory_space<vmem>>
      %dma_wait3A_51 = arith.constant 0 : i32
      %dma_wait3A_52 = arith.constant 0 : i32
      %dma_wait3A_53 = tpu.memref_slice %arg2[%dma_wait3A_51, %dma_wait3A_52] : memref<100000x128xf32, #tpu.memory_space<hbm>> -> memref<100000x128xf32, #tpu.memory_space<hbm>>
      tpu.wait_indirect_dma semaphore(%arg9 : memref<!tpu.dma_semaphore, #tpu.memory_space<semaphore_mem>>) src(%dma_wait3A_53 : memref<100000x128xf32, #tpu.memory_space<hbm>>) dst(%dma_wait3A_48 : memref<128x128xf32, #tpu.memory_space<vmem>>)
      %add3A_54 = arith.constant 1 : i32
      %add3A_55 = arith.addi %add3A_34, %add3A_54 : i32
      %add3A_56 = arith.constant 3 : i32
      %add3A_57 = arith.addi %add3A_55, %add3A_56 : i32
      %sub3A_58 = arith.constant 1 : i32
      %sub3A_59 = arith.subi %add3A_57, %sub3A_58 : i32
      %lt3A_60 = arith.constant 78 : i32
      %lt3A_61 = arith.cmpi slt, %sub3A_59, %lt3A_60 : i32
      %convert_element_type3A_62 = arith.extui %lt3A_61 : i1 to i32
      %cond3A_63 = arith.constant 0 : i32
      %cond3A_64 = arith.cmpi ne, %convert_element_type3A_62, %cond3A_63 : i32
      scf.if %cond3A_64 {
        %mul3A_96 = arith.constant 128 : i32
        %mul3A_97 = arith.muli %sub3A_59, %mul3A_96 : i32
        %dma_start3A_98 = arith.constant 0 : i32
        %dma_start3A_99 = arith.constant 0 : i32
        %dma_start3A_100 = arith.constant 0 : i32
        %dma_start3A_101 = tpu.memref_slice %arg7[%dma_start3A_98, %dma_start3A_99, %dma_start3A_100] : memref<3x128x128xf32, #tpu.memory_space<vmem>> -> memref<1x128x128xf32, #tpu.memory_space<vmem>>
        %dma_start3A_102 = tpu.memref_squeeze %dma_start3A_101 : memref<1x128x128xf32, #tpu.memory_space<vmem>> -> memref<128x128xf32, #tpu.memory_space<vmem>>
        %dma_start3A_103 = tpu.memref_slice %arg5[%mul3A_97] : memref<9984xi32, #tpu.memory_space<vmem>> -> memref<128xi32, #tpu.memory_space<vmem>>
        %dma_start3A_104 = arith.constant 0 : i32
        %dma_start3A_105 = arith.constant 0 : i32
        %dma_start3A_106 = tpu.memref_slice %arg2[%dma_start3A_104, %dma_start3A_105] : memref<100000x128xf32, #tpu.memory_space<hbm>> -> memref<100000x128xf32, #tpu.memory_space<hbm>>
        tpu.enqueue_indirect_dma source(%dma_start3A_106 : memref<100000x128xf32, #tpu.memory_space<hbm>>) target(%dma_start3A_102 : memref<128x128xf32, #tpu.memory_space<vmem>>) offsets(%dma_start3A_103 : memref<128xi32, #tpu.memory_space<vmem>>) semaphore(%arg9 : memref<!tpu.dma_semaphore, #tpu.memory_space<semaphore_mem>>)
      } else {
      }
      %dma_wait3A_65 = arith.constant 1 : i32
      %dma_wait3A_66 = arith.constant 0 : i32
      %dma_wait3A_67 = arith.constant 0 : i32
      %dma_wait3A_68 = tpu.memref_slice %arg7[%dma_wait3A_65, %dma_wait3A_66, %dma_wait3A_67] : memref<3x128x128xf32, #tpu.memory_space<vmem>> -> memref<1x128x128xf32, #tpu.memory_space<vmem>>
      %dma_wait3A_69 = tpu.memref_squeeze %dma_wait3A_68 : memref<1x128x128xf32, #tpu.memory_space<vmem>> -> memref<128x128xf32, #tpu.memory_space<vmem>>
      %dma_wait3A_70 = arith.constant 0 : i32
      %dma_wait3A_71 = tpu.memref_slice %arg5[%dma_wait3A_70] : memref<9984xi32, #tpu.memory_space<vmem>> -> memref<128xi32, #tpu.memory_space<vmem>>
      %dma_wait3A_72 = arith.constant 0 : i32
      %dma_wait3A_73 = arith.constant 0 : i32
      %dma_wait3A_74 = tpu.memref_slice %arg2[%dma_wait3A_72, %dma_wait3A_73] : memref<100000x128xf32, #tpu.memory_space<hbm>> -> memref<100000x128xf32, #tpu.memory_space<hbm>>
      tpu.wait_indirect_dma semaphore(%arg10 : memref<!tpu.dma_semaphore, #tpu.memory_space<semaphore_mem>>) src(%dma_wait3A_74 : memref<100000x128xf32, #tpu.memory_space<hbm>>) dst(%dma_wait3A_69 : memref<128x128xf32, #tpu.memory_space<vmem>>)
      %add3A_75 = arith.constant 2 : i32
      %add3A_76 = arith.addi %add3A_34, %add3A_75 : i32
      %add3A_77 = arith.constant 3 : i32
      %add3A_78 = arith.addi %add3A_76, %add3A_77 : i32
      %sub3A_79 = arith.constant 1 : i32
      %sub3A_80 = arith.subi %add3A_78, %sub3A_79 : i32
      %lt3A_81 = arith.constant 78 : i32
      %lt3A_82 = arith.cmpi slt, %sub3A_80, %lt3A_81 : i32
      %convert_element_type3A_83 = arith.extui %lt3A_82 : i1 to i32
      %cond3A_84 = arith.constant 0 : i32
      %cond3A_85 = arith.cmpi ne, %convert_element_type3A_83, %cond3A_84 : i32
      scf.if %cond3A_85 {
        %mul3A_96 = arith.constant 128 : i32
        %mul3A_97 = arith.muli %sub3A_80, %mul3A_96 : i32
        %dma_start3A_98 = arith.constant 1 : i32
        %dma_start3A_99 = arith.constant 0 : i32
        %dma_start3A_100 = arith.constant 0 : i32
        %dma_start3A_101 = tpu.memref_slice %arg7[%dma_start3A_98, %dma_start3A_99, %dma_start3A_100] : memref<3x128x128xf32, #tpu.memory_space<vmem>> -> memref<1x128x128xf32, #tpu.memory_space<vmem>>
        %dma_start3A_102 = tpu.memref_squeeze %dma_start3A_101 : memref<1x128x128xf32, #tpu.memory_space<vmem>> -> memref<128x128xf32, #tpu.memory_space<vmem>>
        %dma_start3A_103 = tpu.memref_slice %arg5[%mul3A_97] : memref<9984xi32, #tpu.memory_space<vmem>> -> memref<128xi32, #tpu.memory_space<vmem>>
        %dma_start3A_104 = arith.constant 0 : i32
        %dma_start3A_105 = arith.constant 0 : i32
        %dma_start3A_106 = tpu.memref_slice %arg2[%dma_start3A_104, %dma_start3A_105] : memref<100000x128xf32, #tpu.memory_space<hbm>> -> memref<100000x128xf32, #tpu.memory_space<hbm>>
        tpu.enqueue_indirect_dma source(%dma_start3A_106 : memref<100000x128xf32, #tpu.memory_space<hbm>>) target(%dma_start3A_102 : memref<128x128xf32, #tpu.memory_space<vmem>>) offsets(%dma_start3A_103 : memref<128xi32, #tpu.memory_space<vmem>>) semaphore(%arg10 : memref<!tpu.dma_semaphore, #tpu.memory_space<semaphore_mem>>)
      } else {
      }
      %dma_wait3A_86 = arith.constant 2 : i32
      %dma_wait3A_87 = arith.constant 0 : i32
      %dma_wait3A_88 = arith.constant 0 : i32
      %dma_wait3A_89 = tpu.memref_slice %arg7[%dma_wait3A_86, %dma_wait3A_87, %dma_wait3A_88] : memref<3x128x128xf32, #tpu.memory_space<vmem>> -> memref<1x128x128xf32, #tpu.memory_space<vmem>>
      %dma_wait3A_90 = tpu.memref_squeeze %dma_wait3A_89 : memref<1x128x128xf32, #tpu.memory_space<vmem>> -> memref<128x128xf32, #tpu.memory_space<vmem>>
      %dma_wait3A_91 = arith.constant 0 : i32
      %dma_wait3A_92 = tpu.memref_slice %arg5[%dma_wait3A_91] : memref<9984xi32, #tpu.memory_space<vmem>> -> memref<128xi32, #tpu.memory_space<vmem>>
      %dma_wait3A_93 = arith.constant 0 : i32
      %dma_wait3A_94 = arith.constant 0 : i32
      %dma_wait3A_95 = tpu.memref_slice %arg2[%dma_wait3A_93, %dma_wait3A_94] : memref<100000x128xf32, #tpu.memory_space<hbm>> -> memref<100000x128xf32, #tpu.memory_space<hbm>>
      tpu.wait_indirect_dma semaphore(%arg11 : memref<!tpu.dma_semaphore, #tpu.memory_space<semaphore_mem>>) src(%dma_wait3A_95 : memref<100000x128xf32, #tpu.memory_space<hbm>>) dst(%dma_wait3A_90 : memref<128x128xf32, #tpu.memory_space<vmem>>)
    }
    %scan3A_27 = arith.constant 26 : i32
    "tpu.region"() ({
      %run_scoped3A = tpu.sem_alloc : memref<!tpu.dma_semaphore, #tpu.memory_space<semaphore_mem>>
      %dma_start3A_30 = arith.constant 0 : i32
      %dma_start3A_31 = tpu.memref_slice %arg4[%mul3A_2, %dma_start3A_30] : memref<10000x128xf32, #tpu.memory_space<hbm>> -> memref<312x128xf32, #tpu.memory_space<hbm>>
      %dma_start3A_32 = arith.constant 0 : i32
      %dma_start3A_33 = tpu.memref_slice %arg4[%mul3A_2, %dma_start3A_32] : memref<10000x128xf32, #tpu.memory_space<hbm>> -> memref<312x128xf32, #tpu.memory_space<hbm>>
      tpu.enqueue_dma source(%arg8 : memref<312x128xf32, #tpu.memory_space<vmem>>) target(%dma_start3A_33 : memref<312x128xf32, #tpu.memory_space<hbm>>) target_semaphore(%run_scoped3A : memref<!tpu.dma_semaphore, #tpu.memory_space<semaphore_mem>>)
      %dma_wait3A = arith.constant 0 : i32
      %dma_wait3A_34 = tpu.memref_slice %arg4[%mul3A_2, %dma_wait3A] : memref<10000x128xf32, #tpu.memory_space<hbm>> -> memref<312x128xf32, #tpu.memory_space<hbm>>
      %dma_wait3A_35 = arith.constant 0 : i32
      %dma_wait3A_36 = tpu.memref_slice %arg4[%mul3A_2, %dma_wait3A_35] : memref<10000x128xf32, #tpu.memory_space<hbm>> -> memref<312x128xf32, #tpu.memory_space<hbm>>
      tpu.wait_dma2 semaphore(%run_scoped3A : memref<!tpu.dma_semaphore, #tpu.memory_space<semaphore_mem>>) src(%arg8 : memref<312x128xf32, #tpu.memory_space<vmem>>) dst(%dma_wait3A_36 : memref<312x128xf32, #tpu.memory_space<hbm>>)
      tpu.yield
    }) : () -> ()
    %lt3A = arith.constant 16 : i32
    %lt3A_28 = arith.cmpi slt, %add3A, %lt3A : i32
    %convert_element_type3A = arith.extui %lt3A_28 : i1 to i32
    %cond3A = arith.constant 0 : i32
    %cond3A_29 = arith.cmpi ne, %convert_element_type3A, %cond3A : i32
    scf.if %cond3A_29 {
      %add3A_30 = arith.constant 9984 : i32
      %add3A_31 = arith.addi %add3A_30, %add3A : i32
      %mul3A_32 = arith.constant 32 : i32
      %mul3A_33 = arith.muli %add3A_31, %mul3A_32 : i32
      "tpu.region"() ({
        %run_scoped3A_2141 = tpu.sem_alloc : memref<!tpu.dma_semaphore, #tpu.memory_space<semaphore_mem>>
        %dma_start3A_2142 = tpu.memref_slice %arg3[%mul3A_33] : memref<320000xi32, #tpu.memory_space<hbm>> -> memref<32xi32, #tpu.memory_space<hbm>>
        %dma_start3A_2143 = tpu.memref_slice %arg3[%mul3A_33] : memref<320000xi32, #tpu.memory_space<hbm>> -> memref<32xi32, #tpu.memory_space<hbm>>
        tpu.enqueue_dma source(%dma_start3A_2143 : memref<32xi32, #tpu.memory_space<hbm>>) target(%arg6 : memref<32xi32, #tpu.memory_space<vmem>>) target_semaphore(%run_scoped3A_2141 : memref<!tpu.dma_semaphore, #tpu.memory_space<semaphore_mem>>)
        %dma_wait3A_2144 = tpu.memref_slice %arg3[%mul3A_33] : memref<320000xi32, #tpu.memory_space<hbm>> -> memref<32xi32, #tpu.memory_space<hbm>>
        %dma_wait3A_2145 = tpu.memref_slice %arg3[%mul3A_33] : memref<320000xi32, #tpu.memory_space<hbm>> -> memref<32xi32, #tpu.memory_space<hbm>>
        tpu.wait_dma2 semaphore(%run_scoped3A_2141 : memref<!tpu.dma_semaphore, #tpu.memory_space<semaphore_mem>>) src(%dma_wait3A_2145 : memref<32xi32, #tpu.memory_space<hbm>>) dst(%arg6 : memref<32xi32, #tpu.memory_space<vmem>>)
        tpu.yield
      }) : () -> ()
      %dma_start3A_34 = arith.constant 0 : i32
      %dma_start3A_35 = arith.constant 0 : i32
      %dma_start3A_36 = arith.constant 0 : i32
      %dma_start3A_37 = tpu.memref_slice %arg7[%dma_start3A_34, %dma_start3A_35, %dma_start3A_36] : memref<3x128x128xf32, #tpu.memory_space<vmem>> -> memref<1x128x128xf32, #tpu.memory_space<vmem>>
      %dma_start3A_38 = tpu.memref_squeeze %dma_start3A_37 : memref<1x128x128xf32, #tpu.memory_space<vmem>> -> memref<128x128xf32, #tpu.memory_space<vmem>>
      %dma_start3A_39 = arith.constant 0 : i32
      %dma_start3A_40 = arith.constant 0 : i32
      %dma_start3A_41 = tpu.memref_slice %dma_start3A_38[%dma_start3A_39, %dma_start3A_40] : memref<128x128xf32, #tpu.memory_space<vmem>> -> memref<32x128xf32, #tpu.memory_space<vmem>>
      %dma_start3A_42 = arith.constant 0 : i32
      %dma_start3A_43 = arith.constant 0 : i32
      %dma_start3A_44 = tpu.memref_slice %arg2[%dma_start3A_42, %dma_start3A_43] : memref<100000x128xf32, #tpu.memory_space<hbm>> -> memref<100000x128xf32, #tpu.memory_space<hbm>>
      tpu.enqueue_indirect_dma source(%dma_start3A_44 : memref<100000x128xf32, #tpu.memory_space<hbm>>) target(%dma_start3A_41 : memref<32x128xf32, #tpu.memory_space<vmem>>) offsets(%arg6 : memref<32xi32, #tpu.memory_space<vmem>>) semaphore(%arg9 : memref<!tpu.dma_semaphore, #tpu.memory_space<semaphore_mem>>)
      %dma_wait3A = arith.constant 0 : i32
      %dma_wait3A_45 = arith.constant 0 : i32
      %dma_wait3A_46 = arith.constant 0 : i32
      %dma_wait3A_47 = tpu.memref_slice %arg7[%dma_wait3A, %dma_wait3A_45, %dma_wait3A_46] : memref<3x128x128xf32, #tpu.memory_space<vmem>> -> memref<1x128x128xf32, #tpu.memory_space<vmem>>
      %dma_wait3A_48 = tpu.memref_squeeze %dma_wait3A_47 : memref<1x128x128xf32, #tpu.memory_space<vmem>> -> memref<128x128xf32, #tpu.memory_space<vmem>>
      %dma_wait3A_49 = arith.constant 0 : i32
      %dma_wait3A_50 = arith.constant 0 : i32
      %dma_wait3A_51 = tpu.memref_slice %dma_wait3A_48[%dma_wait3A_49, %dma_wait3A_50] : memref<128x128xf32, #tpu.memory_space<vmem>> -> memref<32x128xf32, #tpu.memory_space<vmem>>
      %dma_wait3A_52 = arith.constant 0 : i32
      %dma_wait3A_53 = arith.constant 0 : i32
      %dma_wait3A_54 = tpu.memref_slice %arg2[%dma_wait3A_52, %dma_wait3A_53] : memref<100000x128xf32, #tpu.memory_space<hbm>> -> memref<100000x128xf32, #tpu.memory_space<hbm>>
      tpu.wait_indirect_dma semaphore(%arg9 : memref<!tpu.dma_semaphore, #tpu.memory_space<semaphore_mem>>) src(%dma_wait3A_54 : memref<100000x128xf32, #tpu.memory_space<hbm>>) dst(%dma_wait3A_51 : memref<32x128xf32, #tpu.memory_space<vmem>>)
      %get3A = arith.constant 0 : i32
      %get3A_55 = arith.constant 0 : i32
      %get3A_56 = arith.index_cast %get3A : i32 to index
      %get3A_57 = arith.index_cast %get3A_55 : i32 to index
      %get3A_58 = arith.constant 0 : index
      %get3A_59 = tpu.vector_load %arg7[%get3A_56, %get3A_57, %get3A_58] {strides = array<i32>} : memref<3x128x128xf32, #tpu.memory_space<vmem>>, vector<1x1x16xf32>,
      %get3A_60 = vector.shape_cast %get3A_59 : vector<1x1x16xf32> to vector<16xf32>
      %get3A_61 = arith.constant 0 : i32
      %get3A_62 = arith.constant 1 : i32
      %get3A_63 = arith.index_cast %get3A_61 : i32 to index
      %get3A_64 = arith.index_cast %get3A_62 : i32 to index
      %get3A_65 = arith.constant 0 : index
      %get3A_66 = tpu.vector_load %arg7[%get3A_63, %get3A_64, %get3A_65] {strides = array<i32>} : memref<3x128x128xf32, #tpu.memory_space<vmem>>, vector<1x1x16xf32>,
      %get3A_67 = vector.shape_cast %get3A_66 : vector<1x1x16xf32> to vector<16xf32>
      %add3A_68 = arith.addf %get3A_60, %get3A_67 : vector<16xf32>
      %get3A_69 = arith.constant 0 : i32
      %get3A_70 = arith.constant 2 : i32
      %get3A_71 = arith.index_cast %get3A_69 : i32 to index
      %get3A_72 = arith.index_cast %get3A_70 : i32 to index
      %get3A_73 = arith.constant 0 : index
      %get3A_74 = tpu.vector_load %arg7[%get3A_71, %get3A_72, %get3A_73] {strides = array<i32>} : memref<3x128x128xf32, #tpu.memory_space<vmem>>, vector<1x1x16xf32>,
      %get3A_75 = vector.shape_cast %get3A_74 : vector<1x1x16xf32> to vector<16xf32>
      %add3A_76 = arith.addf %add3A_68, %get3A_75 : vector<16xf32>
      %get3A_77 = arith.constant 0 : i32
      %get3A_78 = arith.constant 3 : i32
      %get3A_79 = arith.index_cast %get3A_77 : i32 to index
      %get3A_80 = arith.index_cast %get3A_78 : i32 to index
      %get3A_81 = arith.constant 0 : index
      %get3A_82 = tpu.vector_load %arg7[%get3A_79, %get3A_80, %get3A_81] {strides = array<i32>} : memref<3x128x128xf32, #tpu.memory_space<vmem>>, vector<1x1x16xf32>,
      %get3A_83 = vector.shape_cast %get3A_82 : vector<1x1x16xf32> to vector<16xf32>
      %add3A_84 = arith.addf %add3A_76, %get3A_83 : vector<16xf32>
      %get3A_85 = arith.constant 0 : i32
      %get3A_86 = arith.constant 4 : i32
      %get3A_87 = arith.index_cast %get3A_85 : i32 to index
      %get3A_88 = arith.index_cast %get3A_86 : i32 to index
      %get3A_89 = arith.constant 0 : index
      %get3A_90 = tpu.vector_load %arg7[%get3A_87, %get3A_88, %get3A_89] {strides = array<i32>} : memref<3x128x128xf32, #tpu.memory_space<vmem>>, vector<1x1x16xf32>,
      %get3A_91 = vector.shape_cast %get3A_90 : vector<1x1x16xf32> to vector<16xf32>
      %add3A_92 = arith.addf %add3A_84, %get3A_91 : vector<16xf32>
      %get3A_93 = arith.constant 0 : i32
      %get3A_94 = arith.constant 5 : i32
      %get3A_95 = arith.index_cast %get3A_93 : i32 to index
      %get3A_96 = arith.index_cast %get3A_94 : i32 to index
      %get3A_97 = arith.constant 0 : index
      %get3A_98 = tpu.vector_load %arg7[%get3A_95, %get3A_96, %get3A_97] {strides = array<i32>} : memref<3x128x128xf32, #tpu.memory_space<vmem>>, vector<1x1x16xf32>,
      %get3A_99 = vector.shape_cast %get3A_98 : vector<1x1x16xf32> to vector<16xf32>
      %add3A_100 = arith.addf %add3A_92, %get3A_99 : vector<16xf32>
      %get3A_101 = arith.constant 0 : i32
      %get3A_102 = arith.constant 6 : i32
      %get3A_103 = arith.index_cast %get3A_101 : i32 to index
      %get3A_104 = arith.index_cast %get3A_102 : i32 to index
      %get3A_105 = arith.constant 0 : index
      %get3A_106 = tpu.vector_load %arg7[%get3A_103, %get3A_104, %get3A_105] {strides = array<i32>} : memref<3x128x128xf32, #tpu.memory_space<vmem>>, vector<1x1x16xf32>,
      %get3A_107 = vector.shape_cast %get3A_106 : vector<1x1x16xf32> to vector<16xf32>
      %add3A_108 = arith.addf %add3A_100, %get3A_107 : vector<16xf32>
      %get3A_109 = arith.constant 0 : i32
      %get3A_110 = arith.constant 7 : i32
      %get3A_111 = arith.index_cast %get3A_109 : i32 to index
      %get3A_112 = arith.index_cast %get3A_110 : i32 to index
      %get3A_113 = arith.constant 0 : index
      %get3A_114 = tpu.vector_load %arg7[%get3A_111, %get3A_112, %get3A_113] {strides = array<i32>} : memref<3x128x128xf32, #tpu.memory_space<vmem>>, vector<1x1x16xf32>,
      %get3A_115 = vector.shape_cast %get3A_114 : vector<1x1x16xf32> to vector<16xf32>
      %add3A_116 = arith.addf %add3A_108, %get3A_115 : vector<16xf32>
      %get3A_117 = arith.constant 0 : i32
      %get3A_118 = arith.constant 8 : i32
      %get3A_119 = arith.index_cast %get3A_117 : i32 to index
      %get3A_120 = arith.index_cast %get3A_118 : i32 to index
      %get3A_121 = arith.constant 0 : index
      %get3A_122 = tpu.vector_load %arg7[%get3A_119, %get3A_120, %get3A_121] {strides = array<i32>} : memref<3x128x128xf32, #tpu.memory_space<vmem>>, vector<1x1x16xf32>,
      %get3A_123 = vector.shape_cast %get3A_122 : vector<1x1x16xf32> to vector<16xf32>
      %add3A_124 = arith.addf %add3A_116, %get3A_123 : vector<16xf32>
      %get3A_125 = arith.constant 0 : i32
      %get3A_126 = arith.constant 9 : i32
      %get3A_127 = arith.index_cast %get3A_125 : i32 to index
      %get3A_128 = arith.index_cast %get3A_126 : i32 to index
      %get3A_129 = arith.constant 0 : index
      %get3A_130 = tpu.vector_load %arg7[%get3A_127, %get3A_128, %get3A_129] {strides = array<i32>} : memref<3x128x128xf32, #tpu.memory_space<vmem>>, vector<1x1x16xf32>,
      %get3A_131 = vector.shape_cast %get3A_130 : vector<1x1x16xf32> to vector<16xf32>
      %add3A_132 = arith.addf %add3A_124, %get3A_131 : vector<16xf32>
      %get3A_133 = arith.constant 0 : i32
      %get3A_134 = arith.constant 10 : i32
      %get3A_135 = arith.index_cast %get3A_133 : i32 to index
      %get3A_136 = arith.index_cast %get3A_134 : i32 to index
      %get3A_137 = arith.constant 0 : index
      %get3A_138 = tpu.vector_load %arg7[%get3A_135, %get3A_136, %get3A_137] {strides = array<i32>} : memref<3x128x128xf32, #tpu.memory_space<vmem>>, vector<1x1x16xf32>,
      %get3A_139 = vector.shape_cast %get3A_138 : vector<1x1x16xf32> to vector<16xf32>
      %add3A_140 = arith.addf %add3A_132, %get3A_139 : vector<16xf32>
      %get3A_141 = arith.constant 0 : i32
      %get3A_142 = arith.constant 11 : i32
      %get3A_143 = arith.index_cast %get3A_141 : i32 to index
      %get3A_144 = arith.index_cast %get3A_142 : i32 to index
      %get3A_145 = arith.constant 0 : index
      %get3A_146 = tpu.vector_load %arg7[%get3A_143, %get3A_144, %get3A_145] {strides = array<i32>} : memref<3x128x128xf32, #tpu.memory_space<vmem>>, vector<1x1x16xf32>,
      %get3A_147 = vector.shape_cast %get3A_146 : vector<1x1x16xf32> to vector<16xf32>
      %add3A_148 = arith.addf %add3A_140, %get3A_147 : vector<16xf32>
      %get3A_149 = arith.constant 0 : i32
      %get3A_150 = arith.constant 12 : i32
      %get3A_151 = arith.index_cast %get3A_149 : i32 to index
      %get3A_152 = arith.index_cast %get3A_150 : i32 to index
      %get3A_153 = arith.constant 0 : index
      %get3A_154 = tpu.vector_load %arg7[%get3A_151, %get3A_152, %get3A_153] {strides = array<i32>} : memref<3x128x128xf32, #tpu.memory_space<vmem>>, vector<1x1x16xf32>,
      %get3A_155 = vector.shape_cast %get3A_154 : vector<1x1x16xf32> to vector<16xf32>
      %add3A_156 = arith.addf %add3A_148, %get3A_155 : vector<16xf32>
      %get3A_157 = arith.constant 0 : i32
      %get3A_158 = arith.constant 13 : i32
      %get3A_159 = arith.index_cast %get3A_157 : i32 to index
      %get3A_160 = arith.index_cast %get3A_158 : i32 to index
      %get3A_161 = arith.constant 0 : index
      %get3A_162 = tpu.vector_load %arg7[%get3A_159, %get3A_160, %get3A_161] {strides = array<i32>} : memref<3x128x128xf32, #tpu.memory_space<vmem>>, vector<1x1x16xf32>,
      %get3A_163 = vector.shape_cast %get3A_162 : vector<1x1x16xf32> to vector<16xf32>
      %add3A_164 = arith.addf %add3A_156, %get3A_163 : vector<16xf32>
      %get3A_165 = arith.constant 0 : i32
      %get3A_166 = arith.constant 14 : i32
      %get3A_167 = arith.index_cast %get3A_165 : i32 to index
      %get3A_168 = arith.index_cast %get3A_166 : i32 to index
      %get3A_169 = arith.constant 0 : index
      %get3A_170 = tpu.vector_load %arg7[%get3A_167, %get3A_168, %get3A_169] {strides = array<i32>} : memref<3x128x128xf32, #tpu.memory_space<vmem>>, vector<1x1x16xf32>,
      %get3A_171 = vector.shape_cast %get3A_170 : vector<1x1x16xf32> to vector<16xf32>
      %add3A_172 = arith.addf %add3A_164, %get3A_171 : vector<16xf32>
      %get3A_173 = arith.constant 0 : i32
      %get3A_174 = arith.constant 15 : i32
      %get3A_175 = arith.index_cast %get3A_173 : i32 to index
      %get3A_176 = arith.index_cast %get3A_174 : i32 to index
      %get3A_177 = arith.constant 0 : index
      %get3A_178 = tpu.vector_load %arg7[%get3A_175, %get3A_176, %get3A_177] {strides = array<i32>} : memref<3x128x128xf32, #tpu.memory_space<vmem>>, vector<1x1x16xf32>,
      %get3A_179 = vector.shape_cast %get3A_178 : vector<1x1x16xf32> to vector<16xf32>
      %add3A_180 = arith.addf %add3A_172, %get3A_179 : vector<16xf32>
      %get3A_181 = arith.constant 0 : i32
      %get3A_182 = arith.constant 16 : i32
      %get3A_183 = arith.index_cast %get3A_181 : i32 to index
      %get3A_184 = arith.index_cast %get3A_182 : i32 to index
      %get3A_185 = arith.constant 0 : index
      %get3A_186 = tpu.vector_load %arg7[%get3A_183, %get3A_184, %get3A_185] {strides = array<i32>} : memref<3x128x128xf32, #tpu.memory_space<vmem>>, vector<1x1x16xf32>,
      %get3A_187 = vector.shape_cast %get3A_186 : vector<1x1x16xf32> to vector<16xf32>
      %add3A_188 = arith.addf %add3A_180, %get3A_187 : vector<16xf32>
      %get3A_189 = arith.constant 0 : i32
      %get3A_190 = arith.constant 17 : i32
      %get3A_191 = arith.index_cast %get3A_189 : i32 to index
      %get3A_192 = arith.index_cast %get3A_190 : i32 to index
      %get3A_193 = arith.constant 0 : index
      %get3A_194 = tpu.vector_load %arg7[%get3A_191, %get3A_192, %get3A_193] {strides = array<i32>} : memref<3x128x128xf32, #tpu.memory_space<vmem>>, vector<1x1x16xf32>,
      %get3A_195 = vector.shape_cast %get3A_194 : vector<1x1x16xf32> to vector<16xf32>
      %add3A_196 = arith.addf %add3A_188, %get3A_195 : vector<16xf32>
      %get3A_197 = arith.constant 0 : i32
      %get3A_198 = arith.constant 18 : i32
      %get3A_199 = arith.index_cast %get3A_197 : i32 to index
      %get3A_200 = arith.index_cast %get3A_198 : i32 to index
      %get3A_201 = arith.constant 0 : index
      %get3A_202 = tpu.vector_load %arg7[%get3A_199, %get3A_200, %get3A_201] {strides = array<i32>} : memref<3x128x128xf32, #tpu.memory_space<vmem>>, vector<1x1x16xf32>,
      %get3A_203 = vector.shape_cast %get3A_202 : vector<1x1x16xf32> to vector<16xf32>
      %add3A_204 = arith.addf %add3A_196, %get3A_203 : vector<16xf32>
      %get3A_205 = arith.constant 0 : i32
      %get3A_206 = arith.constant 19 : i32
      %get3A_207 = arith.index_cast %get3A_205 : i32 to index
      %get3A_208 = arith.index_cast %get3A_206 : i32 to index
      %get3A_209 = arith.constant 0 : index
      %get3A_210 = tpu.vector_load %arg7[%get3A_207, %get3A_208, %get3A_209] {strides = array<i32>} : memref<3x128x128xf32, #tpu.memory_space<vmem>>, vector<1x1x16xf32>,
      %get3A_211 = vector.shape_cast %get3A_210 : vector<1x1x16xf32> to vector<16xf32>
      %add3A_212 = arith.addf %add3A_204, %get3A_211 : vector<16xf32>
      %get3A_213 = arith.constant 0 : i32
      %get3A_214 = arith.constant 20 : i32
      %get3A_215 = arith.index_cast %get3A_213 : i32 to index
      %get3A_216 = arith.index_cast %get3A_214 : i32 to index
      %get3A_217 = arith.constant 0 : index
      %get3A_218 = tpu.vector_load %arg7[%get3A_215, %get3A_216, %get3A_217] {strides = array<i32>} : memref<3x128x128xf32, #tpu.memory_space<vmem>>, vector<1x1x16xf32>,
      %get3A_219 = vector.shape_cast %get3A_218 : vector<1x1x16xf32> to vector<16xf32>
      %add3A_220 = arith.addf %add3A_212, %get3A_219 : vector<16xf32>
      %get3A_221 = arith.constant 0 : i32
      %get3A_222 = arith.constant 21 : i32
      %get3A_223 = arith.index_cast %get3A_221 : i32 to index
      %get3A_224 = arith.index_cast %get3A_222 : i32 to index
      %get3A_225 = arith.constant 0 : index
      %get3A_226 = tpu.vector_load %arg7[%get3A_223, %get3A_224, %get3A_225] {strides = array<i32>} : memref<3x128x128xf32, #tpu.memory_space<vmem>>, vector<1x1x16xf32>,
      %get3A_227 = vector.shape_cast %get3A_226 : vector<1x1x16xf32> to vector<16xf32>
      %add3A_228 = arith.addf %add3A_220, %get3A_227 : vector<16xf32>
      %get3A_229 = arith.constant 0 : i32
      %get3A_230 = arith.constant 22 : i32
      %get3A_231 = arith.index_cast %get3A_229 : i32 to index
      %get3A_232 = arith.index_cast %get3A_230 : i32 to index
      %get3A_233 = arith.constant 0 : index
      %get3A_234 = tpu.vector_load %arg7[%get3A_231, %get3A_232, %get3A_233] {strides = array<i32>} : memref<3x128x128xf32, #tpu.memory_space<vmem>>, vector<1x1x16xf32>,
      %get3A_235 = vector.shape_cast %get3A_234 : vector<1x1x16xf32> to vector<16xf32>
      %add3A_236 = arith.addf %add3A_228, %get3A_235 : vector<16xf32>
      %get3A_237 = arith.constant 0 : i32
      %get3A_238 = arith.constant 23 : i32
      %get3A_239 = arith.index_cast %get3A_237 : i32 to index
      %get3A_240 = arith.index_cast %get3A_238 : i32 to index
      %get3A_241 = arith.constant 0 : index
      %get3A_242 = tpu.vector_load %arg7[%get3A_239, %get3A_240, %get3A_241] {strides = array<i32>} : memref<3x128x128xf32, #tpu.memory_space<vmem>>, vector<1x1x16xf32>,
      %get3A_243 = vector.shape_cast %get3A_242 : vector<1x1x16xf32> to vector<16xf32>
      %add3A_244 = arith.addf %add3A_236, %get3A_243 : vector<16xf32>
      %get3A_245 = arith.constant 0 : i32
      %get3A_246 = arith.constant 24 : i32
      %get3A_247 = arith.index_cast %get3A_245 : i32 to index
      %get3A_248 = arith.index_cast %get3A_246 : i32 to index
      %get3A_249 = arith.constant 0 : index
      %get3A_250 = tpu.vector_load %arg7[%get3A_247, %get3A_248, %get3A_249] {strides = array<i32>} : memref<3x128x128xf32, #tpu.memory_space<vmem>>, vector<1x1x16xf32>,
      %get3A_251 = vector.shape_cast %get3A_250 : vector<1x1x16xf32> to vector<16xf32>
      %add3A_252 = arith.addf %add3A_244, %get3A_251 : vector<16xf32>
      %get3A_253 = arith.constant 0 : i32
      %get3A_254 = arith.constant 25 : i32
      %get3A_255 = arith.index_cast %get3A_253 : i32 to index
      %get3A_256 = arith.index_cast %get3A_254 : i32 to index
      %get3A_257 = arith.constant 0 : index
      %get3A_258 = tpu.vector_load %arg7[%get3A_255, %get3A_256, %get3A_257] {strides = array<i32>} : memref<3x128x128xf32, #tpu.memory_space<vmem>>, vector<1x1x16xf32>,
      %get3A_259 = vector.shape_cast %get3A_258 : vector<1x1x16xf32> to vector<16xf32>
      %add3A_260 = arith.addf %add3A_252, %get3A_259 : vector<16xf32>
      %get3A_261 = arith.constant 0 : i32
      %get3A_262 = arith.constant 26 : i32
      %get3A_263 = arith.index_cast %get3A_261 : i32 to index
      %get3A_264 = arith.index_cast %get3A_262 : i32 to index
      %get3A_265 = arith.constant 0 : index
      %get3A_266 = tpu.vector_load %arg7[%get3A_263, %get3A_264, %get3A_265] {strides = array<i32>} : memref<3x128x128xf32, #tpu.memory_space<vmem>>, vector<1x1x16xf32>,
      %get3A_267 = vector.shape_cast %get3A_266 : vector<1x1x16xf32> to vector<16xf32>
      %add3A_268 = arith.addf %add3A_260, %get3A_267 : vector<16xf32>
      %get3A_269 = arith.constant 0 : i32
      %get3A_270 = arith.constant 27 : i32
      %get3A_271 = arith.index_cast %get3A_269 : i32 to index
      %get3A_272 = arith.index_cast %get3A_270 : i32 to index
      %get3A_273 = arith.constant 0 : index
      %get3A_274 = tpu.vector_load %arg7[%get3A_271, %get3A_272, %get3A_273] {strides = array<i32>} : memref<3x128x128xf32, #tpu.memory_space<vmem>>, vector<1x1x16xf32>,
      %get3A_275 = vector.shape_cast %get3A_274 : vector<1x1x16xf32> to vector<16xf32>
      %add3A_276 = arith.addf %add3A_268, %get3A_275 : vector<16xf32>
      %get3A_277 = arith.constant 0 : i32
      %get3A_278 = arith.constant 28 : i32
      %get3A_279 = arith.index_cast %get3A_277 : i32 to index
      %get3A_280 = arith.index_cast %get3A_278 : i32 to index
      %get3A_281 = arith.constant 0 : index
      %get3A_282 = tpu.vector_load %arg7[%get3A_279, %get3A_280, %get3A_281] {strides = array<i32>} : memref<3x128x128xf32, #tpu.memory_space<vmem>>, vector<1x1x16xf32>,
      %get3A_283 = vector.shape_cast %get3A_282 : vector<1x1x16xf32> to vector<16xf32>
      %add3A_284 = arith.addf %add3A_276, %get3A_283 : vector<16xf32>
      %get3A_285 = arith.constant 0 : i32
      %get3A_286 = arith.constant 29 : i32
      %get3A_287 = arith.index_cast %get3A_285 : i32 to index
      %get3A_288 = arith.index_cast %get3A_286 : i32 to index
      %get3A_289 = arith.constant 0 : index
      %get3A_290 = tpu.vector_load %arg7[%get3A_287, %get3A_288, %get3A_289] {strides = array<i32>} : memref<3x128x128xf32, #tpu.memory_space<vmem>>, vector<1x1x16xf32>,
      %get3A_291 = vector.shape_cast %get3A_290 : vector<1x1x16xf32> to vector<16xf32>
      %add3A_292 = arith.addf %add3A_284, %get3A_291 : vector<16xf32>
      %get3A_293 = arith.constant 0 : i32
      %get3A_294 = arith.constant 30 : i32
      %get3A_295 = arith.index_cast %get3A_293 : i32 to index
      %get3A_296 = arith.index_cast %get3A_294 : i32 to index
      %get3A_297 = arith.constant 0 : index
      %get3A_298 = tpu.vector_load %arg7[%get3A_295, %get3A_296, %get3A_297] {strides = array<i32>} : memref<3x128x128xf32, #tpu.memory_space<vmem>>, vector<1x1x16xf32>,
      %get3A_299 = vector.shape_cast %get3A_298 : vector<1x1x16xf32> to vector<16xf32>
      %add3A_300 = arith.addf %add3A_292, %get3A_299 : vector<16xf32>
      %get3A_301 = arith.constant 0 : i32
      %get3A_302 = arith.constant 31 : i32
      %get3A_303 = arith.index_cast %get3A_301 : i32 to index
      %get3A_304 = arith.index_cast %get3A_302 : i32 to index
      %get3A_305 = arith.constant 0 : index
      %get3A_306 = tpu.vector_load %arg7[%get3A_303, %get3A_304, %get3A_305] {strides = array<i32>} : memref<3x128x128xf32, #tpu.memory_space<vmem>>, vector<1x1x16xf32>,
      %get3A_307 = vector.shape_cast %get3A_306 : vector<1x1x16xf32> to vector<16xf32>
      %add3A_308 = arith.addf %add3A_300, %get3A_307 : vector<16xf32>
      %swap3A = arith.constant 0 : i32
      %swap3A_309 = arith.index_cast %swap3A : i32 to index
      %swap3A_310 = arith.constant 0 : index
      %swap3A_311 = tpu.vector_load %arg8[%swap3A_309, %swap3A_310] {strides = array<i32>} : memref<312x128xf32, #tpu.memory_space<vmem>>, vector<1x16xf32>,
      %swap3A_312 = vector.shape_cast %swap3A_311 : vector<1x16xf32> to vector<16xf32>
      %swap3A_313 = vector.shape_cast %add3A_308 : vector<16xf32> to vector<1x16xf32>
      tpu.vector_store %arg8[%swap3A_309, %swap3A_310], %swap3A_313 {strides = array<i32>} : memref<312x128xf32, #tpu.memory_space<vmem>>, vector<1x16xf32>,
      %get3A_314 = arith.constant 0 : i32
      %get3A_315 = arith.constant 0 : i32
      %get3A_316 = arith.index_cast %get3A_314 : i32 to index
      %get3A_317 = arith.index_cast %get3A_315 : i32 to index
      %get3A_318 = arith.constant 16 : index
      %get3A_319 = tpu.vector_load %arg7[%get3A_316, %get3A_317, %get3A_318] {strides = array<i32>} : memref<3x128x128xf32, #tpu.memory_space<vmem>>, vector<1x1x16xf32>,
      %get3A_320 = vector.shape_cast %get3A_319 : vector<1x1x16xf32> to vector<16xf32>
      %get3A_321 = arith.constant 0 : i32
      %get3A_322 = arith.constant 1 : i32
      %get3A_323 = arith.index_cast %get3A_321 : i32 to index
      %get3A_324 = arith.index_cast %get3A_322 : i32 to index
      %get3A_325 = arith.constant 16 : index
      %get3A_326 = tpu.vector_load %arg7[%get3A_323, %get3A_324, %get3A_325] {strides = array<i32>} : memref<3x128x128xf32, #tpu.memory_space<vmem>>, vector<1x1x16xf32>,
      %get3A_327 = vector.shape_cast %get3A_326 : vector<1x1x16xf32> to vector<16xf32>
      %add3A_328 = arith.addf %get3A_320, %get3A_327 : vector<16xf32>
      %get3A_329 = arith.constant 0 : i32
      %get3A_330 = arith.constant 2 : i32
      %get3A_331 = arith.index_cast %get3A_329 : i32 to index
      %get3A_332 = arith.index_cast %get3A_330 : i32 to index
      %get3A_333 = arith.constant 16 : index
      %get3A_334 = tpu.vector_load %arg7[%get3A_331, %get3A_332, %get3A_333] {strides = array<i32>} : memref<3x128x128xf32, #tpu.memory_space<vmem>>, vector<1x1x16xf32>,
      %get3A_335 = vector.shape_cast %get3A_334 : vector<1x1x16xf32> to vector<16xf32>
      %add3A_336 = arith.addf %add3A_328, %get3A_335 : vector<16xf32>
      %get3A_337 = arith.constant 0 : i32
      %get3A_338 = arith.constant 3 : i32
      %get3A_339 = arith.index_cast %get3A_337 : i32 to index
      %get3A_340 = arith.index_cast %get3A_338 : i32 to index
      %get3A_341 = arith.constant 16 : index
      %get3A_342 = tpu.vector_load %arg7[%get3A_339, %get3A_340, %get3A_341] {strides = array<i32>} : memref<3x128x128xf32, #tpu.memory_space<vmem>>, vector<1x1x16xf32>,
      %get3A_343 = vector.shape_cast %get3A_342 : vector<1x1x16xf32> to vector<16xf32>
      %add3A_344 = arith.addf %add3A_336, %get3A_343 : vector<16xf32>
      %get3A_345 = arith.constant 0 : i32
      %get3A_346 = arith.constant 4 : i32
      %get3A_347 = arith.index_cast %get3A_345 : i32 to index
      %get3A_348 = arith.index_cast %get3A_346 : i32 to index
      %get3A_349 = arith.constant 16 : index
      %get3A_350 = tpu.vector_load %arg7[%get3A_347, %get3A_348, %get3A_349] {strides = array<i32>} : memref<3x128x128xf32, #tpu.memory_space<vmem>>, vector<1x1x16xf32>,
      %get3A_351 = vector.shape_cast %get3A_350 : vector<1x1x16xf32> to vector<16xf32>
      %add3A_352 = arith.addf %add3A_344, %get3A_351 : vector<16xf32>
      %get3A_353 = arith.constant 0 : i32
      %get3A_354 = arith.constant 5 : i32
      %get3A_355 = arith.index_cast %get3A_353 : i32 to index
      %get3A_356 = arith.index_cast %get3A_354 : i32 to index
      %get3A_357 = arith.constant 16 : index
      %get3A_358 = tpu.vector_load %arg7[%get3A_355, %get3A_356, %get3A_357] {strides = array<i32>} : memref<3x128x128xf32, #tpu.memory_space<vmem>>, vector<1x1x16xf32>,
      %get3A_359 = vector.shape_cast %get3A_358 : vector<1x1x16xf32> to vector<16xf32>
      %add3A_360 = arith.addf %add3A_352, %get3A_359 : vector<16xf32>
      %get3A_361 = arith.constant 0 : i32
      %get3A_362 = arith.constant 6 : i32
      %get3A_363 = arith.index_cast %get3A_361 : i32 to index
      %get3A_364 = arith.index_cast %get3A_362 : i32 to index
      %get3A_365 = arith.constant 16 : index
      %get3A_366 = tpu.vector_load %arg7[%get3A_363, %get3A_364, %get3A_365] {strides = array<i32>} : memref<3x128x128xf32, #tpu.memory_space<vmem>>, vector<1x1x16xf32>,
      %get3A_367 = vector.shape_cast %get3A_366 : vector<1x1x16xf32> to vector<16xf32>
      %add3A_368 = arith.addf %add3A_360, %get3A_367 : vector<16xf32>
      %get3A_369 = arith.constant 0 : i32
      %get3A_370 = arith.constant 7 : i32
      %get3A_371 = arith.index_cast %get3A_369 : i32 to index
      %get3A_372 = arith.index_cast %get3A_370 : i32 to index
      %get3A_373 = arith.constant 16 : index
      %get3A_374 = tpu.vector_load %arg7[%get3A_371, %get3A_372, %get3A_373] {strides = array<i32>} : memref<3x128x128xf32, #tpu.memory_space<vmem>>, vector<1x1x16xf32>,
      %get3A_375 = vector.shape_cast %get3A_374 : vector<1x1x16xf32> to vector<16xf32>
      %add3A_376 = arith.addf %add3A_368, %get3A_375 : vector<16xf32>
      %get3A_377 = arith.constant 0 : i32
      %get3A_378 = arith.constant 8 : i32
      %get3A_379 = arith.index_cast %get3A_377 : i32 to index
      %get3A_380 = arith.index_cast %get3A_378 : i32 to index
      %get3A_381 = arith.constant 16 : index
      %get3A_382 = tpu.vector_load %arg7[%get3A_379, %get3A_380, %get3A_381] {strides = array<i32>} : memref<3x128x128xf32, #tpu.memory_space<vmem>>, vector<1x1x16xf32>,
      %get3A_383 = vector.shape_cast %get3A_382 : vector<1x1x16xf32> to vector<16xf32>
      %add3A_384 = arith.addf %add3A_376, %get3A_383 : vector<16xf32>
      %get3A_385 = arith.constant 0 : i32
      %get3A_386 = arith.constant 9 : i32
      %get3A_387 = arith.index_cast %get3A_385 : i32 to index
      %get3A_388 = arith.index_cast %get3A_386 : i32 to index
      %get3A_389 = arith.constant 16 : index
      %get3A_390 = tpu.vector_load %arg7[%get3A_387, %get3A_388, %get3A_389] {strides = array<i32>} : memref<3x128x128xf32, #tpu.memory_space<vmem>>, vector<1x1x16xf32>,
      %get3A_391 = vector.shape_cast %get3A_390 : vector<1x1x16xf32> to vector<16xf32>
      %add3A_392 = arith.addf %add3A_384, %get3A_391 : vector<16xf32>
      %get3A_393 = arith.constant 0 : i32
      %get3A_394 = arith.constant 10 : i32
      %get3A_395 = arith.index_cast %get3A_393 : i32 to index
      %get3A_396 = arith.index_cast %get3A_394 : i32 to index
      %get3A_397 = arith.constant 16 : index
      %get3A_398 = tpu.vector_load %arg7[%get3A_395, %get3A_396, %get3A_397] {strides = array<i32>} : memref<3x128x128xf32, #tpu.memory_space<vmem>>, vector<1x1x16xf32>,
      %get3A_399 = vector.shape_cast %get3A_398 : vector<1x1x16xf32> to vector<16xf32>
      %add3A_400 = arith.addf %add3A_392, %get3A_399 : vector<16xf32>
      %get3A_401 = arith.constant 0 : i32
      %get3A_402 = arith.constant 11 : i32
      %get3A_403 = arith.index_cast %get3A_401 : i32 to index
      %get3A_404 = arith.index_cast %get3A_402 : i32 to index
      %get3A_405 = arith.constant 16 : index
      %get3A_406 = tpu.vector_load %arg7[%get3A_403, %get3A_404, %get3A_405] {strides = array<i32>} : memref<3x128x128xf32, #tpu.memory_space<vmem>>, vector<1x1x16xf32>,
      %get3A_407 = vector.shape_cast %get3A_406 : vector<1x1x16xf32> to vector<16xf32>
      %add3A_408 = arith.addf %add3A_400, %get3A_407 : vector<16xf32>
      %get3A_409 = arith.constant 0 : i32
      %get3A_410 = arith.constant 12 : i32
      %get3A_411 = arith.index_cast %get3A_409 : i32 to index
      %get3A_412 = arith.index_cast %get3A_410 : i32 to index
      %get3A_413 = arith.constant 16 : index
      %get3A_414 = tpu.vector_load %arg7[%get3A_411, %get3A_412, %get3A_413] {strides = array<i32>} : memref<3x128x128xf32, #tpu.memory_space<vmem>>, vector<1x1x16xf32>,
      %get3A_415 = vector.shape_cast %get3A_414 : vector<1x1x16xf32> to vector<16xf32>
      %add3A_416 = arith.addf %add3A_408, %get3A_415 : vector<16xf32>
      %get3A_417 = arith.constant 0 : i32
      %get3A_418 = arith.constant 13 : i32
      %get3A_419 = arith.index_cast %get3A_417 : i32 to index
      %get3A_420 = arith.index_cast %get3A_418 : i32 to index
      %get3A_421 = arith.constant 16 : index
      %get3A_422 = tpu.vector_load %arg7[%get3A_419, %get3A_420, %get3A_421] {strides = array<i32>} : memref<3x128x128xf32, #tpu.memory_space<vmem>>, vector<1x1x16xf32>,
      %get3A_423 = vector.shape_cast %get3A_422 : vector<1x1x16xf32> to vector<16xf32>
      %add3A_424 = arith.addf %add3A_416, %get3A_423 : vector<16xf32>
      %get3A_425 = arith.constant 0 : i32
      %get3A_426 = arith.constant 14 : i32
      %get3A_427 = arith.index_cast %get3A_425 : i32 to index
      %get3A_428 = arith.index_cast %get3A_426 : i32 to index
      %get3A_429 = arith.constant 16 : index
      %get3A_430 = tpu.vector_load %arg7[%get3A_427, %get3A_428, %get3A_429] {strides = array<i32>} : memref<3x128x128xf32, #tpu.memory_space<vmem>>, vector<1x1x16xf32>,
      %get3A_431 = vector.shape_cast %get3A_430 : vector<1x1x16xf32> to vector<16xf32>
      %add3A_432 = arith.addf %add3A_424, %get3A_431 : vector<16xf32>
      %get3A_433 = arith.constant 0 : i32
      %get3A_434 = arith.constant 15 : i32
      %get3A_435 = arith.index_cast %get3A_433 : i32 to index
      %get3A_436 = arith.index_cast %get3A_434 : i32 to index
      %get3A_437 = arith.constant 16 : index
      %get3A_438 = tpu.vector_load %arg7[%get3A_435, %get3A_436, %get3A_437] {strides = array<i32>} : memref<3x128x128xf32, #tpu.memory_space<vmem>>, vector<1x1x16xf32>,
      %get3A_439 = vector.shape_cast %get3A_438 : vector<1x1x16xf32> to vector<16xf32>
      %add3A_440 = arith.addf %add3A_432, %get3A_439 : vector<16xf32>
      %get3A_441 = arith.constant 0 : i32
      %get3A_442 = arith.constant 16 : i32
      %get3A_443 = arith.index_cast %get3A_441 : i32 to index
      %get3A_444 = arith.index_cast %get3A_442 : i32 to index
      %get3A_445 = arith.constant 16 : index
      %get3A_446 = tpu.vector_load %arg7[%get3A_443, %get3A_444, %get3A_445] {strides = array<i32>} : memref<3x128x128xf32, #tpu.memory_space<vmem>>, vector<1x1x16xf32>,
      %get3A_447 = vector.shape_cast %get3A_446 : vector<1x1x16xf32> to vector<16xf32>
      %add3A_448 = arith.addf %add3A_440, %get3A_447 : vector<16xf32>
      %get3A_449 = arith.constant 0 : i32
      %get3A_450 = arith.constant 17 : i32
      %get3A_451 = arith.index_cast %get3A_449 : i32 to index
      %get3A_452 = arith.index_cast %get3A_450 : i32 to index
      %get3A_453 = arith.constant 16 : index
      %get3A_454 = tpu.vector_load %arg7[%get3A_451, %get3A_452, %get3A_453] {strides = array<i32>} : memref<3x128x128xf32, #tpu.memory_space<vmem>>, vector<1x1x16xf32>,
      %get3A_455 = vector.shape_cast %get3A_454 : vector<1x1x16xf32> to vector<16xf32>
      %add3A_456 = arith.addf %add3A_448, %get3A_455 : vector<16xf32>
      %get3A_457 = arith.constant 0 : i32
      %get3A_458 = arith.constant 18 : i32
      %get3A_459 = arith.index_cast %get3A_457 : i32 to index
      %get3A_460 = arith.index_cast %get3A_458 : i32 to index
      %get3A_461 = arith.constant 16 : index
      %get3A_462 = tpu.vector_load %arg7[%get3A_459, %get3A_460, %get3A_461] {strides = array<i32>} : memref<3x128x128xf32, #tpu.memory_space<vmem>>, vector<1x1x16xf32>,
      %get3A_463 = vector.shape_cast %get3A_462 : vector<1x1x16xf32> to vector<16xf32>
      %add3A_464 = arith.addf %add3A_456, %get3A_463 : vector<16xf32>
      %get3A_465 = arith.constant 0 : i32
      %get3A_466 = arith.constant 19 : i32
      %get3A_467 = arith.index_cast %get3A_465 : i32 to index
      %get3A_468 = arith.index_cast %get3A_466 : i32 to index
      %get3A_469 = arith.constant 16 : index
      %get3A_470 = tpu.vector_load %arg7[%get3A_467, %get3A_468, %get3A_469] {strides = array<i32>} : memref<3x128x128xf32, #tpu.memory_space<vmem>>, vector<1x1x16xf32>,
      %get3A_471 = vector.shape_cast %get3A_470 : vector<1x1x16xf32> to vector<16xf32>
      %add3A_472 = arith.addf %add3A_464, %get3A_471 : vector<16xf32>
      %get3A_473 = arith.constant 0 : i32
      %get3A_474 = arith.constant 20 : i32
      %get3A_475 = arith.index_cast %get3A_473 : i32 to index
      %get3A_476 = arith.index_cast %get3A_474 : i32 to index
      %get3A_477 = arith.constant 16 : index
      %get3A_478 = tpu.vector_load %arg7[%get3A_475, %get3A_476, %get3A_477] {strides = array<i32>} : memref<3x128x128xf32, #tpu.memory_space<vmem>>, vector<1x1x16xf32>,
      %get3A_479 = vector.shape_cast %get3A_478 : vector<1x1x16xf32> to vector<16xf32>
      %add3A_480 = arith.addf %add3A_472, %get3A_479 : vector<16xf32>
      %get3A_481 = arith.constant 0 : i32
      %get3A_482 = arith.constant 21 : i32
      %get3A_483 = arith.index_cast %get3A_481 : i32 to index
      %get3A_484 = arith.index_cast %get3A_482 : i32 to index
      %get3A_485 = arith.constant 16 : index
      %get3A_486 = tpu.vector_load %arg7[%get3A_483, %get3A_484, %get3A_485] {strides = array<i32>} : memref<3x128x128xf32, #tpu.memory_space<vmem>>, vector<1x1x16xf32>,
      %get3A_487 = vector.shape_cast %get3A_486 : vector<1x1x16xf32> to vector<16xf32>
      %add3A_488 = arith.addf %add3A_480, %get3A_487 : vector<16xf32>
      %get3A_489 = arith.constant 0 : i32
      %get3A_490 = arith.constant 22 : i32
      %get3A_491 = arith.index_cast %get3A_489 : i32 to index
      %get3A_492 = arith.index_cast %get3A_490 : i32 to index
      %get3A_493 = arith.constant 16 : index
      %get3A_494 = tpu.vector_load %arg7[%get3A_491, %get3A_492, %get3A_493] {strides = array<i32>} : memref<3x128x128xf32, #tpu.memory_space<vmem>>, vector<1x1x16xf32>,
      %get3A_495 = vector.shape_cast %get3A_494 : vector<1x1x16xf32> to vector<16xf32>
      %add3A_496 = arith.addf %add3A_488, %get3A_495 : vector<16xf32>
      %get3A_497 = arith.constant 0 : i32
      %get3A_498 = arith.constant 23 : i32
      %get3A_499 = arith.index_cast %get3A_497 : i32 to index
      %get3A_500 = arith.index_cast %get3A_498 : i32 to index
      %get3A_501 = arith.constant 16 : index
      %get3A_502 = tpu.vector_load %arg7[%get3A_499, %get3A_500, %get3A_501] {strides = array<i32>} : memref<3x128x128xf32, #tpu.memory_space<vmem>>, vector<1x1x16xf32>,
      %get3A_503 = vector.shape_cast %get3A_502 : vector<1x1x16xf32> to vector<16xf32>
      %add3A_504 = arith.addf %add3A_496, %get3A_503 : vector<16xf32>
      %get3A_505 = arith.constant 0 : i32
      %get3A_506 = arith.constant 24 : i32
      %get3A_507 = arith.index_cast %get3A_505 : i32 to index
      %get3A_508 = arith.index_cast %get3A_506 : i32 to index
      %get3A_509 = arith.constant 16 : index
      %get3A_510 = tpu.vector_load %arg7[%get3A_507, %get3A_508, %get3A_509] {strides = array<i32>} : memref<3x128x128xf32, #tpu.memory_space<vmem>>, vector<1x1x16xf32>,
      %get3A_511 = vector.shape_cast %get3A_510 : vector<1x1x16xf32> to vector<16xf32>
      %add3A_512 = arith.addf %add3A_504, %get3A_511 : vector<16xf32>
      %get3A_513 = arith.constant 0 : i32
      %get3A_514 = arith.constant 25 : i32
      %get3A_515 = arith.index_cast %get3A_513 : i32 to index
      %get3A_516 = arith.index_cast %get3A_514 : i32 to index
      %get3A_517 = arith.constant 16 : index
      %get3A_518 = tpu.vector_load %arg7[%get3A_515, %get3A_516, %get3A_517] {strides = array<i32>} : memref<3x128x128xf32, #tpu.memory_space<vmem>>, vector<1x1x16xf32>,
      %get3A_519 = vector.shape_cast %get3A_518 : vector<1x1x16xf32> to vector<16xf32>
      %add3A_520 = arith.addf %add3A_512, %get3A_519 : vector<16xf32>
      %get3A_521 = arith.constant 0 : i32
      %get3A_522 = arith.constant 26 : i32
      %get3A_523 = arith.index_cast %get3A_521 : i32 to index
      %get3A_524 = arith.index_cast %get3A_522 : i32 to index
      %get3A_525 = arith.constant 16 : index
      %get3A_526 = tpu.vector_load %arg7[%get3A_523, %get3A_524, %get3A_525] {strides = array<i32>} : memref<3x128x128xf32, #tpu.memory_space<vmem>>, vector<1x1x16xf32>,
      %get3A_527 = vector.shape_cast %get3A_526 : vector<1x1x16xf32> to vector<16xf32>
      %add3A_528 = arith.addf %add3A_520, %get3A_527 : vector<16xf32>
      %get3A_529 = arith.constant 0 : i32
      %get3A_530 = arith.constant 27 : i32
      %get3A_531 = arith.index_cast %get3A_529 : i32 to index
      %get3A_532 = arith.index_cast %get3A_530 : i32 to index
      %get3A_533 = arith.constant 16 : index
      %get3A_534 = tpu.vector_load %arg7[%get3A_531, %get3A_532, %get3A_533] {strides = array<i32>} : memref<3x128x128xf32, #tpu.memory_space<vmem>>, vector<1x1x16xf32>,
      %get3A_535 = vector.shape_cast %get3A_534 : vector<1x1x16xf32> to vector<16xf32>
      %add3A_536 = arith.addf %add3A_528, %get3A_535 : vector<16xf32>
      %get3A_537 = arith.constant 0 : i32
      %get3A_538 = arith.constant 28 : i32
      %get3A_539 = arith.index_cast %get3A_537 : i32 to index
      %get3A_540 = arith.index_cast %get3A_538 : i32 to index
      %get3A_541 = arith.constant 16 : index
      %get3A_542 = tpu.vector_load %arg7[%get3A_539, %get3A_540, %get3A_541] {strides = array<i32>} : memref<3x128x128xf32, #tpu.memory_space<vmem>>, vector<1x1x16xf32>,
      %get3A_543 = vector.shape_cast %get3A_542 : vector<1x1x16xf32> to vector<16xf32>
      %add3A_544 = arith.addf %add3A_536, %get3A_543 : vector<16xf32>
      %get3A_545 = arith.constant 0 : i32
      %get3A_546 = arith.constant 29 : i32
      %get3A_547 = arith.index_cast %get3A_545 : i32 to index
      %get3A_548 = arith.index_cast %get3A_546 : i32 to index
      %get3A_549 = arith.constant 16 : index
      %get3A_550 = tpu.vector_load %arg7[%get3A_547, %get3A_548, %get3A_549] {strides = array<i32>} : memref<3x128x128xf32, #tpu.memory_space<vmem>>, vector<1x1x16xf32>,
      %get3A_551 = vector.shape_cast %get3A_550 : vector<1x1x16xf32> to vector<16xf32>
      %add3A_552 = arith.addf %add3A_544, %get3A_551 : vector<16xf32>
      %get3A_553 = arith.constant 0 : i32
      %get3A_554 = arith.constant 30 : i32
      %get3A_555 = arith.index_cast %get3A_553 : i32 to index
      %get3A_556 = arith.index_cast %get3A_554 : i32 to index
      %get3A_557 = arith.constant 16 : index
      %get3A_558 = tpu.vector_load %arg7[%get3A_555, %get3A_556, %get3A_557] {strides = array<i32>} : memref<3x128x128xf32, #tpu.memory_space<vmem>>, vector<1x1x16xf32>,
      %get3A_559 = vector.shape_cast %get3A_558 : vector<1x1x16xf32> to vector<16xf32>
      %add3A_560 = arith.addf %add3A_552, %get3A_559 : vector<16xf32>
      %get3A_561 = arith.constant 0 : i32
      %get3A_562 = arith.constant 31 : i32
      %get3A_563 = arith.index_cast %get3A_561 : i32 to index
      %get3A_564 = arith.index_cast %get3A_562 : i32 to index
      %get3A_565 = arith.constant 16 : index
      %get3A_566 = tpu.vector_load %arg7[%get3A_563, %get3A_564, %get3A_565] {strides = array<i32>} : memref<3x128x128xf32, #tpu.memory_space<vmem>>, vector<1x1x16xf32>,
      %get3A_567 = vector.shape_cast %get3A_566 : vector<1x1x16xf32> to vector<16xf32>
      %add3A_568 = arith.addf %add3A_560, %get3A_567 : vector<16xf32>
      %swap3A_569 = arith.constant 0 : i32
      %swap3A_570 = arith.index_cast %swap3A_569 : i32 to index
      %swap3A_571 = arith.constant 16 : index
      %swap3A_572 = tpu.vector_load %arg8[%swap3A_570, %swap3A_571] {strides = array<i32>} : memref<312x128xf32, #tpu.memory_space<vmem>>, vector<1x16xf32>,
      %swap3A_573 = vector.shape_cast %swap3A_572 : vector<1x16xf32> to vector<16xf32>
      %swap3A_574 = vector.shape_cast %add3A_568 : vector<16xf32> to vector<1x16xf32>
      tpu.vector_store %arg8[%swap3A_570, %swap3A_571], %swap3A_574 {strides = array<i32>} : memref<312x128xf32, #tpu.memory_space<vmem>>, vector<1x16xf32>,
      %get3A_575 = arith.constant 0 : i32
      %get3A_576 = arith.constant 0 : i32
      %get3A_577 = arith.index_cast %get3A_575 : i32 to index
      %get3A_578 = arith.index_cast %get3A_576 : i32 to index
      %get3A_579 = arith.constant 32 : index
      %get3A_580 = tpu.vector_load %arg7[%get3A_577, %get3A_578, %get3A_579] {strides = array<i32>} : memref<3x128x128xf32, #tpu.memory_space<vmem>>, vector<1x1x16xf32>,
      %get3A_581 = vector.shape_cast %get3A_580 : vector<1x1x16xf32> to vector<16xf32>
      %get3A_582 = arith.constant 0 : i32
      %get3A_583 = arith.constant 1 : i32
      %get3A_584 = arith.index_cast %get3A_582 : i32 to index
      %get3A_585 = arith.index_cast %get3A_583 : i32 to index
      %get3A_586 = arith.constant 32 : index
      %get3A_587 = tpu.vector_load %arg7[%get3A_584, %get3A_585, %get3A_586] {strides = array<i32>} : memref<3x128x128xf32, #tpu.memory_space<vmem>>, vector<1x1x16xf32>,
      %get3A_588 = vector.shape_cast %get3A_587 : vector<1x1x16xf32> to vector<16xf32>
      %add3A_589 = arith.addf %get3A_581, %get3A_588 : vector<16xf32>
      %get3A_590 = arith.constant 0 : i32
      %get3A_591 = arith.constant 2 : i32
      %get3A_592 = arith.index_cast %get3A_590 : i32 to index
      %get3A_593 = arith.index_cast %get3A_591 : i32 to index
      %get3A_594 = arith.constant 32 : index
      %get3A_595 = tpu.vector_load %arg7[%get3A_592, %get3A_593, %get3A_594] {strides = array<i32>} : memref<3x128x128xf32, #tpu.memory_space<vmem>>, vector<1x1x16xf32>,
      %get3A_596 = vector.shape_cast %get3A_595 : vector<1x1x16xf32> to vector<16xf32>
      %add3A_597 = arith.addf %add3A_589, %get3A_596 : vector<16xf32>
      %get3A_598 = arith.constant 0 : i32
      %get3A_599 = arith.constant 3 : i32
      %get3A_600 = arith.index_cast %get3A_598 : i32 to index
      %get3A_601 = arith.index_cast %get3A_599 : i32 to index
      %get3A_602 = arith.constant 32 : index
      %get3A_603 = tpu.vector_load %arg7[%get3A_600, %get3A_601, %get3A_602] {strides = array<i32>} : memref<3x128x128xf32, #tpu.memory_space<vmem>>, vector<1x1x16xf32>,
      %get3A_604 = vector.shape_cast %get3A_603 : vector<1x1x16xf32> to vector<16xf32>
      %add3A_605 = arith.addf %add3A_597, %get3A_604 : vector<16xf32>
      %get3A_606 = arith.constant 0 : i32
      %get3A_607 = arith.constant 4 : i32
      %get3A_608 = arith.index_cast %get3A_606 : i32 to index
      %get3A_609 = arith.index_cast %get3A_607 : i32 to index
      %get3A_610 = arith.constant 32 : index
      %get3A_611 = tpu.vector_load %arg7[%get3A_608, %get3A_609, %get3A_610] {strides = array<i32>} : memref<3x128x128xf32, #tpu.memory_space<vmem>>, vector<1x1x16xf32>,
      %get3A_612 = vector.shape_cast %get3A_611 : vector<1x1x16xf32> to vector<16xf32>
      %add3A_613 = arith.addf %add3A_605, %get3A_612 : vector<16xf32>
      %get3A_614 = arith.constant 0 : i32
      %get3A_615 = arith.constant 5 : i32
      %get3A_616 = arith.index_cast %get3A_614 : i32 to index
      %get3A_617 = arith.index_cast %get3A_615 : i32 to index
      %get3A_618 = arith.constant 32 : index
      %get3A_619 = tpu.vector_load %arg7[%get3A_616, %get3A_617, %get3A_618] {strides = array<i32>} : memref<3x128x128xf32, #tpu.memory_space<vmem>>, vector<1x1x16xf32>,
      %get3A_620 = vector.shape_cast %get3A_619 : vector<1x1x16xf32> to vector<16xf32>
      %add3A_621 = arith.addf %add3A_613, %get3A_620 : vector<16xf32>
      %get3A_622 = arith.constant 0 : i32
      %get3A_623 = arith.constant 6 : i32
      %get3A_624 = arith.index_cast %get3A_622 : i32 to index
      %get3A_625 = arith.index_cast %get3A_623 : i32 to index
      %get3A_626 = arith.constant 32 : index
      %get3A_627 = tpu.vector_load %arg7[%get3A_624, %get3A_625, %get3A_626] {strides = array<i32>} : memref<3x128x128xf32, #tpu.memory_space<vmem>>, vector<1x1x16xf32>,
      %get3A_628 = vector.shape_cast %get3A_627 : vector<1x1x16xf32> to vector<16xf32>
      %add3A_629 = arith.addf %add3A_621, %get3A_628 : vector<16xf32>
      %get3A_630 = arith.constant 0 : i32
      %get3A_631 = arith.constant 7 : i32
      %get3A_632 = arith.index_cast %get3A_630 : i32 to index
      %get3A_633 = arith.index_cast %get3A_631 : i32 to index
      %get3A_634 = arith.constant 32 : index
      %get3A_635 = tpu.vector_load %arg7[%get3A_632, %get3A_633, %get3A_634] {strides = array<i32>} : memref<3x128x128xf32, #tpu.memory_space<vmem>>, vector<1x1x16xf32>,
      %get3A_636 = vector.shape_cast %get3A_635 : vector<1x1x16xf32> to vector<16xf32>
      %add3A_637 = arith.addf %add3A_629, %get3A_636 : vector<16xf32>
      %get3A_638 = arith.constant 0 : i32
      %get3A_639 = arith.constant 8 : i32
      %get3A_640 = arith.index_cast %get3A_638 : i32 to index
      %get3A_641 = arith.index_cast %get3A_639 : i32 to index
      %get3A_642 = arith.constant 32 : index
      %get3A_643 = tpu.vector_load %arg7[%get3A_640, %get3A_641, %get3A_642] {strides = array<i32>} : memref<3x128x128xf32, #tpu.memory_space<vmem>>, vector<1x1x16xf32>,
      %get3A_644 = vector.shape_cast %get3A_643 : vector<1x1x16xf32> to vector<16xf32>
      %add3A_645 = arith.addf %add3A_637, %get3A_644 : vector<16xf32>
      %get3A_646 = arith.constant 0 : i32
      %get3A_647 = arith.constant 9 : i32
      %get3A_648 = arith.index_cast %get3A_646 : i32 to index
      %get3A_649 = arith.index_cast %get3A_647 : i32 to index
      %get3A_650 = arith.constant 32 : index
      %get3A_651 = tpu.vector_load %arg7[%get3A_648, %get3A_649, %get3A_650] {strides = array<i32>} : memref<3x128x128xf32, #tpu.memory_space<vmem>>, vector<1x1x16xf32>,
      %get3A_652 = vector.shape_cast %get3A_651 : vector<1x1x16xf32> to vector<16xf32>
      %add3A_653 = arith.addf %add3A_645, %get3A_652 : vector<16xf32>
      %get3A_654 = arith.constant 0 : i32
      %get3A_655 = arith.constant 10 : i32
      %get3A_656 = arith.index_cast %get3A_654 : i32 to index
      %get3A_657 = arith.index_cast %get3A_655 : i32 to index
      %get3A_658 = arith.constant 32 : index
      %get3A_659 = tpu.vector_load %arg7[%get3A_656, %get3A_657, %get3A_658] {strides = array<i32>} : memref<3x128x128xf32, #tpu.memory_space<vmem>>, vector<1x1x16xf32>,
      %get3A_660 = vector.shape_cast %get3A_659 : vector<1x1x16xf32> to vector<16xf32>
      %add3A_661 = arith.addf %add3A_653, %get3A_660 : vector<16xf32>
      %get3A_662 = arith.constant 0 : i32
      %get3A_663 = arith.constant 11 : i32
      %get3A_664 = arith.index_cast %get3A_662 : i32 to index
      %get3A_665 = arith.index_cast %get3A_663 : i32 to index
      %get3A_666 = arith.constant 32 : index
      %get3A_667 = tpu.vector_load %arg7[%get3A_664, %get3A_665, %get3A_666] {strides = array<i32>} : memref<3x128x128xf32, #tpu.memory_space<vmem>>, vector<1x1x16xf32>,
      %get3A_668 = vector.shape_cast %get3A_667 : vector<1x1x16xf32> to vector<16xf32>
      %add3A_669 = arith.addf %add3A_661, %get3A_668 : vector<16xf32>
      %get3A_670 = arith.constant 0 : i32
      %get3A_671 = arith.constant 12 : i32
      %get3A_672 = arith.index_cast %get3A_670 : i32 to index
      %get3A_673 = arith.index_cast %get3A_671 : i32 to index
      %get3A_674 = arith.constant 32 : index
      %get3A_675 = tpu.vector_load %arg7[%get3A_672, %get3A_673, %get3A_674] {strides = array<i32>} : memref<3x128x128xf32, #tpu.memory_space<vmem>>, vector<1x1x16xf32>,
      %get3A_676 = vector.shape_cast %get3A_675 : vector<1x1x16xf32> to vector<16xf32>
      %add3A_677 = arith.addf %add3A_669, %get3A_676 : vector<16xf32>
      %get3A_678 = arith.constant 0 : i32
      %get3A_679 = arith.constant 13 : i32
      %get3A_680 = arith.index_cast %get3A_678 : i32 to index
      %get3A_681 = arith.index_cast %get3A_679 : i32 to index
      %get3A_682 = arith.constant 32 : index
      %get3A_683 = tpu.vector_load %arg7[%get3A_680, %get3A_681, %get3A_682] {strides = array<i32>} : memref<3x128x128xf32, #tpu.memory_space<vmem>>, vector<1x1x16xf32>,
      %get3A_684 = vector.shape_cast %get3A_683 : vector<1x1x16xf32> to vector<16xf32>
      %add3A_685 = arith.addf %add3A_677, %get3A_684 : vector<16xf32>
      %get3A_686 = arith.constant 0 : i32
      %get3A_687 = arith.constant 14 : i32
      %get3A_688 = arith.index_cast %get3A_686 : i32 to index
      %get3A_689 = arith.index_cast %get3A_687 : i32 to index
      %get3A_690 = arith.constant 32 : index
      %get3A_691 = tpu.vector_load %arg7[%get3A_688, %get3A_689, %get3A_690] {strides = array<i32>} : memref<3x128x128xf32, #tpu.memory_space<vmem>>, vector<1x1x16xf32>,
      %get3A_692 = vector.shape_cast %get3A_691 : vector<1x1x16xf32> to vector<16xf32>
      %add3A_693 = arith.addf %add3A_685, %get3A_692 : vector<16xf32>
      %get3A_694 = arith.constant 0 : i32
      %get3A_695 = arith.constant 15 : i32
      %get3A_696 = arith.index_cast %get3A_694 : i32 to index
      %get3A_697 = arith.index_cast %get3A_695 : i32 to index
      %get3A_698 = arith.constant 32 : index
      %get3A_699 = tpu.vector_load %arg7[%get3A_696, %get3A_697, %get3A_698] {strides = array<i32>} : memref<3x128x128xf32, #tpu.memory_space<vmem>>, vector<1x1x16xf32>,
      %get3A_700 = vector.shape_cast %get3A_699 : vector<1x1x16xf32> to vector<16xf32>
      %add3A_701 = arith.addf %add3A_693, %get3A_700 : vector<16xf32>
      %get3A_702 = arith.constant 0 : i32
      %get3A_703 = arith.constant 16 : i32
      %get3A_704 = arith.index_cast %get3A_702 : i32 to index
      %get3A_705 = arith.index_cast %get3A_703 : i32 to index
      %get3A_706 = arith.constant 32 : index
      %get3A_707 = tpu.vector_load %arg7[%get3A_704, %get3A_705, %get3A_706] {strides = array<i32>} : memref<3x128x128xf32, #tpu.memory_space<vmem>>, vector<1x1x16xf32>,
      %get3A_708 = vector.shape_cast %get3A_707 : vector<1x1x16xf32> to vector<16xf32>
      %add3A_709 = arith.addf %add3A_701, %get3A_708 : vector<16xf32>
      %get3A_710 = arith.constant 0 : i32
      %get3A_711 = arith.constant 17 : i32
      %get3A_712 = arith.index_cast %get3A_710 : i32 to index
      %get3A_713 = arith.index_cast %get3A_711 : i32 to index
      %get3A_714 = arith.constant 32 : index
      %get3A_715 = tpu.vector_load %arg7[%get3A_712, %get3A_713, %get3A_714] {strides = array<i32>} : memref<3x128x128xf32, #tpu.memory_space<vmem>>, vector<1x1x16xf32>,
      %get3A_716 = vector.shape_cast %get3A_715 : vector<1x1x16xf32> to vector<16xf32>
      %add3A_717 = arith.addf %add3A_709, %get3A_716 : vector<16xf32>
      %get3A_718 = arith.constant 0 : i32
      %get3A_719 = arith.constant 18 : i32
      %get3A_720 = arith.index_cast %get3A_718 : i32 to index
      %get3A_721 = arith.index_cast %get3A_719 : i32 to index
      %get3A_722 = arith.constant 32 : index
      %get3A_723 = tpu.vector_load %arg7[%get3A_720, %get3A_721, %get3A_722] {strides = array<i32>} : memref<3x128x128xf32, #tpu.memory_space<vmem>>, vector<1x1x16xf32>,
      %get3A_724 = vector.shape_cast %get3A_723 : vector<1x1x16xf32> to vector<16xf32>
      %add3A_725 = arith.addf %add3A_717, %get3A_724 : vector<16xf32>
      %get3A_726 = arith.constant 0 : i32
      %get3A_727 = arith.constant 19 : i32
      %get3A_728 = arith.index_cast %get3A_726 : i32 to index
      %get3A_729 = arith.index_cast %get3A_727 : i32 to index
      %get3A_730 = arith.constant 32 : index
      %get3A_731 = tpu.vector_load %arg7[%get3A_728, %get3A_729, %get3A_730] {strides = array<i32>} : memref<3x128x128xf32, #tpu.memory_space<vmem>>, vector<1x1x16xf32>,
      %get3A_732 = vector.shape_cast %get3A_731 : vector<1x1x16xf32> to vector<16xf32>
      %add3A_733 = arith.addf %add3A_725, %get3A_732 : vector<16xf32>
      %get3A_734 = arith.constant 0 : i32
      %get3A_735 = arith.constant 20 : i32
      %get3A_736 = arith.index_cast %get3A_734 : i32 to index
      %get3A_737 = arith.index_cast %get3A_735 : i32 to index
      %get3A_738 = arith.constant 32 : index
      %get3A_739 = tpu.vector_load %arg7[%get3A_736, %get3A_737, %get3A_738] {strides = array<i32>} : memref<3x128x128xf32, #tpu.memory_space<vmem>>, vector<1x1x16xf32>,
      %get3A_740 = vector.shape_cast %get3A_739 : vector<1x1x16xf32> to vector<16xf32>
      %add3A_741 = arith.addf %add3A_733, %get3A_740 : vector<16xf32>
      %get3A_742 = arith.constant 0 : i32
      %get3A_743 = arith.constant 21 : i32
      %get3A_744 = arith.index_cast %get3A_742 : i32 to index
      %get3A_745 = arith.index_cast %get3A_743 : i32 to index
      %get3A_746 = arith.constant 32 : index
      %get3A_747 = tpu.vector_load %arg7[%get3A_744, %get3A_745, %get3A_746] {strides = array<i32>} : memref<3x128x128xf32, #tpu.memory_space<vmem>>, vector<1x1x16xf32>,
      %get3A_748 = vector.shape_cast %get3A_747 : vector<1x1x16xf32> to vector<16xf32>
      %add3A_749 = arith.addf %add3A_741, %get3A_748 : vector<16xf32>
      %get3A_750 = arith.constant 0 : i32
      %get3A_751 = arith.constant 22 : i32
      %get3A_752 = arith.index_cast %get3A_750 : i32 to index
      %get3A_753 = arith.index_cast %get3A_751 : i32 to index
      %get3A_754 = arith.constant 32 : index
      %get3A_755 = tpu.vector_load %arg7[%get3A_752, %get3A_753, %get3A_754] {strides = array<i32>} : memref<3x128x128xf32, #tpu.memory_space<vmem>>, vector<1x1x16xf32>,
      %get3A_756 = vector.shape_cast %get3A_755 : vector<1x1x16xf32> to vector<16xf32>
      %add3A_757 = arith.addf %add3A_749, %get3A_756 : vector<16xf32>
      %get3A_758 = arith.constant 0 : i32
      %get3A_759 = arith.constant 23 : i32
      %get3A_760 = arith.index_cast %get3A_758 : i32 to index
      %get3A_761 = arith.index_cast %get3A_759 : i32 to index
      %get3A_762 = arith.constant 32 : index
      %get3A_763 = tpu.vector_load %arg7[%get3A_760, %get3A_761, %get3A_762] {strides = array<i32>} : memref<3x128x128xf32, #tpu.memory_space<vmem>>, vector<1x1x16xf32>,
      %get3A_764 = vector.shape_cast %get3A_763 : vector<1x1x16xf32> to vector<16xf32>
      %add3A_765 = arith.addf %add3A_757, %get3A_764 : vector<16xf32>
      %get3A_766 = arith.constant 0 : i32
      %get3A_767 = arith.constant 24 : i32
      %get3A_768 = arith.index_cast %get3A_766 : i32 to index
      %get3A_769 = arith.index_cast %get3A_767 : i32 to index
      %get3A_770 = arith.constant 32 : index
      %get3A_771 = tpu.vector_load %arg7[%get3A_768, %get3A_769, %get3A_770] {strides = array<i32>} : memref<3x128x128xf32, #tpu.memory_space<vmem>>, vector<1x1x16xf32>,
      %get3A_772 = vector.shape_cast %get3A_771 : vector<1x1x16xf32> to vector<16xf32>
      %add3A_773 = arith.addf %add3A_765, %get3A_772 : vector<16xf32>
      %get3A_774 = arith.constant 0 : i32
      %get3A_775 = arith.constant 25 : i32
      %get3A_776 = arith.index_cast %get3A_774 : i32 to index
      %get3A_777 = arith.index_cast %get3A_775 : i32 to index
      %get3A_778 = arith.constant 32 : index
      %get3A_779 = tpu.vector_load %arg7[%get3A_776, %get3A_777, %get3A_778] {strides = array<i32>} : memref<3x128x128xf32, #tpu.memory_space<vmem>>, vector<1x1x16xf32>,
      %get3A_780 = vector.shape_cast %get3A_779 : vector<1x1x16xf32> to vector<16xf32>
      %add3A_781 = arith.addf %add3A_773, %get3A_780 : vector<16xf32>
      %get3A_782 = arith.constant 0 : i32
      %get3A_783 = arith.constant 26 : i32
      %get3A_784 = arith.index_cast %get3A_782 : i32 to index
      %get3A_785 = arith.index_cast %get3A_783 : i32 to index
      %get3A_786 = arith.constant 32 : index
      %get3A_787 = tpu.vector_load %arg7[%get3A_784, %get3A_785, %get3A_786] {strides = array<i32>} : memref<3x128x128xf32, #tpu.memory_space<vmem>>, vector<1x1x16xf32>,
      %get3A_788 = vector.shape_cast %get3A_787 : vector<1x1x16xf32> to vector<16xf32>
      %add3A_789 = arith.addf %add3A_781, %get3A_788 : vector<16xf32>
      %get3A_790 = arith.constant 0 : i32
      %get3A_791 = arith.constant 27 : i32
      %get3A_792 = arith.index_cast %get3A_790 : i32 to index
      %get3A_793 = arith.index_cast %get3A_791 : i32 to index
      %get3A_794 = arith.constant 32 : index
      %get3A_795 = tpu.vector_load %arg7[%get3A_792, %get3A_793, %get3A_794] {strides = array<i32>} : memref<3x128x128xf32, #tpu.memory_space<vmem>>, vector<1x1x16xf32>,
      %get3A_796 = vector.shape_cast %get3A_795 : vector<1x1x16xf32> to vector<16xf32>
      %add3A_797 = arith.addf %add3A_789, %get3A_796 : vector<16xf32>
      %get3A_798 = arith.constant 0 : i32
      %get3A_799 = arith.constant 28 : i32
      %get3A_800 = arith.index_cast %get3A_798 : i32 to index
      %get3A_801 = arith.index_cast %get3A_799 : i32 to index
      %get3A_802 = arith.constant 32 : index
      %get3A_803 = tpu.vector_load %arg7[%get3A_800, %get3A_801, %get3A_802] {strides = array<i32>} : memref<3x128x128xf32, #tpu.memory_space<vmem>>, vector<1x1x16xf32>,
      %get3A_804 = vector.shape_cast %get3A_803 : vector<1x1x16xf32> to vector<16xf32>
      %add3A_805 = arith.addf %add3A_797, %get3A_804 : vector<16xf32>
      %get3A_806 = arith.constant 0 : i32
      %get3A_807 = arith.constant 29 : i32
      %get3A_808 = arith.index_cast %get3A_806 : i32 to index
      %get3A_809 = arith.index_cast %get3A_807 : i32 to index
      %get3A_810 = arith.constant 32 : index
      %get3A_811 = tpu.vector_load %arg7[%get3A_808, %get3A_809, %get3A_810] {strides = array<i32>} : memref<3x128x128xf32, #tpu.memory_space<vmem>>, vector<1x1x16xf32>,
      %get3A_812 = vector.shape_cast %get3A_811 : vector<1x1x16xf32> to vector<16xf32>
      %add3A_813 = arith.addf %add3A_805, %get3A_812 : vector<16xf32>
      %get3A_814 = arith.constant 0 : i32
      %get3A_815 = arith.constant 30 : i32
      %get3A_816 = arith.index_cast %get3A_814 : i32 to index
      %get3A_817 = arith.index_cast %get3A_815 : i32 to index
      %get3A_818 = arith.constant 32 : index
      %get3A_819 = tpu.vector_load %arg7[%get3A_816, %get3A_817, %get3A_818] {strides = array<i32>} : memref<3x128x128xf32, #tpu.memory_space<vmem>>, vector<1x1x16xf32>,
      %get3A_820 = vector.shape_cast %get3A_819 : vector<1x1x16xf32> to vector<16xf32>
      %add3A_821 = arith.addf %add3A_813, %get3A_820 : vector<16xf32>
      %get3A_822 = arith.constant 0 : i32
      %get3A_823 = arith.constant 31 : i32
      %get3A_824 = arith.index_cast %get3A_822 : i32 to index
      %get3A_825 = arith.index_cast %get3A_823 : i32 to index
      %get3A_826 = arith.constant 32 : index
      %get3A_827 = tpu.vector_load %arg7[%get3A_824, %get3A_825, %get3A_826] {strides = array<i32>} : memref<3x128x128xf32, #tpu.memory_space<vmem>>, vector<1x1x16xf32>,
      %get3A_828 = vector.shape_cast %get3A_827 : vector<1x1x16xf32> to vector<16xf32>
      %add3A_829 = arith.addf %add3A_821, %get3A_828 : vector<16xf32>
      %swap3A_830 = arith.constant 0 : i32
      %swap3A_831 = arith.index_cast %swap3A_830 : i32 to index
      %swap3A_832 = arith.constant 32 : index
      %swap3A_833 = tpu.vector_load %arg8[%swap3A_831, %swap3A_832] {strides = array<i32>} : memref<312x128xf32, #tpu.memory_space<vmem>>, vector<1x16xf32>,
      %swap3A_834 = vector.shape_cast %swap3A_833 : vector<1x16xf32> to vector<16xf32>
      %swap3A_835 = vector.shape_cast %add3A_829 : vector<16xf32> to vector<1x16xf32>
      tpu.vector_store %arg8[%swap3A_831, %swap3A_832], %swap3A_835 {strides = array<i32>} : memref<312x128xf32, #tpu.memory_space<vmem>>, vector<1x16xf32>,
      %get3A_836 = arith.constant 0 : i32
      %get3A_837 = arith.constant 0 : i32
      %get3A_838 = arith.index_cast %get3A_836 : i32 to index
      %get3A_839 = arith.index_cast %get3A_837 : i32 to index
      %get3A_840 = arith.constant 48 : index
      %get3A_841 = tpu.vector_load %arg7[%get3A_838, %get3A_839, %get3A_840] {strides = array<i32>} : memref<3x128x128xf32, #tpu.memory_space<vmem>>, vector<1x1x16xf32>,
      %get3A_842 = vector.shape_cast %get3A_841 : vector<1x1x16xf32> to vector<16xf32>
      %get3A_843 = arith.constant 0 : i32
      %get3A_844 = arith.constant 1 : i32
      %get3A_845 = arith.index_cast %get3A_843 : i32 to index
      %get3A_846 = arith.index_cast %get3A_844 : i32 to index
      %get3A_847 = arith.constant 48 : index
      %get3A_848 = tpu.vector_load %arg7[%get3A_845, %get3A_846, %get3A_847] {strides = array<i32>} : memref<3x128x128xf32, #tpu.memory_space<vmem>>, vector<1x1x16xf32>,
      %get3A_849 = vector.shape_cast %get3A_848 : vector<1x1x16xf32> to vector<16xf32>
      %add3A_850 = arith.addf %get3A_842, %get3A_849 : vector<16xf32>
      %get3A_851 = arith.constant 0 : i32
      %get3A_852 = arith.constant 2 : i32
      %get3A_853 = arith.index_cast %get3A_851 : i32 to index
      %get3A_854 = arith.index_cast %get3A_852 : i32 to index
      %get3A_855 = arith.constant 48 : index
      %get3A_856 = tpu.vector_load %arg7[%get3A_853, %get3A_854, %get3A_855] {strides = array<i32>} : memref<3x128x128xf32, #tpu.memory_space<vmem>>, vector<1x1x16xf32>,
      %get3A_857 = vector.shape_cast %get3A_856 : vector<1x1x16xf32> to vector<16xf32>
      %add3A_858 = arith.addf %add3A_850, %get3A_857 : vector<16xf32>
      %get3A_859 = arith.constant 0 : i32
      %get3A_860 = arith.constant 3 : i32
      %get3A_861 = arith.index_cast %get3A_859 : i32 to index
      %get3A_862 = arith.index_cast %get3A_860 : i32 to index
      %get3A_863 = arith.constant 48 : index
      %get3A_864 = tpu.vector_load %arg7[%get3A_861, %get3A_862, %get3A_863] {strides = array<i32>} : memref<3x128x128xf32, #tpu.memory_space<vmem>>, vector<1x1x16xf32>,
      %get3A_865 = vector.shape_cast %get3A_864 : vector<1x1x16xf32> to vector<16xf32>
      %add3A_866 = arith.addf %add3A_858, %get3A_865 : vector<16xf32>
      %get3A_867 = arith.constant 0 : i32
      %get3A_868 = arith.constant 4 : i32
      %get3A_869 = arith.index_cast %get3A_867 : i32 to index
      %get3A_870 = arith.index_cast %get3A_868 : i32 to index
      %get3A_871 = arith.constant 48 : index
      %get3A_872 = tpu.vector_load %arg7[%get3A_869, %get3A_870, %get3A_871] {strides = array<i32>} : memref<3x128x128xf32, #tpu.memory_space<vmem>>, vector<1x1x16xf32>,
      %get3A_873 = vector.shape_cast %get3A_872 : vector<1x1x16xf32> to vector<16xf32>
      %add3A_874 = arith.addf %add3A_866, %get3A_873 : vector<16xf32>
      %get3A_875 = arith.constant 0 : i32
      %get3A_876 = arith.constant 5 : i32
      %get3A_877 = arith.index_cast %get3A_875 : i32 to index
      %get3A_878 = arith.index_cast %get3A_876 : i32 to index
      %get3A_879 = arith.constant 48 : index
      %get3A_880 = tpu.vector_load %arg7[%get3A_877, %get3A_878, %get3A_879] {strides = array<i32>} : memref<3x128x128xf32, #tpu.memory_space<vmem>>, vector<1x1x16xf32>,
      %get3A_881 = vector.shape_cast %get3A_880 : vector<1x1x16xf32> to vector<16xf32>
      %add3A_882 = arith.addf %add3A_874, %get3A_881 : vector<16xf32>
      %get3A_883 = arith.constant 0 : i32
      %get3A_884 = arith.constant 6 : i32
      %get3A_885 = arith.index_cast %get3A_883 : i32 to index
      %get3A_886 = arith.index_cast %get3A_884 : i32 to index
      %get3A_887 = arith.constant 48 : index
      %get3A_888 = tpu.vector_load %arg7[%get3A_885, %get3A_886, %get3A_887] {strides = array<i32>} : memref<3x128x128xf32, #tpu.memory_space<vmem>>, vector<1x1x16xf32>,
      %get3A_889 = vector.shape_cast %get3A_888 : vector<1x1x16xf32> to vector<16xf32>
      %add3A_890 = arith.addf %add3A_882, %get3A_889 : vector<16xf32>
      %get3A_891 = arith.constant 0 : i32
      %get3A_892 = arith.constant 7 : i32
      %get3A_893 = arith.index_cast %get3A_891 : i32 to index
      %get3A_894 = arith.index_cast %get3A_892 : i32 to index
      %get3A_895 = arith.constant 48 : index
      %get3A_896 = tpu.vector_load %arg7[%get3A_893, %get3A_894, %get3A_895] {strides = array<i32>} : memref<3x128x128xf32, #tpu.memory_space<vmem>>, vector<1x1x16xf32>,
      %get3A_897 = vector.shape_cast %get3A_896 : vector<1x1x16xf32> to vector<16xf32>
      %add3A_898 = arith.addf %add3A_890, %get3A_897 : vector<16xf32>
      %get3A_899 = arith.constant 0 : i32
      %get3A_900 = arith.constant 8 : i32
      %get3A_901 = arith.index_cast %get3A_899 : i32 to index
      %get3A_902 = arith.index_cast %get3A_900 : i32 to index
      %get3A_903 = arith.constant 48 : index
      %get3A_904 = tpu.vector_load %arg7[%get3A_901, %get3A_902, %get3A_903] {strides = array<i32>} : memref<3x128x128xf32, #tpu.memory_space<vmem>>, vector<1x1x16xf32>,
      %get3A_905 = vector.shape_cast %get3A_904 : vector<1x1x16xf32> to vector<16xf32>
      %add3A_906 = arith.addf %add3A_898, %get3A_905 : vector<16xf32>
      %get3A_907 = arith.constant 0 : i32
      %get3A_908 = arith.constant 9 : i32
      %get3A_909 = arith.index_cast %get3A_907 : i32 to index
      %get3A_910 = arith.index_cast %get3A_908 : i32 to index
      %get3A_911 = arith.constant 48 : index
      %get3A_912 = tpu.vector_load %arg7[%get3A_909, %get3A_910, %get3A_911] {strides = array<i32>} : memref<3x128x128xf32, #tpu.memory_space<vmem>>, vector<1x1x16xf32>,
      %get3A_913 = vector.shape_cast %get3A_912 : vector<1x1x16xf32> to vector<16xf32>
      %add3A_914 = arith.addf %add3A_906, %get3A_913 : vector<16xf32>
      %get3A_915 = arith.constant 0 : i32
      %get3A_916 = arith.constant 10 : i32
      %get3A_917 = arith.index_cast %get3A_915 : i32 to index
      %get3A_918 = arith.index_cast %get3A_916 : i32 to index
      %get3A_919 = arith.constant 48 : index
      %get3A_920 = tpu.vector_load %arg7[%get3A_917, %get3A_918, %get3A_919] {strides = array<i32>} : memref<3x128x128xf32, #tpu.memory_space<vmem>>, vector<1x1x16xf32>,
      %get3A_921 = vector.shape_cast %get3A_920 : vector<1x1x16xf32> to vector<16xf32>
      %add3A_922 = arith.addf %add3A_914, %get3A_921 : vector<16xf32>
      %get3A_923 = arith.constant 0 : i32
      %get3A_924 = arith.constant 11 : i32
      %get3A_925 = arith.index_cast %get3A_923 : i32 to index
      %get3A_926 = arith.index_cast %get3A_924 : i32 to index
      %get3A_927 = arith.constant 48 : index
      %get3A_928 = tpu.vector_load %arg7[%get3A_925, %get3A_926, %get3A_927] {strides = array<i32>} : memref<3x128x128xf32, #tpu.memory_space<vmem>>, vector<1x1x16xf32>,
      %get3A_929 = vector.shape_cast %get3A_928 : vector<1x1x16xf32> to vector<16xf32>
      %add3A_930 = arith.addf %add3A_922, %get3A_929 : vector<16xf32>
      %get3A_931 = arith.constant 0 : i32
      %get3A_932 = arith.constant 12 : i32
      %get3A_933 = arith.index_cast %get3A_931 : i32 to index
      %get3A_934 = arith.index_cast %get3A_932 : i32 to index
      %get3A_935 = arith.constant 48 : index
      %get3A_936 = tpu.vector_load %arg7[%get3A_933, %get3A_934, %get3A_935] {strides = array<i32>} : memref<3x128x128xf32, #tpu.memory_space<vmem>>, vector<1x1x16xf32>,
      %get3A_937 = vector.shape_cast %get3A_936 : vector<1x1x16xf32> to vector<16xf32>
      %add3A_938 = arith.addf %add3A_930, %get3A_937 : vector<16xf32>
      %get3A_939 = arith.constant 0 : i32
      %get3A_940 = arith.constant 13 : i32
      %get3A_941 = arith.index_cast %get3A_939 : i32 to index
      %get3A_942 = arith.index_cast %get3A_940 : i32 to index
      %get3A_943 = arith.constant 48 : index
      %get3A_944 = tpu.vector_load %arg7[%get3A_941, %get3A_942, %get3A_943] {strides = array<i32>} : memref<3x128x128xf32, #tpu.memory_space<vmem>>, vector<1x1x16xf32>,
      %get3A_945 = vector.shape_cast %get3A_944 : vector<1x1x16xf32> to vector<16xf32>
      %add3A_946 = arith.addf %add3A_938, %get3A_945 : vector<16xf32>
      %get3A_947 = arith.constant 0 : i32
      %get3A_948 = arith.constant 14 : i32
      %get3A_949 = arith.index_cast %get3A_947 : i32 to index
      %get3A_950 = arith.index_cast %get3A_948 : i32 to index
      %get3A_951 = arith.constant 48 : index
      %get3A_952 = tpu.vector_load %arg7[%get3A_949, %get3A_950, %get3A_951] {strides = array<i32>} : memref<3x128x128xf32, #tpu.memory_space<vmem>>, vector<1x1x16xf32>,
      %get3A_953 = vector.shape_cast %get3A_952 : vector<1x1x16xf32> to vector<16xf32>
      %add3A_954 = arith.addf %add3A_946, %get3A_953 : vector<16xf32>
      %get3A_955 = arith.constant 0 : i32
      %get3A_956 = arith.constant 15 : i32
      %get3A_957 = arith.index_cast %get3A_955 : i32 to index
      %get3A_958 = arith.index_cast %get3A_956 : i32 to index
      %get3A_959 = arith.constant 48 : index
      %get3A_960 = tpu.vector_load %arg7[%get3A_957, %get3A_958, %get3A_959] {strides = array<i32>} : memref<3x128x128xf32, #tpu.memory_space<vmem>>, vector<1x1x16xf32>,
      %get3A_961 = vector.shape_cast %get3A_960 : vector<1x1x16xf32> to vector<16xf32>
      %add3A_962 = arith.addf %add3A_954, %get3A_961 : vector<16xf32>
      %get3A_963 = arith.constant 0 : i32
      %get3A_964 = arith.constant 16 : i32
      %get3A_965 = arith.index_cast %get3A_963 : i32 to index
      %get3A_966 = arith.index_cast %get3A_964 : i32 to index
      %get3A_967 = arith.constant 48 : index
      %get3A_968 = tpu.vector_load %arg7[%get3A_965, %get3A_966, %get3A_967] {strides = array<i32>} : memref<3x128x128xf32, #tpu.memory_space<vmem>>, vector<1x1x16xf32>,
      %get3A_969 = vector.shape_cast %get3A_968 : vector<1x1x16xf32> to vector<16xf32>
      %add3A_970 = arith.addf %add3A_962, %get3A_969 : vector<16xf32>
      %get3A_971 = arith.constant 0 : i32
      %get3A_972 = arith.constant 17 : i32
      %get3A_973 = arith.index_cast %get3A_971 : i32 to index
      %get3A_974 = arith.index_cast %get3A_972 : i32 to index
      %get3A_975 = arith.constant 48 : index
      %get3A_976 = tpu.vector_load %arg7[%get3A_973, %get3A_974, %get3A_975] {strides = array<i32>} : memref<3x128x128xf32, #tpu.memory_space<vmem>>, vector<1x1x16xf32>,
      %get3A_977 = vector.shape_cast %get3A_976 : vector<1x1x16xf32> to vector<16xf32>
      %add3A_978 = arith.addf %add3A_970, %get3A_977 : vector<16xf32>
      %get3A_979 = arith.constant 0 : i32
      %get3A_980 = arith.constant 18 : i32
      %get3A_981 = arith.index_cast %get3A_979 : i32 to index
      %get3A_982 = arith.index_cast %get3A_980 : i32 to index
      %get3A_983 = arith.constant 48 : index
      %get3A_984 = tpu.vector_load %arg7[%get3A_981, %get3A_982, %get3A_983] {strides = array<i32>} : memref<3x128x128xf32, #tpu.memory_space<vmem>>, vector<1x1x16xf32>,
      %get3A_985 = vector.shape_cast %get3A_984 : vector<1x1x16xf32> to vector<16xf32>
      %add3A_986 = arith.addf %add3A_978, %get3A_985 : vector<16xf32>
      %get3A_987 = arith.constant 0 : i32
      %get3A_988 = arith.constant 19 : i32
      %get3A_989 = arith.index_cast %get3A_987 : i32 to index
      %get3A_990 = arith.index_cast %get3A_988 : i32 to index
      %get3A_991 = arith.constant 48 : index
      %get3A_992 = tpu.vector_load %arg7[%get3A_989, %get3A_990, %get3A_991] {strides = array<i32>} : memref<3x128x128xf32, #tpu.memory_space<vmem>>, vector<1x1x16xf32>,
      %get3A_993 = vector.shape_cast %get3A_992 : vector<1x1x16xf32> to vector<16xf32>
      %add3A_994 = arith.addf %add3A_986, %get3A_993 : vector<16xf32>
      %get3A_995 = arith.constant 0 : i32
      %get3A_996 = arith.constant 20 : i32
      %get3A_997 = arith.index_cast %get3A_995 : i32 to index
      %get3A_998 = arith.index_cast %get3A_996 : i32 to index
      %get3A_999 = arith.constant 48 : index
      %get3A_1000 = tpu.vector_load %arg7[%get3A_997, %get3A_998, %get3A_999] {strides = array<i32>} : memref<3x128x128xf32, #tpu.memory_space<vmem>>, vector<1x1x16xf32>,
      %get3A_1001 = vector.shape_cast %get3A_1000 : vector<1x1x16xf32> to vector<16xf32>
      %add3A_1002 = arith.addf %add3A_994, %get3A_1001 : vector<16xf32>
      %get3A_1003 = arith.constant 0 : i32
      %get3A_1004 = arith.constant 21 : i32
      %get3A_1005 = arith.index_cast %get3A_1003 : i32 to index
      %get3A_1006 = arith.index_cast %get3A_1004 : i32 to index
      %get3A_1007 = arith.constant 48 : index
      %get3A_1008 = tpu.vector_load %arg7[%get3A_1005, %get3A_1006, %get3A_1007] {strides = array<i32>} : memref<3x128x128xf32, #tpu.memory_space<vmem>>, vector<1x1x16xf32>,
      %get3A_1009 = vector.shape_cast %get3A_1008 : vector<1x1x16xf32> to vector<16xf32>
      %add3A_1010 = arith.addf %add3A_1002, %get3A_1009 : vector<16xf32>
      %get3A_1011 = arith.constant 0 : i32
      %get3A_1012 = arith.constant 22 : i32
      %get3A_1013 = arith.index_cast %get3A_1011 : i32 to index
      %get3A_1014 = arith.index_cast %get3A_1012 : i32 to index
      %get3A_1015 = arith.constant 48 : index
      %get3A_1016 = tpu.vector_load %arg7[%get3A_1013, %get3A_1014, %get3A_1015] {strides = array<i32>} : memref<3x128x128xf32, #tpu.memory_space<vmem>>, vector<1x1x16xf32>,
      %get3A_1017 = vector.shape_cast %get3A_1016 : vector<1x1x16xf32> to vector<16xf32>
      %add3A_1018 = arith.addf %add3A_1010, %get3A_1017 : vector<16xf32>
      %get3A_1019 = arith.constant 0 : i32
      %get3A_1020 = arith.constant 23 : i32
      %get3A_1021 = arith.index_cast %get3A_1019 : i32 to index
      %get3A_1022 = arith.index_cast %get3A_1020 : i32 to index
      %get3A_1023 = arith.constant 48 : index
      %get3A_1024 = tpu.vector_load %arg7[%get3A_1021, %get3A_1022, %get3A_1023] {strides = array<i32>} : memref<3x128x128xf32, #tpu.memory_space<vmem>>, vector<1x1x16xf32>,
      %get3A_1025 = vector.shape_cast %get3A_1024 : vector<1x1x16xf32> to vector<16xf32>
      %add3A_1026 = arith.addf %add3A_1018, %get3A_1025 : vector<16xf32>
      %get3A_1027 = arith.constant 0 : i32
      %get3A_1028 = arith.constant 24 : i32
      %get3A_1029 = arith.index_cast %get3A_1027 : i32 to index
      %get3A_1030 = arith.index_cast %get3A_1028 : i32 to index
      %get3A_1031 = arith.constant 48 : index
      %get3A_1032 = tpu.vector_load %arg7[%get3A_1029, %get3A_1030, %get3A_1031] {strides = array<i32>} : memref<3x128x128xf32, #tpu.memory_space<vmem>>, vector<1x1x16xf32>,
      %get3A_1033 = vector.shape_cast %get3A_1032 : vector<1x1x16xf32> to vector<16xf32>
      %add3A_1034 = arith.addf %add3A_1026, %get3A_1033 : vector<16xf32>
      %get3A_1035 = arith.constant 0 : i32
      %get3A_1036 = arith.constant 25 : i32
      %get3A_1037 = arith.index_cast %get3A_1035 : i32 to index
      %get3A_1038 = arith.index_cast %get3A_1036 : i32 to index
      %get3A_1039 = arith.constant 48 : index
      %get3A_1040 = tpu.vector_load %arg7[%get3A_1037, %get3A_1038, %get3A_1039] {strides = array<i32>} : memref<3x128x128xf32, #tpu.memory_space<vmem>>, vector<1x1x16xf32>,
      %get3A_1041 = vector.shape_cast %get3A_1040 : vector<1x1x16xf32> to vector<16xf32>
      %add3A_1042 = arith.addf %add3A_1034, %get3A_1041 : vector<16xf32>
      %get3A_1043 = arith.constant 0 : i32
      %get3A_1044 = arith.constant 26 : i32
      %get3A_1045 = arith.index_cast %get3A_1043 : i32 to index
      %get3A_1046 = arith.index_cast %get3A_1044 : i32 to index
      %get3A_1047 = arith.constant 48 : index
      %get3A_1048 = tpu.vector_load %arg7[%get3A_1045, %get3A_1046, %get3A_1047] {strides = array<i32>} : memref<3x128x128xf32, #tpu.memory_space<vmem>>, vector<1x1x16xf32>,
      %get3A_1049 = vector.shape_cast %get3A_1048 : vector<1x1x16xf32> to vector<16xf32>
      %add3A_1050 = arith.addf %add3A_1042, %get3A_1049 : vector<16xf32>
      %get3A_1051 = arith.constant 0 : i32
      %get3A_1052 = arith.constant 27 : i32
      %get3A_1053 = arith.index_cast %get3A_1051 : i32 to index
      %get3A_1054 = arith.index_cast %get3A_1052 : i32 to index
      %get3A_1055 = arith.constant 48 : index
      %get3A_1056 = tpu.vector_load %arg7[%get3A_1053, %get3A_1054, %get3A_1055] {strides = array<i32>} : memref<3x128x128xf32, #tpu.memory_space<vmem>>, vector<1x1x16xf32>,
      %get3A_1057 = vector.shape_cast %get3A_1056 : vector<1x1x16xf32> to vector<16xf32>
      %add3A_1058 = arith.addf %add3A_1050, %get3A_1057 : vector<16xf32>
      %get3A_1059 = arith.constant 0 : i32
      %get3A_1060 = arith.constant 28 : i32
      %get3A_1061 = arith.index_cast %get3A_1059 : i32 to index
      %get3A_1062 = arith.index_cast %get3A_1060 : i32 to index
      %get3A_1063 = arith.constant 48 : index
      %get3A_1064 = tpu.vector_load %arg7[%get3A_1061, %get3A_1062, %get3A_1063] {strides = array<i32>} : memref<3x128x128xf32, #tpu.memory_space<vmem>>, vector<1x1x16xf32>,
      %get3A_1065 = vector.shape_cast %get3A_1064 : vector<1x1x16xf32> to vector<16xf32>
      %add3A_1066 = arith.addf %add3A_1058, %get3A_1065 : vector<16xf32>
      %get3A_1067 = arith.constant 0 : i32
      %get3A_1068 = arith.constant 29 : i32
      %get3A_1069 = arith.index_cast %get3A_1067 : i32 to index
      %get3A_1070 = arith.index_cast %get3A_1068 : i32 to index
      %get3A_1071 = arith.constant 48 : index
      %get3A_1072 = tpu.vector_load %arg7[%get3A_1069, %get3A_1070, %get3A_1071] {strides = array<i32>} : memref<3x128x128xf32, #tpu.memory_space<vmem>>, vector<1x1x16xf32>,
      %get3A_1073 = vector.shape_cast %get3A_1072 : vector<1x1x16xf32> to vector<16xf32>
      %add3A_1074 = arith.addf %add3A_1066, %get3A_1073 : vector<16xf32>
      %get3A_1075 = arith.constant 0 : i32
      %get3A_1076 = arith.constant 30 : i32
      %get3A_1077 = arith.index_cast %get3A_1075 : i32 to index
      %get3A_1078 = arith.index_cast %get3A_1076 : i32 to index
      %get3A_1079 = arith.constant 48 : index
      %get3A_1080 = tpu.vector_load %arg7[%get3A_1077, %get3A_1078, %get3A_1079] {strides = array<i32>} : memref<3x128x128xf32, #tpu.memory_space<vmem>>, vector<1x1x16xf32>,
      %get3A_1081 = vector.shape_cast %get3A_1080 : vector<1x1x16xf32> to vector<16xf32>
      %add3A_1082 = arith.addf %add3A_1074, %get3A_1081 : vector<16xf32>
      %get3A_1083 = arith.constant 0 : i32
      %get3A_1084 = arith.constant 31 : i32
      %get3A_1085 = arith.index_cast %get3A_1083 : i32 to index
      %get3A_1086 = arith.index_cast %get3A_1084 : i32 to index
      %get3A_1087 = arith.constant 48 : index
      %get3A_1088 = tpu.vector_load %arg7[%get3A_1085, %get3A_1086, %get3A_1087] {strides = array<i32>} : memref<3x128x128xf32, #tpu.memory_space<vmem>>, vector<1x1x16xf32>,
      %get3A_1089 = vector.shape_cast %get3A_1088 : vector<1x1x16xf32> to vector<16xf32>
      %add3A_1090 = arith.addf %add3A_1082, %get3A_1089 : vector<16xf32>
      %swap3A_1091 = arith.constant 0 : i32
      %swap3A_1092 = arith.index_cast %swap3A_1091 : i32 to index
      %swap3A_1093 = arith.constant 48 : index
      %swap3A_1094 = tpu.vector_load %arg8[%swap3A_1092, %swap3A_1093] {strides = array<i32>} : memref<312x128xf32, #tpu.memory_space<vmem>>, vector<1x16xf32>,
      %swap3A_1095 = vector.shape_cast %swap3A_1094 : vector<1x16xf32> to vector<16xf32>
      %swap3A_1096 = vector.shape_cast %add3A_1090 : vector<16xf32> to vector<1x16xf32>
      tpu.vector_store %arg8[%swap3A_1092, %swap3A_1093], %swap3A_1096 {strides = array<i32>} : memref<312x128xf32, #tpu.memory_space<vmem>>, vector<1x16xf32>,
      %get3A_1097 = arith.constant 0 : i32
      %get3A_1098 = arith.constant 0 : i32
      %get3A_1099 = arith.index_cast %get3A_1097 : i32 to index
      %get3A_1100 = arith.index_cast %get3A_1098 : i32 to index
      %get3A_1101 = arith.constant 64 : index
      %get3A_1102 = tpu.vector_load %arg7[%get3A_1099, %get3A_1100, %get3A_1101] {strides = array<i32>} : memref<3x128x128xf32, #tpu.memory_space<vmem>>, vector<1x1x16xf32>,
      %get3A_1103 = vector.shape_cast %get3A_1102 : vector<1x1x16xf32> to vector<16xf32>
      %get3A_1104 = arith.constant 0 : i32
      %get3A_1105 = arith.constant 1 : i32
      %get3A_1106 = arith.index_cast %get3A_1104 : i32 to index
      %get3A_1107 = arith.index_cast %get3A_1105 : i32 to index
      %get3A_1108 = arith.constant 64 : index
      %get3A_1109 = tpu.vector_load %arg7[%get3A_1106, %get3A_1107, %get3A_1108] {strides = array<i32>} : memref<3x128x128xf32, #tpu.memory_space<vmem>>, vector<1x1x16xf32>,
      %get3A_1110 = vector.shape_cast %get3A_1109 : vector<1x1x16xf32> to vector<16xf32>
      %add3A_1111 = arith.addf %get3A_1103, %get3A_1110 : vector<16xf32>
      %get3A_1112 = arith.constant 0 : i32
      %get3A_1113 = arith.constant 2 : i32
      %get3A_1114 = arith.index_cast %get3A_1112 : i32 to index
      %get3A_1115 = arith.index_cast %get3A_1113 : i32 to index
      %get3A_1116 = arith.constant 64 : index
      %get3A_1117 = tpu.vector_load %arg7[%get3A_1114, %get3A_1115, %get3A_1116] {strides = array<i32>} : memref<3x128x128xf32, #tpu.memory_space<vmem>>, vector<1x1x16xf32>,
      %get3A_1118 = vector.shape_cast %get3A_1117 : vector<1x1x16xf32> to vector<16xf32>
      %add3A_1119 = arith.addf %add3A_1111, %get3A_1118 : vector<16xf32>
      %get3A_1120 = arith.constant 0 : i32
      %get3A_1121 = arith.constant 3 : i32
      %get3A_1122 = arith.index_cast %get3A_1120 : i32 to index
      %get3A_1123 = arith.index_cast %get3A_1121 : i32 to index
      %get3A_1124 = arith.constant 64 : index
      %get3A_1125 = tpu.vector_load %arg7[%get3A_1122, %get3A_1123, %get3A_1124] {strides = array<i32>} : memref<3x128x128xf32, #tpu.memory_space<vmem>>, vector<1x1x16xf32>,
      %get3A_1126 = vector.shape_cast %get3A_1125 : vector<1x1x16xf32> to vector<16xf32>
      %add3A_1127 = arith.addf %add3A_1119, %get3A_1126 : vector<16xf32>
      %get3A_1128 = arith.constant 0 : i32
      %get3A_1129 = arith.constant 4 : i32
      %get3A_1130 = arith.index_cast %get3A_1128 : i32 to index
      %get3A_1131 = arith.index_cast %get3A_1129 : i32 to index
      %get3A_1132 = arith.constant 64 : index
      %get3A_1133 = tpu.vector_load %arg7[%get3A_1130, %get3A_1131, %get3A_1132] {strides = array<i32>} : memref<3x128x128xf32, #tpu.memory_space<vmem>>, vector<1x1x16xf32>,
      %get3A_1134 = vector.shape_cast %get3A_1133 : vector<1x1x16xf32> to vector<16xf32>
      %add3A_1135 = arith.addf %add3A_1127, %get3A_1134 : vector<16xf32>
      %get3A_1136 = arith.constant 0 : i32
      %get3A_1137 = arith.constant 5 : i32
      %get3A_1138 = arith.index_cast %get3A_1136 : i32 to index
      %get3A_1139 = arith.index_cast %get3A_1137 : i32 to index
      %get3A_1140 = arith.constant 64 : index
      %get3A_1141 = tpu.vector_load %arg7[%get3A_1138, %get3A_1139, %get3A_1140] {strides = array<i32>} : memref<3x128x128xf32, #tpu.memory_space<vmem>>, vector<1x1x16xf32>,
      %get3A_1142 = vector.shape_cast %get3A_1141 : vector<1x1x16xf32> to vector<16xf32>
      %add3A_1143 = arith.addf %add3A_1135, %get3A_1142 : vector<16xf32>
      %get3A_1144 = arith.constant 0 : i32
      %get3A_1145 = arith.constant 6 : i32
      %get3A_1146 = arith.index_cast %get3A_1144 : i32 to index
      %get3A_1147 = arith.index_cast %get3A_1145 : i32 to index
      %get3A_1148 = arith.constant 64 : index
      %get3A_1149 = tpu.vector_load %arg7[%get3A_1146, %get3A_1147, %get3A_1148] {strides = array<i32>} : memref<3x128x128xf32, #tpu.memory_space<vmem>>, vector<1x1x16xf32>,
      %get3A_1150 = vector.shape_cast %get3A_1149 : vector<1x1x16xf32> to vector<16xf32>
      %add3A_1151 = arith.addf %add3A_1143, %get3A_1150 : vector<16xf32>
      %get3A_1152 = arith.constant 0 : i32
      %get3A_1153 = arith.constant 7 : i32
      %get3A_1154 = arith.index_cast %get3A_1152 : i32 to index
      %get3A_1155 = arith.index_cast %get3A_1153 : i32 to index
      %get3A_1156 = arith.constant 64 : index
      %get3A_1157 = tpu.vector_load %arg7[%get3A_1154, %get3A_1155, %get3A_1156] {strides = array<i32>} : memref<3x128x128xf32, #tpu.memory_space<vmem>>, vector<1x1x16xf32>,
      %get3A_1158 = vector.shape_cast %get3A_1157 : vector<1x1x16xf32> to vector<16xf32>
      %add3A_1159 = arith.addf %add3A_1151, %get3A_1158 : vector<16xf32>
      %get3A_1160 = arith.constant 0 : i32
      %get3A_1161 = arith.constant 8 : i32
      %get3A_1162 = arith.index_cast %get3A_1160 : i32 to index
      %get3A_1163 = arith.index_cast %get3A_1161 : i32 to index
      %get3A_1164 = arith.constant 64 : index
      %get3A_1165 = tpu.vector_load %arg7[%get3A_1162, %get3A_1163, %get3A_1164] {strides = array<i32>} : memref<3x128x128xf32, #tpu.memory_space<vmem>>, vector<1x1x16xf32>,
      %get3A_1166 = vector.shape_cast %get3A_1165 : vector<1x1x16xf32> to vector<16xf32>
      %add3A_1167 = arith.addf %add3A_1159, %get3A_1166 : vector<16xf32>
      %get3A_1168 = arith.constant 0 : i32
      %get3A_1169 = arith.constant 9 : i32
      %get3A_1170 = arith.index_cast %get3A_1168 : i32 to index
      %get3A_1171 = arith.index_cast %get3A_1169 : i32 to index
      %get3A_1172 = arith.constant 64 : index
      %get3A_1173 = tpu.vector_load %arg7[%get3A_1170, %get3A_1171, %get3A_1172] {strides = array<i32>} : memref<3x128x128xf32, #tpu.memory_space<vmem>>, vector<1x1x16xf32>,
      %get3A_1174 = vector.shape_cast %get3A_1173 : vector<1x1x16xf32> to vector<16xf32>
      %add3A_1175 = arith.addf %add3A_1167, %get3A_1174 : vector<16xf32>
      %get3A_1176 = arith.constant 0 : i32
      %get3A_1177 = arith.constant 10 : i32
      %get3A_1178 = arith.index_cast %get3A_1176 : i32 to index
      %get3A_1179 = arith.index_cast %get3A_1177 : i32 to index
      %get3A_1180 = arith.constant 64 : index
      %get3A_1181 = tpu.vector_load %arg7[%get3A_1178, %get3A_1179, %get3A_1180] {strides = array<i32>} : memref<3x128x128xf32, #tpu.memory_space<vmem>>, vector<1x1x16xf32>,
      %get3A_1182 = vector.shape_cast %get3A_1181 : vector<1x1x16xf32> to vector<16xf32>
      %add3A_1183 = arith.addf %add3A_1175, %get3A_1182 : vector<16xf32>
      %get3A_1184 = arith.constant 0 : i32
      %get3A_1185 = arith.constant 11 : i32
      %get3A_1186 = arith.index_cast %get3A_1184 : i32 to index
      %get3A_1187 = arith.index_cast %get3A_1185 : i32 to index
      %get3A_1188 = arith.constant 64 : index
      %get3A_1189 = tpu.vector_load %arg7[%get3A_1186, %get3A_1187, %get3A_1188] {strides = array<i32>} : memref<3x128x128xf32, #tpu.memory_space<vmem>>, vector<1x1x16xf32>,
      %get3A_1190 = vector.shape_cast %get3A_1189 : vector<1x1x16xf32> to vector<16xf32>
      %add3A_1191 = arith.addf %add3A_1183, %get3A_1190 : vector<16xf32>
      %get3A_1192 = arith.constant 0 : i32
      %get3A_1193 = arith.constant 12 : i32
      %get3A_1194 = arith.index_cast %get3A_1192 : i32 to index
      %get3A_1195 = arith.index_cast %get3A_1193 : i32 to index
      %get3A_1196 = arith.constant 64 : index
      %get3A_1197 = tpu.vector_load %arg7[%get3A_1194, %get3A_1195, %get3A_1196] {strides = array<i32>} : memref<3x128x128xf32, #tpu.memory_space<vmem>>, vector<1x1x16xf32>,
      %get3A_1198 = vector.shape_cast %get3A_1197 : vector<1x1x16xf32> to vector<16xf32>
      %add3A_1199 = arith.addf %add3A_1191, %get3A_1198 : vector<16xf32>
      %get3A_1200 = arith.constant 0 : i32
      %get3A_1201 = arith.constant 13 : i32
      %get3A_1202 = arith.index_cast %get3A_1200 : i32 to index
      %get3A_1203 = arith.index_cast %get3A_1201 : i32 to index
      %get3A_1204 = arith.constant 64 : index
      %get3A_1205 = tpu.vector_load %arg7[%get3A_1202, %get3A_1203, %get3A_1204] {strides = array<i32>} : memref<3x128x128xf32, #tpu.memory_space<vmem>>, vector<1x1x16xf32>,
      %get3A_1206 = vector.shape_cast %get3A_1205 : vector<1x1x16xf32> to vector<16xf32>
      %add3A_1207 = arith.addf %add3A_1199, %get3A_1206 : vector<16xf32>
      %get3A_1208 = arith.constant 0 : i32
      %get3A_1209 = arith.constant 14 : i32
      %get3A_1210 = arith.index_cast %get3A_1208 : i32 to index
      %get3A_1211 = arith.index_cast %get3A_1209 : i32 to index
      %get3A_1212 = arith.constant 64 : index
      %get3A_1213 = tpu.vector_load %arg7[%get3A_1210, %get3A_1211, %get3A_1212] {strides = array<i32>} : memref<3x128x128xf32, #tpu.memory_space<vmem>>, vector<1x1x16xf32>,
      %get3A_1214 = vector.shape_cast %get3A_1213 : vector<1x1x16xf32> to vector<16xf32>
      %add3A_1215 = arith.addf %add3A_1207, %get3A_1214 : vector<16xf32>
      %get3A_1216 = arith.constant 0 : i32
      %get3A_1217 = arith.constant 15 : i32
      %get3A_1218 = arith.index_cast %get3A_1216 : i32 to index
      %get3A_1219 = arith.index_cast %get3A_1217 : i32 to index
      %get3A_1220 = arith.constant 64 : index
      %get3A_1221 = tpu.vector_load %arg7[%get3A_1218, %get3A_1219, %get3A_1220] {strides = array<i32>} : memref<3x128x128xf32, #tpu.memory_space<vmem>>, vector<1x1x16xf32>,
      %get3A_1222 = vector.shape_cast %get3A_1221 : vector<1x1x16xf32> to vector<16xf32>
      %add3A_1223 = arith.addf %add3A_1215, %get3A_1222 : vector<16xf32>
      %get3A_1224 = arith.constant 0 : i32
      %get3A_1225 = arith.constant 16 : i32
      %get3A_1226 = arith.index_cast %get3A_1224 : i32 to index
      %get3A_1227 = arith.index_cast %get3A_1225 : i32 to index
      %get3A_1228 = arith.constant 64 : index
      %get3A_1229 = tpu.vector_load %arg7[%get3A_1226, %get3A_1227, %get3A_1228] {strides = array<i32>} : memref<3x128x128xf32, #tpu.memory_space<vmem>>, vector<1x1x16xf32>,
      %get3A_1230 = vector.shape_cast %get3A_1229 : vector<1x1x16xf32> to vector<16xf32>
      %add3A_1231 = arith.addf %add3A_1223, %get3A_1230 : vector<16xf32>
      %get3A_1232 = arith.constant 0 : i32
      %get3A_1233 = arith.constant 17 : i32
      %get3A_1234 = arith.index_cast %get3A_1232 : i32 to index
      %get3A_1235 = arith.index_cast %get3A_1233 : i32 to index
      %get3A_1236 = arith.constant 64 : index
      %get3A_1237 = tpu.vector_load %arg7[%get3A_1234, %get3A_1235, %get3A_1236] {strides = array<i32>} : memref<3x128x128xf32, #tpu.memory_space<vmem>>, vector<1x1x16xf32>,
      %get3A_1238 = vector.shape_cast %get3A_1237 : vector<1x1x16xf32> to vector<16xf32>
      %add3A_1239 = arith.addf %add3A_1231, %get3A_1238 : vector<16xf32>
      %get3A_1240 = arith.constant 0 : i32
      %get3A_1241 = arith.constant 18 : i32
      %get3A_1242 = arith.index_cast %get3A_1240 : i32 to index
      %get3A_1243 = arith.index_cast %get3A_1241 : i32 to index
      %get3A_1244 = arith.constant 64 : index
      %get3A_1245 = tpu.vector_load %arg7[%get3A_1242, %get3A_1243, %get3A_1244] {strides = array<i32>} : memref<3x128x128xf32, #tpu.memory_space<vmem>>, vector<1x1x16xf32>,
      %get3A_1246 = vector.shape_cast %get3A_1245 : vector<1x1x16xf32> to vector<16xf32>
      %add3A_1247 = arith.addf %add3A_1239, %get3A_1246 : vector<16xf32>
      %get3A_1248 = arith.constant 0 : i32
      %get3A_1249 = arith.constant 19 : i32
      %get3A_1250 = arith.index_cast %get3A_1248 : i32 to index
      %get3A_1251 = arith.index_cast %get3A_1249 : i32 to index
      %get3A_1252 = arith.constant 64 : index
      %get3A_1253 = tpu.vector_load %arg7[%get3A_1250, %get3A_1251, %get3A_1252] {strides = array<i32>} : memref<3x128x128xf32, #tpu.memory_space<vmem>>, vector<1x1x16xf32>,
      %get3A_1254 = vector.shape_cast %get3A_1253 : vector<1x1x16xf32> to vector<16xf32>
      %add3A_1255 = arith.addf %add3A_1247, %get3A_1254 : vector<16xf32>
      %get3A_1256 = arith.constant 0 : i32
      %get3A_1257 = arith.constant 20 : i32
      %get3A_1258 = arith.index_cast %get3A_1256 : i32 to index
      %get3A_1259 = arith.index_cast %get3A_1257 : i32 to index
      %get3A_1260 = arith.constant 64 : index
      %get3A_1261 = tpu.vector_load %arg7[%get3A_1258, %get3A_1259, %get3A_1260] {strides = array<i32>} : memref<3x128x128xf32, #tpu.memory_space<vmem>>, vector<1x1x16xf32>,
      %get3A_1262 = vector.shape_cast %get3A_1261 : vector<1x1x16xf32> to vector<16xf32>
      %add3A_1263 = arith.addf %add3A_1255, %get3A_1262 : vector<16xf32>
      %get3A_1264 = arith.constant 0 : i32
      %get3A_1265 = arith.constant 21 : i32
      %get3A_1266 = arith.index_cast %get3A_1264 : i32 to index
      %get3A_1267 = arith.index_cast %get3A_1265 : i32 to index
      %get3A_1268 = arith.constant 64 : index
      %get3A_1269 = tpu.vector_load %arg7[%get3A_1266, %get3A_1267, %get3A_1268] {strides = array<i32>} : memref<3x128x128xf32, #tpu.memory_space<vmem>>, vector<1x1x16xf32>,
      %get3A_1270 = vector.shape_cast %get3A_1269 : vector<1x1x16xf32> to vector<16xf32>
      %add3A_1271 = arith.addf %add3A_1263, %get3A_1270 : vector<16xf32>
      %get3A_1272 = arith.constant 0 : i32
      %get3A_1273 = arith.constant 22 : i32
      %get3A_1274 = arith.index_cast %get3A_1272 : i32 to index
      %get3A_1275 = arith.index_cast %get3A_1273 : i32 to index
      %get3A_1276 = arith.constant 64 : index
      %get3A_1277 = tpu.vector_load %arg7[%get3A_1274, %get3A_1275, %get3A_1276] {strides = array<i32>} : memref<3x128x128xf32, #tpu.memory_space<vmem>>, vector<1x1x16xf32>,
      %get3A_1278 = vector.shape_cast %get3A_1277 : vector<1x1x16xf32> to vector<16xf32>
      %add3A_1279 = arith.addf %add3A_1271, %get3A_1278 : vector<16xf32>
      %get3A_1280 = arith.constant 0 : i32
      %get3A_1281 = arith.constant 23 : i32
      %get3A_1282 = arith.index_cast %get3A_1280 : i32 to index
      %get3A_1283 = arith.index_cast %get3A_1281 : i32 to index
      %get3A_1284 = arith.constant 64 : index
      %get3A_1285 = tpu.vector_load %arg7[%get3A_1282, %get3A_1283, %get3A_1284] {strides = array<i32>} : memref<3x128x128xf32, #tpu.memory_space<vmem>>, vector<1x1x16xf32>,
      %get3A_1286 = vector.shape_cast %get3A_1285 : vector<1x1x16xf32> to vector<16xf32>
      %add3A_1287 = arith.addf %add3A_1279, %get3A_1286 : vector<16xf32>
      %get3A_1288 = arith.constant 0 : i32
      %get3A_1289 = arith.constant 24 : i32
      %get3A_1290 = arith.index_cast %get3A_1288 : i32 to index
      %get3A_1291 = arith.index_cast %get3A_1289 : i32 to index
      %get3A_1292 = arith.constant 64 : index
      %get3A_1293 = tpu.vector_load %arg7[%get3A_1290, %get3A_1291, %get3A_1292] {strides = array<i32>} : memref<3x128x128xf32, #tpu.memory_space<vmem>>, vector<1x1x16xf32>,
      %get3A_1294 = vector.shape_cast %get3A_1293 : vector<1x1x16xf32> to vector<16xf32>
      %add3A_1295 = arith.addf %add3A_1287, %get3A_1294 : vector<16xf32>
      %get3A_1296 = arith.constant 0 : i32
      %get3A_1297 = arith.constant 25 : i32
      %get3A_1298 = arith.index_cast %get3A_1296 : i32 to index
      %get3A_1299 = arith.index_cast %get3A_1297 : i32 to index
      %get3A_1300 = arith.constant 64 : index
      %get3A_1301 = tpu.vector_load %arg7[%get3A_1298, %get3A_1299, %get3A_1300] {strides = array<i32>} : memref<3x128x128xf32, #tpu.memory_space<vmem>>, vector<1x1x16xf32>,
      %get3A_1302 = vector.shape_cast %get3A_1301 : vector<1x1x16xf32> to vector<16xf32>
      %add3A_1303 = arith.addf %add3A_1295, %get3A_1302 : vector<16xf32>
      %get3A_1304 = arith.constant 0 : i32
      %get3A_1305 = arith.constant 26 : i32
      %get3A_1306 = arith.index_cast %get3A_1304 : i32 to index
      %get3A_1307 = arith.index_cast %get3A_1305 : i32 to index
      %get3A_1308 = arith.constant 64 : index
      %get3A_1309 = tpu.vector_load %arg7[%get3A_1306, %get3A_1307, %get3A_1308] {strides = array<i32>} : memref<3x128x128xf32, #tpu.memory_space<vmem>>, vector<1x1x16xf32>,
      %get3A_1310 = vector.shape_cast %get3A_1309 : vector<1x1x16xf32> to vector<16xf32>
      %add3A_1311 = arith.addf %add3A_1303, %get3A_1310 : vector<16xf32>
      %get3A_1312 = arith.constant 0 : i32
      %get3A_1313 = arith.constant 27 : i32
      %get3A_1314 = arith.index_cast %get3A_1312 : i32 to index
      %get3A_1315 = arith.index_cast %get3A_1313 : i32 to index
      %get3A_1316 = arith.constant 64 : index
      %get3A_1317 = tpu.vector_load %arg7[%get3A_1314, %get3A_1315, %get3A_1316] {strides = array<i32>} : memref<3x128x128xf32, #tpu.memory_space<vmem>>, vector<1x1x16xf32>,
      %get3A_1318 = vector.shape_cast %get3A_1317 : vector<1x1x16xf32> to vector<16xf32>
      %add3A_1319 = arith.addf %add3A_1311, %get3A_1318 : vector<16xf32>
      %get3A_1320 = arith.constant 0 : i32
      %get3A_1321 = arith.constant 28 : i32
      %get3A_1322 = arith.index_cast %get3A_1320 : i32 to index
      %get3A_1323 = arith.index_cast %get3A_1321 : i32 to index
      %get3A_1324 = arith.constant 64 : index
      %get3A_1325 = tpu.vector_load %arg7[%get3A_1322, %get3A_1323, %get3A_1324] {strides = array<i32>} : memref<3x128x128xf32, #tpu.memory_space<vmem>>, vector<1x1x16xf32>,
      %get3A_1326 = vector.shape_cast %get3A_1325 : vector<1x1x16xf32> to vector<16xf32>
      %add3A_1327 = arith.addf %add3A_1319, %get3A_1326 : vector<16xf32>
      %get3A_1328 = arith.constant 0 : i32
      %get3A_1329 = arith.constant 29 : i32
      %get3A_1330 = arith.index_cast %get3A_1328 : i32 to index
      %get3A_1331 = arith.index_cast %get3A_1329 : i32 to index
      %get3A_1332 = arith.constant 64 : index
      %get3A_1333 = tpu.vector_load %arg7[%get3A_1330, %get3A_1331, %get3A_1332] {strides = array<i32>} : memref<3x128x128xf32, #tpu.memory_space<vmem>>, vector<1x1x16xf32>,
      %get3A_1334 = vector.shape_cast %get3A_1333 : vector<1x1x16xf32> to vector<16xf32>
      %add3A_1335 = arith.addf %add3A_1327, %get3A_1334 : vector<16xf32>
      %get3A_1336 = arith.constant 0 : i32
      %get3A_1337 = arith.constant 30 : i32
      %get3A_1338 = arith.index_cast %get3A_1336 : i32 to index
      %get3A_1339 = arith.index_cast %get3A_1337 : i32 to index
      %get3A_1340 = arith.constant 64 : index
      %get3A_1341 = tpu.vector_load %arg7[%get3A_1338, %get3A_1339, %get3A_1340] {strides = array<i32>} : memref<3x128x128xf32, #tpu.memory_space<vmem>>, vector<1x1x16xf32>,
      %get3A_1342 = vector.shape_cast %get3A_1341 : vector<1x1x16xf32> to vector<16xf32>
      %add3A_1343 = arith.addf %add3A_1335, %get3A_1342 : vector<16xf32>
      %get3A_1344 = arith.constant 0 : i32
      %get3A_1345 = arith.constant 31 : i32
      %get3A_1346 = arith.index_cast %get3A_1344 : i32 to index
      %get3A_1347 = arith.index_cast %get3A_1345 : i32 to index
      %get3A_1348 = arith.constant 64 : index
      %get3A_1349 = tpu.vector_load %arg7[%get3A_1346, %get3A_1347, %get3A_1348] {strides = array<i32>} : memref<3x128x128xf32, #tpu.memory_space<vmem>>, vector<1x1x16xf32>,
      %get3A_1350 = vector.shape_cast %get3A_1349 : vector<1x1x16xf32> to vector<16xf32>
      %add3A_1351 = arith.addf %add3A_1343, %get3A_1350 : vector<16xf32>
      %swap3A_1352 = arith.constant 0 : i32
      %swap3A_1353 = arith.index_cast %swap3A_1352 : i32 to index
      %swap3A_1354 = arith.constant 64 : index
      %swap3A_1355 = tpu.vector_load %arg8[%swap3A_1353, %swap3A_1354] {strides = array<i32>} : memref<312x128xf32, #tpu.memory_space<vmem>>, vector<1x16xf32>,
      %swap3A_1356 = vector.shape_cast %swap3A_1355 : vector<1x16xf32> to vector<16xf32>
      %swap3A_1357 = vector.shape_cast %add3A_1351 : vector<16xf32> to vector<1x16xf32>
      tpu.vector_store %arg8[%swap3A_1353, %swap3A_1354], %swap3A_1357 {strides = array<i32>} : memref<312x128xf32, #tpu.memory_space<vmem>>, vector<1x16xf32>,
      %get3A_1358 = arith.constant 0 : i32
      %get3A_1359 = arith.constant 0 : i32
      %get3A_1360 = arith.index_cast %get3A_1358 : i32 to index
      %get3A_1361 = arith.index_cast %get3A_1359 : i32 to index
      %get3A_1362 = arith.constant 80 : index
      %get3A_1363 = tpu.vector_load %arg7[%get3A_1360, %get3A_1361, %get3A_1362] {strides = array<i32>} : memref<3x128x128xf32, #tpu.memory_space<vmem>>, vector<1x1x16xf32>,
      %get3A_1364 = vector.shape_cast %get3A_1363 : vector<1x1x16xf32> to vector<16xf32>
      %get3A_1365 = arith.constant 0 : i32
      %get3A_1366 = arith.constant 1 : i32
      %get3A_1367 = arith.index_cast %get3A_1365 : i32 to index
      %get3A_1368 = arith.index_cast %get3A_1366 : i32 to index
      %get3A_1369 = arith.constant 80 : index
      %get3A_1370 = tpu.vector_load %arg7[%get3A_1367, %get3A_1368, %get3A_1369] {strides = array<i32>} : memref<3x128x128xf32, #tpu.memory_space<vmem>>, vector<1x1x16xf32>,
      %get3A_1371 = vector.shape_cast %get3A_1370 : vector<1x1x16xf32> to vector<16xf32>
      %add3A_1372 = arith.addf %get3A_1364, %get3A_1371 : vector<16xf32>
      %get3A_1373 = arith.constant 0 : i32
      %get3A_1374 = arith.constant 2 : i32
      %get3A_1375 = arith.index_cast %get3A_1373 : i32 to index
      %get3A_1376 = arith.index_cast %get3A_1374 : i32 to index
      %get3A_1377 = arith.constant 80 : index
      %get3A_1378 = tpu.vector_load %arg7[%get3A_1375, %get3A_1376, %get3A_1377] {strides = array<i32>} : memref<3x128x128xf32, #tpu.memory_space<vmem>>, vector<1x1x16xf32>,
      %get3A_1379 = vector.shape_cast %get3A_1378 : vector<1x1x16xf32> to vector<16xf32>
      %add3A_1380 = arith.addf %add3A_1372, %get3A_1379 : vector<16xf32>
      %get3A_1381 = arith.constant 0 : i32
      %get3A_1382 = arith.constant 3 : i32
      %get3A_1383 = arith.index_cast %get3A_1381 : i32 to index
      %get3A_1384 = arith.index_cast %get3A_1382 : i32 to index
      %get3A_1385 = arith.constant 80 : index
      %get3A_1386 = tpu.vector_load %arg7[%get3A_1383, %get3A_1384, %get3A_1385] {strides = array<i32>} : memref<3x128x128xf32, #tpu.memory_space<vmem>>, vector<1x1x16xf32>,
      %get3A_1387 = vector.shape_cast %get3A_1386 : vector<1x1x16xf32> to vector<16xf32>
      %add3A_1388 = arith.addf %add3A_1380, %get3A_1387 : vector<16xf32>
      %get3A_1389 = arith.constant 0 : i32
      %get3A_1390 = arith.constant 4 : i32
      %get3A_1391 = arith.index_cast %get3A_1389 : i32 to index
      %get3A_1392 = arith.index_cast %get3A_1390 : i32 to index
      %get3A_1393 = arith.constant 80 : index
      %get3A_1394 = tpu.vector_load %arg7[%get3A_1391, %get3A_1392, %get3A_1393] {strides = array<i32>} : memref<3x128x128xf32, #tpu.memory_space<vmem>>, vector<1x1x16xf32>,
      %get3A_1395 = vector.shape_cast %get3A_1394 : vector<1x1x16xf32> to vector<16xf32>
      %add3A_1396 = arith.addf %add3A_1388, %get3A_1395 : vector<16xf32>
      %get3A_1397 = arith.constant 0 : i32
      %get3A_1398 = arith.constant 5 : i32
      %get3A_1399 = arith.index_cast %get3A_1397 : i32 to index
      %get3A_1400 = arith.index_cast %get3A_1398 : i32 to index
      %get3A_1401 = arith.constant 80 : index
      %get3A_1402 = tpu.vector_load %arg7[%get3A_1399, %get3A_1400, %get3A_1401] {strides = array<i32>} : memref<3x128x128xf32, #tpu.memory_space<vmem>>, vector<1x1x16xf32>,
      %get3A_1403 = vector.shape_cast %get3A_1402 : vector<1x1x16xf32> to vector<16xf32>
      %add3A_1404 = arith.addf %add3A_1396, %get3A_1403 : vector<16xf32>
      %get3A_1405 = arith.constant 0 : i32
      %get3A_1406 = arith.constant 6 : i32
      %get3A_1407 = arith.index_cast %get3A_1405 : i32 to index
      %get3A_1408 = arith.index_cast %get3A_1406 : i32 to index
      %get3A_1409 = arith.constant 80 : index
      %get3A_1410 = tpu.vector_load %arg7[%get3A_1407, %get3A_1408, %get3A_1409] {strides = array<i32>} : memref<3x128x128xf32, #tpu.memory_space<vmem>>, vector<1x1x16xf32>,
      %get3A_1411 = vector.shape_cast %get3A_1410 : vector<1x1x16xf32> to vector<16xf32>
      %add3A_1412 = arith.addf %add3A_1404, %get3A_1411 : vector<16xf32>
      %get3A_1413 = arith.constant 0 : i32
      %get3A_1414 = arith.constant 7 : i32
      %get3A_1415 = arith.index_cast %get3A_1413 : i32 to index
      %get3A_1416 = arith.index_cast %get3A_1414 : i32 to index
      %get3A_1417 = arith.constant 80 : index
      %get3A_1418 = tpu.vector_load %arg7[%get3A_1415, %get3A_1416, %get3A_1417] {strides = array<i32>} : memref<3x128x128xf32, #tpu.memory_space<vmem>>, vector<1x1x16xf32>,
      %get3A_1419 = vector.shape_cast %get3A_1418 : vector<1x1x16xf32> to vector<16xf32>
      %add3A_1420 = arith.addf %add3A_1412, %get3A_1419 : vector<16xf32>
      %get3A_1421 = arith.constant 0 : i32
      %get3A_1422 = arith.constant 8 : i32
      %get3A_1423 = arith.index_cast %get3A_1421 : i32 to index
      %get3A_1424 = arith.index_cast %get3A_1422 : i32 to index
      %get3A_1425 = arith.constant 80 : index
      %get3A_1426 = tpu.vector_load %arg7[%get3A_1423, %get3A_1424, %get3A_1425] {strides = array<i32>} : memref<3x128x128xf32, #tpu.memory_space<vmem>>, vector<1x1x16xf32>,
      %get3A_1427 = vector.shape_cast %get3A_1426 : vector<1x1x16xf32> to vector<16xf32>
      %add3A_1428 = arith.addf %add3A_1420, %get3A_1427 : vector<16xf32>
      %get3A_1429 = arith.constant 0 : i32
      %get3A_1430 = arith.constant 9 : i32
      %get3A_1431 = arith.index_cast %get3A_1429 : i32 to index
      %get3A_1432 = arith.index_cast %get3A_1430 : i32 to index
      %get3A_1433 = arith.constant 80 : index
      %get3A_1434 = tpu.vector_load %arg7[%get3A_1431, %get3A_1432, %get3A_1433] {strides = array<i32>} : memref<3x128x128xf32, #tpu.memory_space<vmem>>, vector<1x1x16xf32>,
      %get3A_1435 = vector.shape_cast %get3A_1434 : vector<1x1x16xf32> to vector<16xf32>
      %add3A_1436 = arith.addf %add3A_1428, %get3A_1435 : vector<16xf32>
      %get3A_1437 = arith.constant 0 : i32
      %get3A_1438 = arith.constant 10 : i32
      %get3A_1439 = arith.index_cast %get3A_1437 : i32 to index
      %get3A_1440 = arith.index_cast %get3A_1438 : i32 to index
      %get3A_1441 = arith.constant 80 : index
      %get3A_1442 = tpu.vector_load %arg7[%get3A_1439, %get3A_1440, %get3A_1441] {strides = array<i32>} : memref<3x128x128xf32, #tpu.memory_space<vmem>>, vector<1x1x16xf32>,
      %get3A_1443 = vector.shape_cast %get3A_1442 : vector<1x1x16xf32> to vector<16xf32>
      %add3A_1444 = arith.addf %add3A_1436, %get3A_1443 : vector<16xf32>
      %get3A_1445 = arith.constant 0 : i32
      %get3A_1446 = arith.constant 11 : i32
      %get3A_1447 = arith.index_cast %get3A_1445 : i32 to index
      %get3A_1448 = arith.index_cast %get3A_1446 : i32 to index
      %get3A_1449 = arith.constant 80 : index
      %get3A_1450 = tpu.vector_load %arg7[%get3A_1447, %get3A_1448, %get3A_1449] {strides = array<i32>} : memref<3x128x128xf32, #tpu.memory_space<vmem>>, vector<1x1x16xf32>,
      %get3A_1451 = vector.shape_cast %get3A_1450 : vector<1x1x16xf32> to vector<16xf32>
      %add3A_1452 = arith.addf %add3A_1444, %get3A_1451 : vector<16xf32>
      %get3A_1453 = arith.constant 0 : i32
      %get3A_1454 = arith.constant 12 : i32
      %get3A_1455 = arith.index_cast %get3A_1453 : i32 to index
      %get3A_1456 = arith.index_cast %get3A_1454 : i32 to index
      %get3A_1457 = arith.constant 80 : index
      %get3A_1458 = tpu.vector_load %arg7[%get3A_1455, %get3A_1456, %get3A_1457] {strides = array<i32>} : memref<3x128x128xf32, #tpu.memory_space<vmem>>, vector<1x1x16xf32>,
      %get3A_1459 = vector.shape_cast %get3A_1458 : vector<1x1x16xf32> to vector<16xf32>
      %add3A_1460 = arith.addf %add3A_1452, %get3A_1459 : vector<16xf32>
      %get3A_1461 = arith.constant 0 : i32
      %get3A_1462 = arith.constant 13 : i32
      %get3A_1463 = arith.index_cast %get3A_1461 : i32 to index
      %get3A_1464 = arith.index_cast %get3A_1462 : i32 to index
      %get3A_1465 = arith.constant 80 : index
      %get3A_1466 = tpu.vector_load %arg7[%get3A_1463, %get3A_1464, %get3A_1465] {strides = array<i32>} : memref<3x128x128xf32, #tpu.memory_space<vmem>>, vector<1x1x16xf32>,
      %get3A_1467 = vector.shape_cast %get3A_1466 : vector<1x1x16xf32> to vector<16xf32>
      %add3A_1468 = arith.addf %add3A_1460, %get3A_1467 : vector<16xf32>
      %get3A_1469 = arith.constant 0 : i32
      %get3A_1470 = arith.constant 14 : i32
      %get3A_1471 = arith.index_cast %get3A_1469 : i32 to index
      %get3A_1472 = arith.index_cast %get3A_1470 : i32 to index
      %get3A_1473 = arith.constant 80 : index
      %get3A_1474 = tpu.vector_load %arg7[%get3A_1471, %get3A_1472, %get3A_1473] {strides = array<i32>} : memref<3x128x128xf32, #tpu.memory_space<vmem>>, vector<1x1x16xf32>,
      %get3A_1475 = vector.shape_cast %get3A_1474 : vector<1x1x16xf32> to vector<16xf32>
      %add3A_1476 = arith.addf %add3A_1468, %get3A_1475 : vector<16xf32>
      %get3A_1477 = arith.constant 0 : i32
      %get3A_1478 = arith.constant 15 : i32
      %get3A_1479 = arith.index_cast %get3A_1477 : i32 to index
      %get3A_1480 = arith.index_cast %get3A_1478 : i32 to index
      %get3A_1481 = arith.constant 80 : index
      %get3A_1482 = tpu.vector_load %arg7[%get3A_1479, %get3A_1480, %get3A_1481] {strides = array<i32>} : memref<3x128x128xf32, #tpu.memory_space<vmem>>, vector<1x1x16xf32>,
      %get3A_1483 = vector.shape_cast %get3A_1482 : vector<1x1x16xf32> to vector<16xf32>
      %add3A_1484 = arith.addf %add3A_1476, %get3A_1483 : vector<16xf32>
      %get3A_1485 = arith.constant 0 : i32
      %get3A_1486 = arith.constant 16 : i32
      %get3A_1487 = arith.index_cast %get3A_1485 : i32 to index
      %get3A_1488 = arith.index_cast %get3A_1486 : i32 to index
      %get3A_1489 = arith.constant 80 : index
      %get3A_1490 = tpu.vector_load %arg7[%get3A_1487, %get3A_1488, %get3A_1489] {strides = array<i32>} : memref<3x128x128xf32, #tpu.memory_space<vmem>>, vector<1x1x16xf32>,
      %get3A_1491 = vector.shape_cast %get3A_1490 : vector<1x1x16xf32> to vector<16xf32>
      %add3A_1492 = arith.addf %add3A_1484, %get3A_1491 : vector<16xf32>
      %get3A_1493 = arith.constant 0 : i32
      %get3A_1494 = arith.constant 17 : i32
      %get3A_1495 = arith.index_cast %get3A_1493 : i32 to index
      %get3A_1496 = arith.index_cast %get3A_1494 : i32 to index
      %get3A_1497 = arith.constant 80 : index
      %get3A_1498 = tpu.vector_load %arg7[%get3A_1495, %get3A_1496, %get3A_1497] {strides = array<i32>} : memref<3x128x128xf32, #tpu.memory_space<vmem>>, vector<1x1x16xf32>,
      %get3A_1499 = vector.shape_cast %get3A_1498 : vector<1x1x16xf32> to vector<16xf32>
      %add3A_1500 = arith.addf %add3A_1492, %get3A_1499 : vector<16xf32>
      %get3A_1501 = arith.constant 0 : i32
      %get3A_1502 = arith.constant 18 : i32
      %get3A_1503 = arith.index_cast %get3A_1501 : i32 to index
      %get3A_1504 = arith.index_cast %get3A_1502 : i32 to index
      %get3A_1505 = arith.constant 80 : index
      %get3A_1506 = tpu.vector_load %arg7[%get3A_1503, %get3A_1504, %get3A_1505] {strides = array<i32>} : memref<3x128x128xf32, #tpu.memory_space<vmem>>, vector<1x1x16xf32>,
      %get3A_1507 = vector.shape_cast %get3A_1506 : vector<1x1x16xf32> to vector<16xf32>
      %add3A_1508 = arith.addf %add3A_1500, %get3A_1507 : vector<16xf32>
      %get3A_1509 = arith.constant 0 : i32
      %get3A_1510 = arith.constant 19 : i32
      %get3A_1511 = arith.index_cast %get3A_1509 : i32 to index
      %get3A_1512 = arith.index_cast %get3A_1510 : i32 to index
      %get3A_1513 = arith.constant 80 : index
      %get3A_1514 = tpu.vector_load %arg7[%get3A_1511, %get3A_1512, %get3A_1513] {strides = array<i32>} : memref<3x128x128xf32, #tpu.memory_space<vmem>>, vector<1x1x16xf32>,
      %get3A_1515 = vector.shape_cast %get3A_1514 : vector<1x1x16xf32> to vector<16xf32>
      %add3A_1516 = arith.addf %add3A_1508, %get3A_1515 : vector<16xf32>
      %get3A_1517 = arith.constant 0 : i32
      %get3A_1518 = arith.constant 20 : i32
      %get3A_1519 = arith.index_cast %get3A_1517 : i32 to index
      %get3A_1520 = arith.index_cast %get3A_1518 : i32 to index
      %get3A_1521 = arith.constant 80 : index
      %get3A_1522 = tpu.vector_load %arg7[%get3A_1519, %get3A_1520, %get3A_1521] {strides = array<i32>} : memref<3x128x128xf32, #tpu.memory_space<vmem>>, vector<1x1x16xf32>,
      %get3A_1523 = vector.shape_cast %get3A_1522 : vector<1x1x16xf32> to vector<16xf32>
      %add3A_1524 = arith.addf %add3A_1516, %get3A_1523 : vector<16xf32>
      %get3A_1525 = arith.constant 0 : i32
      %get3A_1526 = arith.constant 21 : i32
      %get3A_1527 = arith.index_cast %get3A_1525 : i32 to index
      %get3A_1528 = arith.index_cast %get3A_1526 : i32 to index
      %get3A_1529 = arith.constant 80 : index
      %get3A_1530 = tpu.vector_load %arg7[%get3A_1527, %get3A_1528, %get3A_1529] {strides = array<i32>} : memref<3x128x128xf32, #tpu.memory_space<vmem>>, vector<1x1x16xf32>,
      %get3A_1531 = vector.shape_cast %get3A_1530 : vector<1x1x16xf32> to vector<16xf32>
      %add3A_1532 = arith.addf %add3A_1524, %get3A_1531 : vector<16xf32>
      %get3A_1533 = arith.constant 0 : i32
      %get3A_1534 = arith.constant 22 : i32
      %get3A_1535 = arith.index_cast %get3A_1533 : i32 to index
      %get3A_1536 = arith.index_cast %get3A_1534 : i32 to index
      %get3A_1537 = arith.constant 80 : index
      %get3A_1538 = tpu.vector_load %arg7[%get3A_1535, %get3A_1536, %get3A_1537] {strides = array<i32>} : memref<3x128x128xf32, #tpu.memory_space<vmem>>, vector<1x1x16xf32>,
      %get3A_1539 = vector.shape_cast %get3A_1538 : vector<1x1x16xf32> to vector<16xf32>
      %add3A_1540 = arith.addf %add3A_1532, %get3A_1539 : vector<16xf32>
      %get3A_1541 = arith.constant 0 : i32
      %get3A_1542 = arith.constant 23 : i32
      %get3A_1543 = arith.index_cast %get3A_1541 : i32 to index
      %get3A_1544 = arith.index_cast %get3A_1542 : i32 to index
      %get3A_1545 = arith.constant 80 : index
      %get3A_1546 = tpu.vector_load %arg7[%get3A_1543, %get3A_1544, %get3A_1545] {strides = array<i32>} : memref<3x128x128xf32, #tpu.memory_space<vmem>>, vector<1x1x16xf32>,
      %get3A_1547 = vector.shape_cast %get3A_1546 : vector<1x1x16xf32> to vector<16xf32>
      %add3A_1548 = arith.addf %add3A_1540, %get3A_1547 : vector<16xf32>
      %get3A_1549 = arith.constant 0 : i32
      %get3A_1550 = arith.constant 24 : i32
      %get3A_1551 = arith.index_cast %get3A_1549 : i32 to index
      %get3A_1552 = arith.index_cast %get3A_1550 : i32 to index
      %get3A_1553 = arith.constant 80 : index
      %get3A_1554 = tpu.vector_load %arg7[%get3A_1551, %get3A_1552, %get3A_1553] {strides = array<i32>} : memref<3x128x128xf32, #tpu.memory_space<vmem>>, vector<1x1x16xf32>,
      %get3A_1555 = vector.shape_cast %get3A_1554 : vector<1x1x16xf32> to vector<16xf32>
      %add3A_1556 = arith.addf %add3A_1548, %get3A_1555 : vector<16xf32>
      %get3A_1557 = arith.constant 0 : i32
      %get3A_1558 = arith.constant 25 : i32
      %get3A_1559 = arith.index_cast %get3A_1557 : i32 to index
      %get3A_1560 = arith.index_cast %get3A_1558 : i32 to index
      %get3A_1561 = arith.constant 80 : index
      %get3A_1562 = tpu.vector_load %arg7[%get3A_1559, %get3A_1560, %get3A_1561] {strides = array<i32>} : memref<3x128x128xf32, #tpu.memory_space<vmem>>, vector<1x1x16xf32>,
      %get3A_1563 = vector.shape_cast %get3A_1562 : vector<1x1x16xf32> to vector<16xf32>
      %add3A_1564 = arith.addf %add3A_1556, %get3A_1563 : vector<16xf32>
      %get3A_1565 = arith.constant 0 : i32
      %get3A_1566 = arith.constant 26 : i32
      %get3A_1567 = arith.index_cast %get3A_1565 : i32 to index
      %get3A_1568 = arith.index_cast %get3A_1566 : i32 to index
      %get3A_1569 = arith.constant 80 : index
      %get3A_1570 = tpu.vector_load %arg7[%get3A_1567, %get3A_1568, %get3A_1569] {strides = array<i32>} : memref<3x128x128xf32, #tpu.memory_space<vmem>>, vector<1x1x16xf32>,
      %get3A_1571 = vector.shape_cast %get3A_1570 : vector<1x1x16xf32> to vector<16xf32>
      %add3A_1572 = arith.addf %add3A_1564, %get3A_1571 : vector<16xf32>
      %get3A_1573 = arith.constant 0 : i32
      %get3A_1574 = arith.constant 27 : i32
      %get3A_1575 = arith.index_cast %get3A_1573 : i32 to index
      %get3A_1576 = arith.index_cast %get3A_1574 : i32 to index
      %get3A_1577 = arith.constant 80 : index
      %get3A_1578 = tpu.vector_load %arg7[%get3A_1575, %get3A_1576, %get3A_1577] {strides = array<i32>} : memref<3x128x128xf32, #tpu.memory_space<vmem>>, vector<1x1x16xf32>,
      %get3A_1579 = vector.shape_cast %get3A_1578 : vector<1x1x16xf32> to vector<16xf32>
      %add3A_1580 = arith.addf %add3A_1572, %get3A_1579 : vector<16xf32>
      %get3A_1581 = arith.constant 0 : i32
      %get3A_1582 = arith.constant 28 : i32
      %get3A_1583 = arith.index_cast %get3A_1581 : i32 to index
      %get3A_1584 = arith.index_cast %get3A_1582 : i32 to index
      %get3A_1585 = arith.constant 80 : index
      %get3A_1586 = tpu.vector_load %arg7[%get3A_1583, %get3A_1584, %get3A_1585] {strides = array<i32>} : memref<3x128x128xf32, #tpu.memory_space<vmem>>, vector<1x1x16xf32>,
      %get3A_1587 = vector.shape_cast %get3A_1586 : vector<1x1x16xf32> to vector<16xf32>
      %add3A_1588 = arith.addf %add3A_1580, %get3A_1587 : vector<16xf32>
      %get3A_1589 = arith.constant 0 : i32
      %get3A_1590 = arith.constant 29 : i32
      %get3A_1591 = arith.index_cast %get3A_1589 : i32 to index
      %get3A_1592 = arith.index_cast %get3A_1590 : i32 to index
      %get3A_1593 = arith.constant 80 : index
      %get3A_1594 = tpu.vector_load %arg7[%get3A_1591, %get3A_1592, %get3A_1593] {strides = array<i32>} : memref<3x128x128xf32, #tpu.memory_space<vmem>>, vector<1x1x16xf32>,
      %get3A_1595 = vector.shape_cast %get3A_1594 : vector<1x1x16xf32> to vector<16xf32>
      %add3A_1596 = arith.addf %add3A_1588, %get3A_1595 : vector<16xf32>
      %get3A_1597 = arith.constant 0 : i32
      %get3A_1598 = arith.constant 30 : i32
      %get3A_1599 = arith.index_cast %get3A_1597 : i32 to index
      %get3A_1600 = arith.index_cast %get3A_1598 : i32 to index
      %get3A_1601 = arith.constant 80 : index
      %get3A_1602 = tpu.vector_load %arg7[%get3A_1599, %get3A_1600, %get3A_1601] {strides = array<i32>} : memref<3x128x128xf32, #tpu.memory_space<vmem>>, vector<1x1x16xf32>,
      %get3A_1603 = vector.shape_cast %get3A_1602 : vector<1x1x16xf32> to vector<16xf32>
      %add3A_1604 = arith.addf %add3A_1596, %get3A_1603 : vector<16xf32>
      %get3A_1605 = arith.constant 0 : i32
      %get3A_1606 = arith.constant 31 : i32
      %get3A_1607 = arith.index_cast %get3A_1605 : i32 to index
      %get3A_1608 = arith.index_cast %get3A_1606 : i32 to index
      %get3A_1609 = arith.constant 80 : index
      %get3A_1610 = tpu.vector_load %arg7[%get3A_1607, %get3A_1608, %get3A_1609] {strides = array<i32>} : memref<3x128x128xf32, #tpu.memory_space<vmem>>, vector<1x1x16xf32>,
      %get3A_1611 = vector.shape_cast %get3A_1610 : vector<1x1x16xf32> to vector<16xf32>
      %add3A_1612 = arith.addf %add3A_1604, %get3A_1611 : vector<16xf32>
      %swap3A_1613 = arith.constant 0 : i32
      %swap3A_1614 = arith.index_cast %swap3A_1613 : i32 to index
      %swap3A_1615 = arith.constant 80 : index
      %swap3A_1616 = tpu.vector_load %arg8[%swap3A_1614, %swap3A_1615] {strides = array<i32>} : memref<312x128xf32, #tpu.memory_space<vmem>>, vector<1x16xf32>,
      %swap3A_1617 = vector.shape_cast %swap3A_1616 : vector<1x16xf32> to vector<16xf32>
      %swap3A_1618 = vector.shape_cast %add3A_1612 : vector<16xf32> to vector<1x16xf32>
      tpu.vector_store %arg8[%swap3A_1614, %swap3A_1615], %swap3A_1618 {strides = array<i32>} : memref<312x128xf32, #tpu.memory_space<vmem>>, vector<1x16xf32>,
      %get3A_1619 = arith.constant 0 : i32
      %get3A_1620 = arith.constant 0 : i32
      %get3A_1621 = arith.index_cast %get3A_1619 : i32 to index
      %get3A_1622 = arith.index_cast %get3A_1620 : i32 to index
      %get3A_1623 = arith.constant 96 : index
      %get3A_1624 = tpu.vector_load %arg7[%get3A_1621, %get3A_1622, %get3A_1623] {strides = array<i32>} : memref<3x128x128xf32, #tpu.memory_space<vmem>>, vector<1x1x16xf32>,
      %get3A_1625 = vector.shape_cast %get3A_1624 : vector<1x1x16xf32> to vector<16xf32>
      %get3A_1626 = arith.constant 0 : i32
      %get3A_1627 = arith.constant 1 : i32
      %get3A_1628 = arith.index_cast %get3A_1626 : i32 to index
      %get3A_1629 = arith.index_cast %get3A_1627 : i32 to index
      %get3A_1630 = arith.constant 96 : index
      %get3A_1631 = tpu.vector_load %arg7[%get3A_1628, %get3A_1629, %get3A_1630] {strides = array<i32>} : memref<3x128x128xf32, #tpu.memory_space<vmem>>, vector<1x1x16xf32>,
      %get3A_1632 = vector.shape_cast %get3A_1631 : vector<1x1x16xf32> to vector<16xf32>
      %add3A_1633 = arith.addf %get3A_1625, %get3A_1632 : vector<16xf32>
      %get3A_1634 = arith.constant 0 : i32
      %get3A_1635 = arith.constant 2 : i32
      %get3A_1636 = arith.index_cast %get3A_1634 : i32 to index
      %get3A_1637 = arith.index_cast %get3A_1635 : i32 to index
      %get3A_1638 = arith.constant 96 : index
      %get3A_1639 = tpu.vector_load %arg7[%get3A_1636, %get3A_1637, %get3A_1638] {strides = array<i32>} : memref<3x128x128xf32, #tpu.memory_space<vmem>>, vector<1x1x16xf32>,
      %get3A_1640 = vector.shape_cast %get3A_1639 : vector<1x1x16xf32> to vector<16xf32>
      %add3A_1641 = arith.addf %add3A_1633, %get3A_1640 : vector<16xf32>
      %get3A_1642 = arith.constant 0 : i32
      %get3A_1643 = arith.constant 3 : i32
      %get3A_1644 = arith.index_cast %get3A_1642 : i32 to index
      %get3A_1645 = arith.index_cast %get3A_1643 : i32 to index
      %get3A_1646 = arith.constant 96 : index
      %get3A_1647 = tpu.vector_load %arg7[%get3A_1644, %get3A_1645, %get3A_1646] {strides = array<i32>} : memref<3x128x128xf32, #tpu.memory_space<vmem>>, vector<1x1x16xf32>,
      %get3A_1648 = vector.shape_cast %get3A_1647 : vector<1x1x16xf32> to vector<16xf32>
      %add3A_1649 = arith.addf %add3A_1641, %get3A_1648 : vector<16xf32>
      %get3A_1650 = arith.constant 0 : i32
      %get3A_1651 = arith.constant 4 : i32
      %get3A_1652 = arith.index_cast %get3A_1650 : i32 to index
      %get3A_1653 = arith.index_cast %get3A_1651 : i32 to index
      %get3A_1654 = arith.constant 96 : index
      %get3A_1655 = tpu.vector_load %arg7[%get3A_1652, %get3A_1653, %get3A_1654] {strides = array<i32>} : memref<3x128x128xf32, #tpu.memory_space<vmem>>, vector<1x1x16xf32>,
      %get3A_1656 = vector.shape_cast %get3A_1655 : vector<1x1x16xf32> to vector<16xf32>
      %add3A_1657 = arith.addf %add3A_1649, %get3A_1656 : vector<16xf32>
      %get3A_1658 = arith.constant 0 : i32
      %get3A_1659 = arith.constant 5 : i32
      %get3A_1660 = arith.index_cast %get3A_1658 : i32 to index
      %get3A_1661 = arith.index_cast %get3A_1659 : i32 to index
      %get3A_1662 = arith.constant 96 : index
      %get3A_1663 = tpu.vector_load %arg7[%get3A_1660, %get3A_1661, %get3A_1662] {strides = array<i32>} : memref<3x128x128xf32, #tpu.memory_space<vmem>>, vector<1x1x16xf32>,
      %get3A_1664 = vector.shape_cast %get3A_1663 : vector<1x1x16xf32> to vector<16xf32>
      %add3A_1665 = arith.addf %add3A_1657, %get3A_1664 : vector<16xf32>
      %get3A_1666 = arith.constant 0 : i32
      %get3A_1667 = arith.constant 6 : i32
      %get3A_1668 = arith.index_cast %get3A_1666 : i32 to index
      %get3A_1669 = arith.index_cast %get3A_1667 : i32 to index
      %get3A_1670 = arith.constant 96 : index
      %get3A_1671 = tpu.vector_load %arg7[%get3A_1668, %get3A_1669, %get3A_1670] {strides = array<i32>} : memref<3x128x128xf32, #tpu.memory_space<vmem>>, vector<1x1x16xf32>,
      %get3A_1672 = vector.shape_cast %get3A_1671 : vector<1x1x16xf32> to vector<16xf32>
      %add3A_1673 = arith.addf %add3A_1665, %get3A_1672 : vector<16xf32>
      %get3A_1674 = arith.constant 0 : i32
      %get3A_1675 = arith.constant 7 : i32
      %get3A_1676 = arith.index_cast %get3A_1674 : i32 to index
      %get3A_1677 = arith.index_cast %get3A_1675 : i32 to index
      %get3A_1678 = arith.constant 96 : index
      %get3A_1679 = tpu.vector_load %arg7[%get3A_1676, %get3A_1677, %get3A_1678] {strides = array<i32>} : memref<3x128x128xf32, #tpu.memory_space<vmem>>, vector<1x1x16xf32>,
      %get3A_1680 = vector.shape_cast %get3A_1679 : vector<1x1x16xf32> to vector<16xf32>
      %add3A_1681 = arith.addf %add3A_1673, %get3A_1680 : vector<16xf32>
      %get3A_1682 = arith.constant 0 : i32
      %get3A_1683 = arith.constant 8 : i32
      %get3A_1684 = arith.index_cast %get3A_1682 : i32 to index
      %get3A_1685 = arith.index_cast %get3A_1683 : i32 to index
      %get3A_1686 = arith.constant 96 : index
      %get3A_1687 = tpu.vector_load %arg7[%get3A_1684, %get3A_1685, %get3A_1686] {strides = array<i32>} : memref<3x128x128xf32, #tpu.memory_space<vmem>>, vector<1x1x16xf32>,
      %get3A_1688 = vector.shape_cast %get3A_1687 : vector<1x1x16xf32> to vector<16xf32>
      %add3A_1689 = arith.addf %add3A_1681, %get3A_1688 : vector<16xf32>
      %get3A_1690 = arith.constant 0 : i32
      %get3A_1691 = arith.constant 9 : i32
      %get3A_1692 = arith.index_cast %get3A_1690 : i32 to index
      %get3A_1693 = arith.index_cast %get3A_1691 : i32 to index
      %get3A_1694 = arith.constant 96 : index
      %get3A_1695 = tpu.vector_load %arg7[%get3A_1692, %get3A_1693, %get3A_1694] {strides = array<i32>} : memref<3x128x128xf32, #tpu.memory_space<vmem>>, vector<1x1x16xf32>,
      %get3A_1696 = vector.shape_cast %get3A_1695 : vector<1x1x16xf32> to vector<16xf32>
      %add3A_1697 = arith.addf %add3A_1689, %get3A_1696 : vector<16xf32>
      %get3A_1698 = arith.constant 0 : i32
      %get3A_1699 = arith.constant 10 : i32
      %get3A_1700 = arith.index_cast %get3A_1698 : i32 to index
      %get3A_1701 = arith.index_cast %get3A_1699 : i32 to index
      %get3A_1702 = arith.constant 96 : index
      %get3A_1703 = tpu.vector_load %arg7[%get3A_1700, %get3A_1701, %get3A_1702] {strides = array<i32>} : memref<3x128x128xf32, #tpu.memory_space<vmem>>, vector<1x1x16xf32>,
      %get3A_1704 = vector.shape_cast %get3A_1703 : vector<1x1x16xf32> to vector<16xf32>
      %add3A_1705 = arith.addf %add3A_1697, %get3A_1704 : vector<16xf32>
      %get3A_1706 = arith.constant 0 : i32
      %get3A_1707 = arith.constant 11 : i32
      %get3A_1708 = arith.index_cast %get3A_1706 : i32 to index
      %get3A_1709 = arith.index_cast %get3A_1707 : i32 to index
      %get3A_1710 = arith.constant 96 : index
      %get3A_1711 = tpu.vector_load %arg7[%get3A_1708, %get3A_1709, %get3A_1710] {strides = array<i32>} : memref<3x128x128xf32, #tpu.memory_space<vmem>>, vector<1x1x16xf32>,
      %get3A_1712 = vector.shape_cast %get3A_1711 : vector<1x1x16xf32> to vector<16xf32>
      %add3A_1713 = arith.addf %add3A_1705, %get3A_1712 : vector<16xf32>
      %get3A_1714 = arith.constant 0 : i32
      %get3A_1715 = arith.constant 12 : i32
      %get3A_1716 = arith.index_cast %get3A_1714 : i32 to index
      %get3A_1717 = arith.index_cast %get3A_1715 : i32 to index
      %get3A_1718 = arith.constant 96 : index
      %get3A_1719 = tpu.vector_load %arg7[%get3A_1716, %get3A_1717, %get3A_1718] {strides = array<i32>} : memref<3x128x128xf32, #tpu.memory_space<vmem>>, vector<1x1x16xf32>,
      %get3A_1720 = vector.shape_cast %get3A_1719 : vector<1x1x16xf32> to vector<16xf32>
      %add3A_1721 = arith.addf %add3A_1713, %get3A_1720 : vector<16xf32>
      %get3A_1722 = arith.constant 0 : i32
      %get3A_1723 = arith.constant 13 : i32
      %get3A_1724 = arith.index_cast %get3A_1722 : i32 to index
      %get3A_1725 = arith.index_cast %get3A_1723 : i32 to index
      %get3A_1726 = arith.constant 96 : index
      %get3A_1727 = tpu.vector_load %arg7[%get3A_1724, %get3A_1725, %get3A_1726] {strides = array<i32>} : memref<3x128x128xf32, #tpu.memory_space<vmem>>, vector<1x1x16xf32>,
      %get3A_1728 = vector.shape_cast %get3A_1727 : vector<1x1x16xf32> to vector<16xf32>
      %add3A_1729 = arith.addf %add3A_1721, %get3A_1728 : vector<16xf32>
      %get3A_1730 = arith.constant 0 : i32
      %get3A_1731 = arith.constant 14 : i32
      %get3A_1732 = arith.index_cast %get3A_1730 : i32 to index
      %get3A_1733 = arith.index_cast %get3A_1731 : i32 to index
      %get3A_1734 = arith.constant 96 : index
      %get3A_1735 = tpu.vector_load %arg7[%get3A_1732, %get3A_1733, %get3A_1734] {strides = array<i32>} : memref<3x128x128xf32, #tpu.memory_space<vmem>>, vector<1x1x16xf32>,
      %get3A_1736 = vector.shape_cast %get3A_1735 : vector<1x1x16xf32> to vector<16xf32>
      %add3A_1737 = arith.addf %add3A_1729, %get3A_1736 : vector<16xf32>
      %get3A_1738 = arith.constant 0 : i32
      %get3A_1739 = arith.constant 15 : i32
      %get3A_1740 = arith.index_cast %get3A_1738 : i32 to index
      %get3A_1741 = arith.index_cast %get3A_1739 : i32 to index
      %get3A_1742 = arith.constant 96 : index
      %get3A_1743 = tpu.vector_load %arg7[%get3A_1740, %get3A_1741, %get3A_1742] {strides = array<i32>} : memref<3x128x128xf32, #tpu.memory_space<vmem>>, vector<1x1x16xf32>,
      %get3A_1744 = vector.shape_cast %get3A_1743 : vector<1x1x16xf32> to vector<16xf32>
      %add3A_1745 = arith.addf %add3A_1737, %get3A_1744 : vector<16xf32>
      %get3A_1746 = arith.constant 0 : i32
      %get3A_1747 = arith.constant 16 : i32
      %get3A_1748 = arith.index_cast %get3A_1746 : i32 to index
      %get3A_1749 = arith.index_cast %get3A_1747 : i32 to index
      %get3A_1750 = arith.constant 96 : index
      %get3A_1751 = tpu.vector_load %arg7[%get3A_1748, %get3A_1749, %get3A_1750] {strides = array<i32>} : memref<3x128x128xf32, #tpu.memory_space<vmem>>, vector<1x1x16xf32>,
      %get3A_1752 = vector.shape_cast %get3A_1751 : vector<1x1x16xf32> to vector<16xf32>
      %add3A_1753 = arith.addf %add3A_1745, %get3A_1752 : vector<16xf32>
      %get3A_1754 = arith.constant 0 : i32
      %get3A_1755 = arith.constant 17 : i32
      %get3A_1756 = arith.index_cast %get3A_1754 : i32 to index
      %get3A_1757 = arith.index_cast %get3A_1755 : i32 to index
      %get3A_1758 = arith.constant 96 : index
      %get3A_1759 = tpu.vector_load %arg7[%get3A_1756, %get3A_1757, %get3A_1758] {strides = array<i32>} : memref<3x128x128xf32, #tpu.memory_space<vmem>>, vector<1x1x16xf32>,
      %get3A_1760 = vector.shape_cast %get3A_1759 : vector<1x1x16xf32> to vector<16xf32>
      %add3A_1761 = arith.addf %add3A_1753, %get3A_1760 : vector<16xf32>
      %get3A_1762 = arith.constant 0 : i32
      %get3A_1763 = arith.constant 18 : i32
      %get3A_1764 = arith.index_cast %get3A_1762 : i32 to index
      %get3A_1765 = arith.index_cast %get3A_1763 : i32 to index
      %get3A_1766 = arith.constant 96 : index
      %get3A_1767 = tpu.vector_load %arg7[%get3A_1764, %get3A_1765, %get3A_1766] {strides = array<i32>} : memref<3x128x128xf32, #tpu.memory_space<vmem>>, vector<1x1x16xf32>,
      %get3A_1768 = vector.shape_cast %get3A_1767 : vector<1x1x16xf32> to vector<16xf32>
      %add3A_1769 = arith.addf %add3A_1761, %get3A_1768 : vector<16xf32>
      %get3A_1770 = arith.constant 0 : i32
      %get3A_1771 = arith.constant 19 : i32
      %get3A_1772 = arith.index_cast %get3A_1770 : i32 to index
      %get3A_1773 = arith.index_cast %get3A_1771 : i32 to index
      %get3A_1774 = arith.constant 96 : index
      %get3A_1775 = tpu.vector_load %arg7[%get3A_1772, %get3A_1773, %get3A_1774] {strides = array<i32>} : memref<3x128x128xf32, #tpu.memory_space<vmem>>, vector<1x1x16xf32>,
      %get3A_1776 = vector.shape_cast %get3A_1775 : vector<1x1x16xf32> to vector<16xf32>
      %add3A_1777 = arith.addf %add3A_1769, %get3A_1776 : vector<16xf32>
      %get3A_1778 = arith.constant 0 : i32
      %get3A_1779 = arith.constant 20 : i32
      %get3A_1780 = arith.index_cast %get3A_1778 : i32 to index
      %get3A_1781 = arith.index_cast %get3A_1779 : i32 to index
      %get3A_1782 = arith.constant 96 : index
      %get3A_1783 = tpu.vector_load %arg7[%get3A_1780, %get3A_1781, %get3A_1782] {strides = array<i32>} : memref<3x128x128xf32, #tpu.memory_space<vmem>>, vector<1x1x16xf32>,
      %get3A_1784 = vector.shape_cast %get3A_1783 : vector<1x1x16xf32> to vector<16xf32>
      %add3A_1785 = arith.addf %add3A_1777, %get3A_1784 : vector<16xf32>
      %get3A_1786 = arith.constant 0 : i32
      %get3A_1787 = arith.constant 21 : i32
      %get3A_1788 = arith.index_cast %get3A_1786 : i32 to index
      %get3A_1789 = arith.index_cast %get3A_1787 : i32 to index
      %get3A_1790 = arith.constant 96 : index
      %get3A_1791 = tpu.vector_load %arg7[%get3A_1788, %get3A_1789, %get3A_1790] {strides = array<i32>} : memref<3x128x128xf32, #tpu.memory_space<vmem>>, vector<1x1x16xf32>,
      %get3A_1792 = vector.shape_cast %get3A_1791 : vector<1x1x16xf32> to vector<16xf32>
      %add3A_1793 = arith.addf %add3A_1785, %get3A_1792 : vector<16xf32>
      %get3A_1794 = arith.constant 0 : i32
      %get3A_1795 = arith.constant 22 : i32
      %get3A_1796 = arith.index_cast %get3A_1794 : i32 to index
      %get3A_1797 = arith.index_cast %get3A_1795 : i32 to index
      %get3A_1798 = arith.constant 96 : index
      %get3A_1799 = tpu.vector_load %arg7[%get3A_1796, %get3A_1797, %get3A_1798] {strides = array<i32>} : memref<3x128x128xf32, #tpu.memory_space<vmem>>, vector<1x1x16xf32>,
      %get3A_1800 = vector.shape_cast %get3A_1799 : vector<1x1x16xf32> to vector<16xf32>
      %add3A_1801 = arith.addf %add3A_1793, %get3A_1800 : vector<16xf32>
      %get3A_1802 = arith.constant 0 : i32
      %get3A_1803 = arith.constant 23 : i32
      %get3A_1804 = arith.index_cast %get3A_1802 : i32 to index
      %get3A_1805 = arith.index_cast %get3A_1803 : i32 to index
      %get3A_1806 = arith.constant 96 : index
      %get3A_1807 = tpu.vector_load %arg7[%get3A_1804, %get3A_1805, %get3A_1806] {strides = array<i32>} : memref<3x128x128xf32, #tpu.memory_space<vmem>>, vector<1x1x16xf32>,
      %get3A_1808 = vector.shape_cast %get3A_1807 : vector<1x1x16xf32> to vector<16xf32>
      %add3A_1809 = arith.addf %add3A_1801, %get3A_1808 : vector<16xf32>
      %get3A_1810 = arith.constant 0 : i32
      %get3A_1811 = arith.constant 24 : i32
      %get3A_1812 = arith.index_cast %get3A_1810 : i32 to index
      %get3A_1813 = arith.index_cast %get3A_1811 : i32 to index
      %get3A_1814 = arith.constant 96 : index
      %get3A_1815 = tpu.vector_load %arg7[%get3A_1812, %get3A_1813, %get3A_1814] {strides = array<i32>} : memref<3x128x128xf32, #tpu.memory_space<vmem>>, vector<1x1x16xf32>,
      %get3A_1816 = vector.shape_cast %get3A_1815 : vector<1x1x16xf32> to vector<16xf32>
      %add3A_1817 = arith.addf %add3A_1809, %get3A_1816 : vector<16xf32>
      %get3A_1818 = arith.constant 0 : i32
      %get3A_1819 = arith.constant 25 : i32
      %get3A_1820 = arith.index_cast %get3A_1818 : i32 to index
      %get3A_1821 = arith.index_cast %get3A_1819 : i32 to index
      %get3A_1822 = arith.constant 96 : index
      %get3A_1823 = tpu.vector_load %arg7[%get3A_1820, %get3A_1821, %get3A_1822] {strides = array<i32>} : memref<3x128x128xf32, #tpu.memory_space<vmem>>, vector<1x1x16xf32>,
      %get3A_1824 = vector.shape_cast %get3A_1823 : vector<1x1x16xf32> to vector<16xf32>
      %add3A_1825 = arith.addf %add3A_1817, %get3A_1824 : vector<16xf32>
      %get3A_1826 = arith.constant 0 : i32
      %get3A_1827 = arith.constant 26 : i32
      %get3A_1828 = arith.index_cast %get3A_1826 : i32 to index
      %get3A_1829 = arith.index_cast %get3A_1827 : i32 to index
      %get3A_1830 = arith.constant 96 : index
      %get3A_1831 = tpu.vector_load %arg7[%get3A_1828, %get3A_1829, %get3A_1830] {strides = array<i32>} : memref<3x128x128xf32, #tpu.memory_space<vmem>>, vector<1x1x16xf32>,
      %get3A_1832 = vector.shape_cast %get3A_1831 : vector<1x1x16xf32> to vector<16xf32>
      %add3A_1833 = arith.addf %add3A_1825, %get3A_1832 : vector<16xf32>
      %get3A_1834 = arith.constant 0 : i32
      %get3A_1835 = arith.constant 27 : i32
      %get3A_1836 = arith.index_cast %get3A_1834 : i32 to index
      %get3A_1837 = arith.index_cast %get3A_1835 : i32 to index
      %get3A_1838 = arith.constant 96 : index
      %get3A_1839 = tpu.vector_load %arg7[%get3A_1836, %get3A_1837, %get3A_1838] {strides = array<i32>} : memref<3x128x128xf32, #tpu.memory_space<vmem>>, vector<1x1x16xf32>,
      %get3A_1840 = vector.shape_cast %get3A_1839 : vector<1x1x16xf32> to vector<16xf32>
      %add3A_1841 = arith.addf %add3A_1833, %get3A_1840 : vector<16xf32>
      %get3A_1842 = arith.constant 0 : i32
      %get3A_1843 = arith.constant 28 : i32
      %get3A_1844 = arith.index_cast %get3A_1842 : i32 to index
      %get3A_1845 = arith.index_cast %get3A_1843 : i32 to index
      %get3A_1846 = arith.constant 96 : index
      %get3A_1847 = tpu.vector_load %arg7[%get3A_1844, %get3A_1845, %get3A_1846] {strides = array<i32>} : memref<3x128x128xf32, #tpu.memory_space<vmem>>, vector<1x1x16xf32>,
      %get3A_1848 = vector.shape_cast %get3A_1847 : vector<1x1x16xf32> to vector<16xf32>
      %add3A_1849 = arith.addf %add3A_1841, %get3A_1848 : vector<16xf32>
      %get3A_1850 = arith.constant 0 : i32
      %get3A_1851 = arith.constant 29 : i32
      %get3A_1852 = arith.index_cast %get3A_1850 : i32 to index
      %get3A_1853 = arith.index_cast %get3A_1851 : i32 to index
      %get3A_1854 = arith.constant 96 : index
      %get3A_1855 = tpu.vector_load %arg7[%get3A_1852, %get3A_1853, %get3A_1854] {strides = array<i32>} : memref<3x128x128xf32, #tpu.memory_space<vmem>>, vector<1x1x16xf32>,
      %get3A_1856 = vector.shape_cast %get3A_1855 : vector<1x1x16xf32> to vector<16xf32>
      %add3A_1857 = arith.addf %add3A_1849, %get3A_1856 : vector<16xf32>
      %get3A_1858 = arith.constant 0 : i32
      %get3A_1859 = arith.constant 30 : i32
      %get3A_1860 = arith.index_cast %get3A_1858 : i32 to index
      %get3A_1861 = arith.index_cast %get3A_1859 : i32 to index
      %get3A_1862 = arith.constant 96 : index
      %get3A_1863 = tpu.vector_load %arg7[%get3A_1860, %get3A_1861, %get3A_1862] {strides = array<i32>} : memref<3x128x128xf32, #tpu.memory_space<vmem>>, vector<1x1x16xf32>,
      %get3A_1864 = vector.shape_cast %get3A_1863 : vector<1x1x16xf32> to vector<16xf32>
      %add3A_1865 = arith.addf %add3A_1857, %get3A_1864 : vector<16xf32>
      %get3A_1866 = arith.constant 0 : i32
      %get3A_1867 = arith.constant 31 : i32
      %get3A_1868 = arith.index_cast %get3A_1866 : i32 to index
      %get3A_1869 = arith.index_cast %get3A_1867 : i32 to index
      %get3A_1870 = arith.constant 96 : index
      %get3A_1871 = tpu.vector_load %arg7[%get3A_1868, %get3A_1869, %get3A_1870] {strides = array<i32>} : memref<3x128x128xf32, #tpu.memory_space<vmem>>, vector<1x1x16xf32>,
      %get3A_1872 = vector.shape_cast %get3A_1871 : vector<1x1x16xf32> to vector<16xf32>
      %add3A_1873 = arith.addf %add3A_1865, %get3A_1872 : vector<16xf32>
      %swap3A_1874 = arith.constant 0 : i32
      %swap3A_1875 = arith.index_cast %swap3A_1874 : i32 to index
      %swap3A_1876 = arith.constant 96 : index
      %swap3A_1877 = tpu.vector_load %arg8[%swap3A_1875, %swap3A_1876] {strides = array<i32>} : memref<312x128xf32, #tpu.memory_space<vmem>>, vector<1x16xf32>,
      %swap3A_1878 = vector.shape_cast %swap3A_1877 : vector<1x16xf32> to vector<16xf32>
      %swap3A_1879 = vector.shape_cast %add3A_1873 : vector<16xf32> to vector<1x16xf32>
      tpu.vector_store %arg8[%swap3A_1875, %swap3A_1876], %swap3A_1879 {strides = array<i32>} : memref<312x128xf32, #tpu.memory_space<vmem>>, vector<1x16xf32>,
      %get3A_1880 = arith.constant 0 : i32
      %get3A_1881 = arith.constant 0 : i32
      %get3A_1882 = arith.index_cast %get3A_1880 : i32 to index
      %get3A_1883 = arith.index_cast %get3A_1881 : i32 to index
      %get3A_1884 = arith.constant 112 : index
      %get3A_1885 = tpu.vector_load %arg7[%get3A_1882, %get3A_1883, %get3A_1884] {strides = array<i32>} : memref<3x128x128xf32, #tpu.memory_space<vmem>>, vector<1x1x16xf32>,
      %get3A_1886 = vector.shape_cast %get3A_1885 : vector<1x1x16xf32> to vector<16xf32>
      %get3A_1887 = arith.constant 0 : i32
      %get3A_1888 = arith.constant 1 : i32
      %get3A_1889 = arith.index_cast %get3A_1887 : i32 to index
      %get3A_1890 = arith.index_cast %get3A_1888 : i32 to index
      %get3A_1891 = arith.constant 112 : index
      %get3A_1892 = tpu.vector_load %arg7[%get3A_1889, %get3A_1890, %get3A_1891] {strides = array<i32>} : memref<3x128x128xf32, #tpu.memory_space<vmem>>, vector<1x1x16xf32>,
      %get3A_1893 = vector.shape_cast %get3A_1892 : vector<1x1x16xf32> to vector<16xf32>
      %add3A_1894 = arith.addf %get3A_1886, %get3A_1893 : vector<16xf32>
      %get3A_1895 = arith.constant 0 : i32
      %get3A_1896 = arith.constant 2 : i32
      %get3A_1897 = arith.index_cast %get3A_1895 : i32 to index
      %get3A_1898 = arith.index_cast %get3A_1896 : i32 to index
      %get3A_1899 = arith.constant 112 : index
      %get3A_1900 = tpu.vector_load %arg7[%get3A_1897, %get3A_1898, %get3A_1899] {strides = array<i32>} : memref<3x128x128xf32, #tpu.memory_space<vmem>>, vector<1x1x16xf32>,
      %get3A_1901 = vector.shape_cast %get3A_1900 : vector<1x1x16xf32> to vector<16xf32>
      %add3A_1902 = arith.addf %add3A_1894, %get3A_1901 : vector<16xf32>
      %get3A_1903 = arith.constant 0 : i32
      %get3A_1904 = arith.constant 3 : i32
      %get3A_1905 = arith.index_cast %get3A_1903 : i32 to index
      %get3A_1906 = arith.index_cast %get3A_1904 : i32 to index
      %get3A_1907 = arith.constant 112 : index
      %get3A_1908 = tpu.vector_load %arg7[%get3A_1905, %get3A_1906, %get3A_1907] {strides = array<i32>} : memref<3x128x128xf32, #tpu.memory_space<vmem>>, vector<1x1x16xf32>,
      %get3A_1909 = vector.shape_cast %get3A_1908 : vector<1x1x16xf32> to vector<16xf32>
      %add3A_1910 = arith.addf %add3A_1902, %get3A_1909 : vector<16xf32>
      %get3A_1911 = arith.constant 0 : i32
      %get3A_1912 = arith.constant 4 : i32
      %get3A_1913 = arith.index_cast %get3A_1911 : i32 to index
      %get3A_1914 = arith.index_cast %get3A_1912 : i32 to index
      %get3A_1915 = arith.constant 112 : index
      %get3A_1916 = tpu.vector_load %arg7[%get3A_1913, %get3A_1914, %get3A_1915] {strides = array<i32>} : memref<3x128x128xf32, #tpu.memory_space<vmem>>, vector<1x1x16xf32>,
      %get3A_1917 = vector.shape_cast %get3A_1916 : vector<1x1x16xf32> to vector<16xf32>
      %add3A_1918 = arith.addf %add3A_1910, %get3A_1917 : vector<16xf32>
      %get3A_1919 = arith.constant 0 : i32
      %get3A_1920 = arith.constant 5 : i32
      %get3A_1921 = arith.index_cast %get3A_1919 : i32 to index
      %get3A_1922 = arith.index_cast %get3A_1920 : i32 to index
      %get3A_1923 = arith.constant 112 : index
      %get3A_1924 = tpu.vector_load %arg7[%get3A_1921, %get3A_1922, %get3A_1923] {strides = array<i32>} : memref<3x128x128xf32, #tpu.memory_space<vmem>>, vector<1x1x16xf32>,
      %get3A_1925 = vector.shape_cast %get3A_1924 : vector<1x1x16xf32> to vector<16xf32>
      %add3A_1926 = arith.addf %add3A_1918, %get3A_1925 : vector<16xf32>
      %get3A_1927 = arith.constant 0 : i32
      %get3A_1928 = arith.constant 6 : i32
      %get3A_1929 = arith.index_cast %get3A_1927 : i32 to index
      %get3A_1930 = arith.index_cast %get3A_1928 : i32 to index
      %get3A_1931 = arith.constant 112 : index
      %get3A_1932 = tpu.vector_load %arg7[%get3A_1929, %get3A_1930, %get3A_1931] {strides = array<i32>} : memref<3x128x128xf32, #tpu.memory_space<vmem>>, vector<1x1x16xf32>,
      %get3A_1933 = vector.shape_cast %get3A_1932 : vector<1x1x16xf32> to vector<16xf32>
      %add3A_1934 = arith.addf %add3A_1926, %get3A_1933 : vector<16xf32>
      %get3A_1935 = arith.constant 0 : i32
      %get3A_1936 = arith.constant 7 : i32
      %get3A_1937 = arith.index_cast %get3A_1935 : i32 to index
      %get3A_1938 = arith.index_cast %get3A_1936 : i32 to index
      %get3A_1939 = arith.constant 112 : index
      %get3A_1940 = tpu.vector_load %arg7[%get3A_1937, %get3A_1938, %get3A_1939] {strides = array<i32>} : memref<3x128x128xf32, #tpu.memory_space<vmem>>, vector<1x1x16xf32>,
      %get3A_1941 = vector.shape_cast %get3A_1940 : vector<1x1x16xf32> to vector<16xf32>
      %add3A_1942 = arith.addf %add3A_1934, %get3A_1941 : vector<16xf32>
      %get3A_1943 = arith.constant 0 : i32
      %get3A_1944 = arith.constant 8 : i32
      %get3A_1945 = arith.index_cast %get3A_1943 : i32 to index
      %get3A_1946 = arith.index_cast %get3A_1944 : i32 to index
      %get3A_1947 = arith.constant 112 : index
      %get3A_1948 = tpu.vector_load %arg7[%get3A_1945, %get3A_1946, %get3A_1947] {strides = array<i32>} : memref<3x128x128xf32, #tpu.memory_space<vmem>>, vector<1x1x16xf32>,
      %get3A_1949 = vector.shape_cast %get3A_1948 : vector<1x1x16xf32> to vector<16xf32>
      %add3A_1950 = arith.addf %add3A_1942, %get3A_1949 : vector<16xf32>
      %get3A_1951 = arith.constant 0 : i32
      %get3A_1952 = arith.constant 9 : i32
      %get3A_1953 = arith.index_cast %get3A_1951 : i32 to index
      %get3A_1954 = arith.index_cast %get3A_1952 : i32 to index
      %get3A_1955 = arith.constant 112 : index
      %get3A_1956 = tpu.vector_load %arg7[%get3A_1953, %get3A_1954, %get3A_1955] {strides = array<i32>} : memref<3x128x128xf32, #tpu.memory_space<vmem>>, vector<1x1x16xf32>,
      %get3A_1957 = vector.shape_cast %get3A_1956 : vector<1x1x16xf32> to vector<16xf32>
      %add3A_1958 = arith.addf %add3A_1950, %get3A_1957 : vector<16xf32>
      %get3A_1959 = arith.constant 0 : i32
      %get3A_1960 = arith.constant 10 : i32
      %get3A_1961 = arith.index_cast %get3A_1959 : i32 to index
      %get3A_1962 = arith.index_cast %get3A_1960 : i32 to index
      %get3A_1963 = arith.constant 112 : index
      %get3A_1964 = tpu.vector_load %arg7[%get3A_1961, %get3A_1962, %get3A_1963] {strides = array<i32>} : memref<3x128x128xf32, #tpu.memory_space<vmem>>, vector<1x1x16xf32>,
      %get3A_1965 = vector.shape_cast %get3A_1964 : vector<1x1x16xf32> to vector<16xf32>
      %add3A_1966 = arith.addf %add3A_1958, %get3A_1965 : vector<16xf32>
      %get3A_1967 = arith.constant 0 : i32
      %get3A_1968 = arith.constant 11 : i32
      %get3A_1969 = arith.index_cast %get3A_1967 : i32 to index
      %get3A_1970 = arith.index_cast %get3A_1968 : i32 to index
      %get3A_1971 = arith.constant 112 : index
      %get3A_1972 = tpu.vector_load %arg7[%get3A_1969, %get3A_1970, %get3A_1971] {strides = array<i32>} : memref<3x128x128xf32, #tpu.memory_space<vmem>>, vector<1x1x16xf32>,
      %get3A_1973 = vector.shape_cast %get3A_1972 : vector<1x1x16xf32> to vector<16xf32>
      %add3A_1974 = arith.addf %add3A_1966, %get3A_1973 : vector<16xf32>
      %get3A_1975 = arith.constant 0 : i32
      %get3A_1976 = arith.constant 12 : i32
      %get3A_1977 = arith.index_cast %get3A_1975 : i32 to index
      %get3A_1978 = arith.index_cast %get3A_1976 : i32 to index
      %get3A_1979 = arith.constant 112 : index
      %get3A_1980 = tpu.vector_load %arg7[%get3A_1977, %get3A_1978, %get3A_1979] {strides = array<i32>} : memref<3x128x128xf32, #tpu.memory_space<vmem>>, vector<1x1x16xf32>,
      %get3A_1981 = vector.shape_cast %get3A_1980 : vector<1x1x16xf32> to vector<16xf32>
      %add3A_1982 = arith.addf %add3A_1974, %get3A_1981 : vector<16xf32>
      %get3A_1983 = arith.constant 0 : i32
      %get3A_1984 = arith.constant 13 : i32
      %get3A_1985 = arith.index_cast %get3A_1983 : i32 to index
      %get3A_1986 = arith.index_cast %get3A_1984 : i32 to index
      %get3A_1987 = arith.constant 112 : index
      %get3A_1988 = tpu.vector_load %arg7[%get3A_1985, %get3A_1986, %get3A_1987] {strides = array<i32>} : memref<3x128x128xf32, #tpu.memory_space<vmem>>, vector<1x1x16xf32>,
      %get3A_1989 = vector.shape_cast %get3A_1988 : vector<1x1x16xf32> to vector<16xf32>
      %add3A_1990 = arith.addf %add3A_1982, %get3A_1989 : vector<16xf32>
      %get3A_1991 = arith.constant 0 : i32
      %get3A_1992 = arith.constant 14 : i32
      %get3A_1993 = arith.index_cast %get3A_1991 : i32 to index
      %get3A_1994 = arith.index_cast %get3A_1992 : i32 to index
      %get3A_1995 = arith.constant 112 : index
      %get3A_1996 = tpu.vector_load %arg7[%get3A_1993, %get3A_1994, %get3A_1995] {strides = array<i32>} : memref<3x128x128xf32, #tpu.memory_space<vmem>>, vector<1x1x16xf32>,
      %get3A_1997 = vector.shape_cast %get3A_1996 : vector<1x1x16xf32> to vector<16xf32>
      %add3A_1998 = arith.addf %add3A_1990, %get3A_1997 : vector<16xf32>
      %get3A_1999 = arith.constant 0 : i32
      %get3A_2000 = arith.constant 15 : i32
      %get3A_2001 = arith.index_cast %get3A_1999 : i32 to index
      %get3A_2002 = arith.index_cast %get3A_2000 : i32 to index
      %get3A_2003 = arith.constant 112 : index
      %get3A_2004 = tpu.vector_load %arg7[%get3A_2001, %get3A_2002, %get3A_2003] {strides = array<i32>} : memref<3x128x128xf32, #tpu.memory_space<vmem>>, vector<1x1x16xf32>,
      %get3A_2005 = vector.shape_cast %get3A_2004 : vector<1x1x16xf32> to vector<16xf32>
      %add3A_2006 = arith.addf %add3A_1998, %get3A_2005 : vector<16xf32>
      %get3A_2007 = arith.constant 0 : i32
      %get3A_2008 = arith.constant 16 : i32
      %get3A_2009 = arith.index_cast %get3A_2007 : i32 to index
      %get3A_2010 = arith.index_cast %get3A_2008 : i32 to index
      %get3A_2011 = arith.constant 112 : index
      %get3A_2012 = tpu.vector_load %arg7[%get3A_2009, %get3A_2010, %get3A_2011] {strides = array<i32>} : memref<3x128x128xf32, #tpu.memory_space<vmem>>, vector<1x1x16xf32>,
      %get3A_2013 = vector.shape_cast %get3A_2012 : vector<1x1x16xf32> to vector<16xf32>
      %add3A_2014 = arith.addf %add3A_2006, %get3A_2013 : vector<16xf32>
      %get3A_2015 = arith.constant 0 : i32
      %get3A_2016 = arith.constant 17 : i32
      %get3A_2017 = arith.index_cast %get3A_2015 : i32 to index
      %get3A_2018 = arith.index_cast %get3A_2016 : i32 to index
      %get3A_2019 = arith.constant 112 : index
      %get3A_2020 = tpu.vector_load %arg7[%get3A_2017, %get3A_2018, %get3A_2019] {strides = array<i32>} : memref<3x128x128xf32, #tpu.memory_space<vmem>>, vector<1x1x16xf32>,
      %get3A_2021 = vector.shape_cast %get3A_2020 : vector<1x1x16xf32> to vector<16xf32>
      %add3A_2022 = arith.addf %add3A_2014, %get3A_2021 : vector<16xf32>
      %get3A_2023 = arith.constant 0 : i32
      %get3A_2024 = arith.constant 18 : i32
      %get3A_2025 = arith.index_cast %get3A_2023 : i32 to index
      %get3A_2026 = arith.index_cast %get3A_2024 : i32 to index
      %get3A_2027 = arith.constant 112 : index
      %get3A_2028 = tpu.vector_load %arg7[%get3A_2025, %get3A_2026, %get3A_2027] {strides = array<i32>} : memref<3x128x128xf32, #tpu.memory_space<vmem>>, vector<1x1x16xf32>,
      %get3A_2029 = vector.shape_cast %get3A_2028 : vector<1x1x16xf32> to vector<16xf32>
      %add3A_2030 = arith.addf %add3A_2022, %get3A_2029 : vector<16xf32>
      %get3A_2031 = arith.constant 0 : i32
      %get3A_2032 = arith.constant 19 : i32
      %get3A_2033 = arith.index_cast %get3A_2031 : i32 to index
      %get3A_2034 = arith.index_cast %get3A_2032 : i32 to index
      %get3A_2035 = arith.constant 112 : index
      %get3A_2036 = tpu.vector_load %arg7[%get3A_2033, %get3A_2034, %get3A_2035] {strides = array<i32>} : memref<3x128x128xf32, #tpu.memory_space<vmem>>, vector<1x1x16xf32>,
      %get3A_2037 = vector.shape_cast %get3A_2036 : vector<1x1x16xf32> to vector<16xf32>
      %add3A_2038 = arith.addf %add3A_2030, %get3A_2037 : vector<16xf32>
      %get3A_2039 = arith.constant 0 : i32
      %get3A_2040 = arith.constant 20 : i32
      %get3A_2041 = arith.index_cast %get3A_2039 : i32 to index
      %get3A_2042 = arith.index_cast %get3A_2040 : i32 to index
      %get3A_2043 = arith.constant 112 : index
      %get3A_2044 = tpu.vector_load %arg7[%get3A_2041, %get3A_2042, %get3A_2043] {strides = array<i32>} : memref<3x128x128xf32, #tpu.memory_space<vmem>>, vector<1x1x16xf32>,
      %get3A_2045 = vector.shape_cast %get3A_2044 : vector<1x1x16xf32> to vector<16xf32>
      %add3A_2046 = arith.addf %add3A_2038, %get3A_2045 : vector<16xf32>
      %get3A_2047 = arith.constant 0 : i32
      %get3A_2048 = arith.constant 21 : i32
      %get3A_2049 = arith.index_cast %get3A_2047 : i32 to index
      %get3A_2050 = arith.index_cast %get3A_2048 : i32 to index
      %get3A_2051 = arith.constant 112 : index
      %get3A_2052 = tpu.vector_load %arg7[%get3A_2049, %get3A_2050, %get3A_2051] {strides = array<i32>} : memref<3x128x128xf32, #tpu.memory_space<vmem>>, vector<1x1x16xf32>,
      %get3A_2053 = vector.shape_cast %get3A_2052 : vector<1x1x16xf32> to vector<16xf32>
      %add3A_2054 = arith.addf %add3A_2046, %get3A_2053 : vector<16xf32>
      %get3A_2055 = arith.constant 0 : i32
      %get3A_2056 = arith.constant 22 : i32
      %get3A_2057 = arith.index_cast %get3A_2055 : i32 to index
      %get3A_2058 = arith.index_cast %get3A_2056 : i32 to index
      %get3A_2059 = arith.constant 112 : index
      %get3A_2060 = tpu.vector_load %arg7[%get3A_2057, %get3A_2058, %get3A_2059] {strides = array<i32>} : memref<3x128x128xf32, #tpu.memory_space<vmem>>, vector<1x1x16xf32>,
      %get3A_2061 = vector.shape_cast %get3A_2060 : vector<1x1x16xf32> to vector<16xf32>
      %add3A_2062 = arith.addf %add3A_2054, %get3A_2061 : vector<16xf32>
      %get3A_2063 = arith.constant 0 : i32
      %get3A_2064 = arith.constant 23 : i32
      %get3A_2065 = arith.index_cast %get3A_2063 : i32 to index
      %get3A_2066 = arith.index_cast %get3A_2064 : i32 to index
      %get3A_2067 = arith.constant 112 : index
      %get3A_2068 = tpu.vector_load %arg7[%get3A_2065, %get3A_2066, %get3A_2067] {strides = array<i32>} : memref<3x128x128xf32, #tpu.memory_space<vmem>>, vector<1x1x16xf32>,
      %get3A_2069 = vector.shape_cast %get3A_2068 : vector<1x1x16xf32> to vector<16xf32>
      %add3A_2070 = arith.addf %add3A_2062, %get3A_2069 : vector<16xf32>
      %get3A_2071 = arith.constant 0 : i32
      %get3A_2072 = arith.constant 24 : i32
      %get3A_2073 = arith.index_cast %get3A_2071 : i32 to index
      %get3A_2074 = arith.index_cast %get3A_2072 : i32 to index
      %get3A_2075 = arith.constant 112 : index
      %get3A_2076 = tpu.vector_load %arg7[%get3A_2073, %get3A_2074, %get3A_2075] {strides = array<i32>} : memref<3x128x128xf32, #tpu.memory_space<vmem>>, vector<1x1x16xf32>,
      %get3A_2077 = vector.shape_cast %get3A_2076 : vector<1x1x16xf32> to vector<16xf32>
      %add3A_2078 = arith.addf %add3A_2070, %get3A_2077 : vector<16xf32>
      %get3A_2079 = arith.constant 0 : i32
      %get3A_2080 = arith.constant 25 : i32
      %get3A_2081 = arith.index_cast %get3A_2079 : i32 to index
      %get3A_2082 = arith.index_cast %get3A_2080 : i32 to index
      %get3A_2083 = arith.constant 112 : index
      %get3A_2084 = tpu.vector_load %arg7[%get3A_2081, %get3A_2082, %get3A_2083] {strides = array<i32>} : memref<3x128x128xf32, #tpu.memory_space<vmem>>, vector<1x1x16xf32>,
      %get3A_2085 = vector.shape_cast %get3A_2084 : vector<1x1x16xf32> to vector<16xf32>
      %add3A_2086 = arith.addf %add3A_2078, %get3A_2085 : vector<16xf32>
      %get3A_2087 = arith.constant 0 : i32
      %get3A_2088 = arith.constant 26 : i32
      %get3A_2089 = arith.index_cast %get3A_2087 : i32 to index
      %get3A_2090 = arith.index_cast %get3A_2088 : i32 to index
      %get3A_2091 = arith.constant 112 : index
      %get3A_2092 = tpu.vector_load %arg7[%get3A_2089, %get3A_2090, %get3A_2091] {strides = array<i32>} : memref<3x128x128xf32, #tpu.memory_space<vmem>>, vector<1x1x16xf32>,
      %get3A_2093 = vector.shape_cast %get3A_2092 : vector<1x1x16xf32> to vector<16xf32>
      %add3A_2094 = arith.addf %add3A_2086, %get3A_2093 : vector<16xf32>
      %get3A_2095 = arith.constant 0 : i32
      %get3A_2096 = arith.constant 27 : i32
      %get3A_2097 = arith.index_cast %get3A_2095 : i32 to index
      %get3A_2098 = arith.index_cast %get3A_2096 : i32 to index
      %get3A_2099 = arith.constant 112 : index
      %get3A_2100 = tpu.vector_load %arg7[%get3A_2097, %get3A_2098, %get3A_2099] {strides = array<i32>} : memref<3x128x128xf32, #tpu.memory_space<vmem>>, vector<1x1x16xf32>,
      %get3A_2101 = vector.shape_cast %get3A_2100 : vector<1x1x16xf32> to vector<16xf32>
      %add3A_2102 = arith.addf %add3A_2094, %get3A_2101 : vector<16xf32>
      %get3A_2103 = arith.constant 0 : i32
      %get3A_2104 = arith.constant 28 : i32
      %get3A_2105 = arith.index_cast %get3A_2103 : i32 to index
      %get3A_2106 = arith.index_cast %get3A_2104 : i32 to index
      %get3A_2107 = arith.constant 112 : index
      %get3A_2108 = tpu.vector_load %arg7[%get3A_2105, %get3A_2106, %get3A_2107] {strides = array<i32>} : memref<3x128x128xf32, #tpu.memory_space<vmem>>, vector<1x1x16xf32>,
      %get3A_2109 = vector.shape_cast %get3A_2108 : vector<1x1x16xf32> to vector<16xf32>
      %add3A_2110 = arith.addf %add3A_2102, %get3A_2109 : vector<16xf32>
      %get3A_2111 = arith.constant 0 : i32
      %get3A_2112 = arith.constant 29 : i32
      %get3A_2113 = arith.index_cast %get3A_2111 : i32 to index
      %get3A_2114 = arith.index_cast %get3A_2112 : i32 to index
      %get3A_2115 = arith.constant 112 : index
      %get3A_2116 = tpu.vector_load %arg7[%get3A_2113, %get3A_2114, %get3A_2115] {strides = array<i32>} : memref<3x128x128xf32, #tpu.memory_space<vmem>>, vector<1x1x16xf32>,
      %get3A_2117 = vector.shape_cast %get3A_2116 : vector<1x1x16xf32> to vector<16xf32>
      %add3A_2118 = arith.addf %add3A_2110, %get3A_2117 : vector<16xf32>
      %get3A_2119 = arith.constant 0 : i32
      %get3A_2120 = arith.constant 30 : i32
      %get3A_2121 = arith.index_cast %get3A_2119 : i32 to index
      %get3A_2122 = arith.index_cast %get3A_2120 : i32 to index
      %get3A_2123 = arith.constant 112 : index
      %get3A_2124 = tpu.vector_load %arg7[%get3A_2121, %get3A_2122, %get3A_2123] {strides = array<i32>} : memref<3x128x128xf32, #tpu.memory_space<vmem>>, vector<1x1x16xf32>,
      %get3A_2125 = vector.shape_cast %get3A_2124 : vector<1x1x16xf32> to vector<16xf32>
      %add3A_2126 = arith.addf %add3A_2118, %get3A_2125 : vector<16xf32>
      %get3A_2127 = arith.constant 0 : i32
      %get3A_2128 = arith.constant 31 : i32
      %get3A_2129 = arith.index_cast %get3A_2127 : i32 to index
      %get3A_2130 = arith.index_cast %get3A_2128 : i32 to index
      %get3A_2131 = arith.constant 112 : index
      %get3A_2132 = tpu.vector_load %arg7[%get3A_2129, %get3A_2130, %get3A_2131] {strides = array<i32>} : memref<3x128x128xf32, #tpu.memory_space<vmem>>, vector<1x1x16xf32>,
      %get3A_2133 = vector.shape_cast %get3A_2132 : vector<1x1x16xf32> to vector<16xf32>
      %add3A_2134 = arith.addf %add3A_2126, %get3A_2133 : vector<16xf32>
      %swap3A_2135 = arith.constant 0 : i32
      %swap3A_2136 = arith.index_cast %swap3A_2135 : i32 to index
      %swap3A_2137 = arith.constant 112 : index
      %swap3A_2138 = tpu.vector_load %arg8[%swap3A_2136, %swap3A_2137] {strides = array<i32>} : memref<312x128xf32, #tpu.memory_space<vmem>>, vector<1x16xf32>,
      %swap3A_2139 = vector.shape_cast %swap3A_2138 : vector<1x16xf32> to vector<16xf32>
      %swap3A_2140 = vector.shape_cast %add3A_2134 : vector<16xf32> to vector<1x16xf32>
      tpu.vector_store %arg8[%swap3A_2136, %swap3A_2137], %swap3A_2140 {strides = array<i32>} : memref<312x128xf32, #tpu.memory_space<vmem>>, vector<1x16xf32>,
      %run_scoped3A = arith.constant 0 : i32
      "tpu.region"() ({
        %run_scoped3A_2141 = tpu.sem_alloc : memref<!tpu.dma_semaphore, #tpu.memory_space<semaphore_mem>>
        %dma_start3A_2142 = arith.constant 0 : i32
        %dma_start3A_2143 = tpu.memref_slice %arg8[%run_scoped3A, %dma_start3A_2142] : memref<312x128xf32, #tpu.memory_space<vmem>> -> memref<1x128xf32, #tpu.memory_space<vmem>>
        %dma_start3A_2144 = tpu.memref_squeeze %dma_start3A_2143 : memref<1x128xf32, #tpu.memory_space<vmem>> -> memref<128xf32, #tpu.memory_space<vmem>>
        %dma_start3A_2145 = arith.constant 0 : i32
        %dma_start3A_2146 = tpu.memref_slice %arg4[%add3A_31, %dma_start3A_2145] : memref<10000x128xf32, #tpu.memory_space<hbm>> -> memref<1x128xf32, #tpu.memory_space<hbm>>
        %dma_start3A_2147 = tpu.memref_squeeze %dma_start3A_2146 : memref<1x128xf32, #tpu.memory_space<hbm>> -> memref<128xf32, #tpu.memory_space<hbm>>
        %dma_start3A_2148 = arith.constant 0 : i32
        %dma_start3A_2149 = tpu.memref_slice %arg4[%add3A_31, %dma_start3A_2148] : memref<10000x128xf32, #tpu.memory_space<hbm>> -> memref<1x128xf32, #tpu.memory_space<hbm>>
        %dma_start3A_2150 = tpu.memref_squeeze %dma_start3A_2149 : memref<1x128xf32, #tpu.memory_space<hbm>> -> memref<128xf32, #tpu.memory_space<hbm>>
        %dma_start3A_2151 = arith.constant 0 : i32
        %dma_start3A_2152 = tpu.memref_slice %arg8[%run_scoped3A, %dma_start3A_2151] : memref<312x128xf32, #tpu.memory_space<vmem>> -> memref<1x128xf32, #tpu.memory_space<vmem>>
        %dma_start3A_2153 = tpu.memref_squeeze %dma_start3A_2152 : memref<1x128xf32, #tpu.memory_space<vmem>> -> memref<128xf32, #tpu.memory_space<vmem>>
        tpu.enqueue_dma source(%dma_start3A_2153 : memref<128xf32, #tpu.memory_space<vmem>>) target(%dma_start3A_2150 : memref<128xf32, #tpu.memory_space<hbm>>) target_semaphore(%run_scoped3A_2141 : memref<!tpu.dma_semaphore, #tpu.memory_space<semaphore_mem>>)
        %dma_wait3A_2154 = arith.constant 0 : i32
        %dma_wait3A_2155 = tpu.memref_slice %arg8[%run_scoped3A, %dma_wait3A_2154] : memref<312x128xf32, #tpu.memory_space<vmem>> -> memref<1x128xf32, #tpu.memory_space<vmem>>
        %dma_wait3A_2156 = tpu.memref_squeeze %dma_wait3A_2155 : memref<1x128xf32, #tpu.memory_space<vmem>> -> memref<128xf32, #tpu.memory_space<vmem>>
        %dma_wait3A_2157 = arith.constant 0 : i32
        %dma_wait3A_2158 = tpu.memref_slice %arg4[%add3A_31, %dma_wait3A_2157] : memref<10000x128xf32, #tpu.memory_space<hbm>> -> memref<1x128xf32, #tpu.memory_space<hbm>>
        %dma_wait3A_2159 = tpu.memref_squeeze %dma_wait3A_2158 : memref<1x128xf32, #tpu.memory_space<hbm>> -> memref<128xf32, #tpu.memory_space<hbm>>
        %dma_wait3A_2160 = arith.constant 0 : i32
        %dma_wait3A_2161 = tpu.memref_slice %arg4[%add3A_31, %dma_wait3A_2160] : memref<10000x128xf32, #tpu.memory_space<hbm>> -> memref<1x128xf32, #tpu.memory_space<hbm>>
        %dma_wait3A_2162 = tpu.memref_squeeze %dma_wait3A_2161 : memref<1x128xf32, #tpu.memory_space<hbm>> -> memref<128xf32, #tpu.memory_space<hbm>>
        %dma_wait3A_2163 = arith.constant 0 : i32
        %dma_wait3A_2164 = tpu.memref_slice %arg8[%run_scoped3A, %dma_wait3A_2163] : memref<312x128xf32, #tpu.memory_space<vmem>> -> memref<1x128xf32, #tpu.memory_space<vmem>>
        %dma_wait3A_2165 = tpu.memref_squeeze %dma_wait3A_2164 : memref<1x128xf32, #tpu.memory_space<vmem>> -> memref<128xf32, #tpu.memory_space<vmem>>
        tpu.wait_dma2 semaphore(%run_scoped3A_2141 : memref<!tpu.dma_semaphore, #tpu.memory_space<semaphore_mem>>) src(%dma_wait3A_2165 : memref<128xf32, #tpu.memory_space<vmem>>) dst(%dma_wait3A_2162 : memref<128xf32, #tpu.memory_space<hbm>>)
        tpu.yield
      }) : () -> ()
    } else {
    }
    return
  }
}

</mosaic_0001>

<sc_bundles>
// kernel: kernel.3.cloned.1.call-start
scs
__scs_entry_jumppad:
0x0: {  	(pc) =	sbr.rel $0x88, $3  }
0x1: {  	(tag) =	ssettag $0x0;
	lr =	simm.s32 $0x1  }
0x2: {  	[smem:$0x3F9F] =	sst lr;
	_ =	strace $0xD0000000  }
0x3: {  	_ = 	snop  }
0x4: {  	_ = 	snop  }
0x5: {  	_ = 	snop  }
0x6: {  	_ = 	snop  }
0x7: {  	_ = 	snop  }
__scs_overlays_trampoline_lowered:
0x8: {  	[smem:$0x3FAE] =	sst s0  }
0x9: {  	[smem:$0x3FAF] =	sst s1  }
0xa: {  	[smem:$0x3FB0] =	sst s2  }
0xb: {  	[smem:$0x3FB1] =	sst s3  }
0xc: {  	[smem:$0x3FB2] =	sst s4  }
0xd: {  	[smem:$0x3FB3] =	sst s5  }
0xe: {  	[smem:$0x3FB4] =	sst s6  }
0xf: {  	[smem:$0x3FB5] =	sst s7  }
0x10: {  	[smem:$0x3FB6] =	sst s8  }
0x11: {  	[smem:$0x3FB7] =	sst s9;
	s0 =	simm.s32 @!p0 $0x0  }
0x12: {  	s1 =	sld [smem:$0x3F9D];
	s0 =	simm.s32 @p0 $0x1  }
0x13: {  	[smem:$0x3FB8] =	sst s0;
	s0 =	simm.s32 @!p1 $0x0  }
0x14: {  	s2 =	sld [smem:$0x3F9C];
	s0 =	simm.s32 @p1 $0x1  }
0x15: {  	[smem:$0x3FB9] =	sst s0;
	s0 =	simm.s32 @!p2 $0x0  }
0x16: {  	s3 =	sld [smem:$0x3FDB];
	s0 =	simm.s32 @p2 $0x1  }
0x17: {  	s4 =	simm.s32 $0x1BF5;
	[smem:$0x3FBB] =	sst s0  }
0x18: {  	s0 =	sld [smem:$0x3F9E];
	_ =	swait.ge [sflag:s4], $0x0  }
0x19: {  	s7 =	sld [smem:$0x3F9F]  }
0x1a: {  	s8 =	sadd.s32 $0xFFFFE003, lr  }
0x1b: {  	s9 =	sadd.s32 $0xFFFFFEF7, lr;
	s5 =	simm.s32 $0xFFFFFFFF;
	p2 =	slt.u32 s8, $0xFFFFF086  }
0x1c: {  	p1 =	slt.u32 s9, $0xF7A;
	s5 =	simm.s32 @!p2 $0x0  }
0x1d: {  	s5 =	simm.s32 @p1 $0x1;
	p0 =	seq.s32 s7, s2  }
0x1e: {  	s7 =	smul.u32 @!p0 $0xF7A, s2;
	p2 =	seq.s32 @!p0 s5, $0x0  }
0x1f: {  	s9 =	smul.u32 $0xF7A, s1;
	s8 =	simm.s32 @!p0 $0x1BF5;
	p2 =	por !p2, p0  }
0x20: {  	[sflag:s8] =	ssyncset.s32 @!p0 $0xFFFFF086;
	s6 =	sadd.s32 @!p0 s3, s7;
	s7 =	simm.s32 @!p0 $0x108  }
0x21: {  	s3 =	sadd.s32 s3, s9;
	s6 =	sadd.s32 @!p0 $0x88, s6;
	s7 =	simm.s32 @p2 $0x1082  }
0x22: {  	[simem:s7], [sflag:s8] =	dma.local @!p0 [hbm:s6], $0xF7A  }
0x23: {  	s9 =	sor.u32 $0xD0000000, s2;
	s6 =	simm.s32 $0x108;
	_ =	swait.ge @!p0 [sflag:s8], $0x0  }
0x24: {  	s3 =	sadd.s32 $0x88, s3;
	s6 =	simm.s32 @!p1 $0x1082;
	[sflag:s4] =	ssyncset.s32 $0xFFFFF086  }
0x25: {  	[simem:s6], [sflag:s4] =	dma.local [hbm:s3], $0xF7A  }
0x26: {  	[smem:$0x3F9F] =	sst s1;
	(tag) =	ssettag s2;
	_ =	strace s9  }
0x27: {  	s1 =	sld [smem:$0x3FAF]  }
0x28: {  	s2 =	sld [smem:$0x3FB0]  }
0x29: {  	s4 =	sld [smem:$0x3FB2]  }
0x2a: {  	p0 =	seq.s32 s5, $0x0;
	s5 =	sld [smem:$0x3FB3]  }
0x2b: {  	s6 =	sld [smem:$0x3FB4]  }
0x2c: {  	s7 =	sld [smem:$0x3FB5]  }
0x2d: {  	s3 =	simm.s32 $0x108;
	s8 =	sld [smem:$0x3FB6]  }
0x2e: {  	s3 =	simm.s32 @!p0 $0x1082;
	s9 =	sld [smem:$0x3FB7]  }
0x2f: {  	lr =	sadd.s32 s0, s3;
	s0 =	sld [smem:$0x3FAE]  }
0x30: {  	s3 =	sld [smem:$0x3FB1]  }
0x31: {  	[smem:$0x3FBA] =	sst s10  }
0x32: {  	s10 =	sld [smem:$0x3FB8];
	_ =	sdelay $0x3  }
0x33: {  	p0 =	seq.s32 s10, $0x1;
	s10 =	sld [smem:$0x3FBA];
	_ =	sdelay $0x3  }
0x34: {  	[smem:$0x3FBA] =	sst s10  }
0x35: {  	s10 =	sld [smem:$0x3FB9];
	_ =	sdelay $0x3  }
0x36: {  	p1 =	seq.s32 s10, $0x1;
	s10 =	sld [smem:$0x3FBA];
	_ =	sdelay $0x3  }
0x37: {  	[smem:$0x3FBA] =	sst s10  }
0x38: {  	s10 =	sld [smem:$0x3FBB]  }
0x39: {  	_ = 	snop;
	(pc) =	sbr.ind lr, $3  }
0x3a: {  	_ = 	snop  }
0x3b: {  	_ = 	snop  }
0x3c: {  	p2 =	seq.s32 s10, $0x1;
	s10 =	sld [smem:$0x3FBA]  }
0x3d: {  	_ =	shalt  }
0x3e: {  	_ =	shalt  }
0x3f: {  	_ =	shalt  }
0x40: {  	_ =	shalt  }
0x41: {  	_ =	shalt  }
0x42: {  	_ =	shalt  }
0x43: {  	_ =	shalt  }
0x44: {  	_ =	shalt  }
0x45: {  	_ =	shalt  }
0x46: {  	_ =	shalt  }
0x47: {  	_ =	shalt  }
0x48: {  	_ =	shalt  }
0x49: {  	_ =	shalt  }
0x4a: {  	_ =	shalt  }
0x4b: {  	_ =	shalt  }
0x4c: {  	_ =	shalt  }
0x4d: {  	_ =	shalt  }
0x4e: {  	_ =	shalt  }
0x4f: {  	_ =	shalt  }
0x50: {  	_ =	shalt  }
0x51: {  	_ =	shalt  }
0x52: {  	_ =	shalt  }
0x53: {  	_ =	shalt  }
0x54: {  	_ =	shalt  }
0x55: {  	_ =	shalt  }
0x56: {  	_ =	shalt  }
0x57: {  	_ =	shalt  }
0x58: {  	_ =	shalt  }
0x59: {  	_ =	shalt  }
0x5a: {  	_ =	shalt  }
0x5b: {  	_ =	shalt  }
0x5c: {  	_ =	shalt  }
0x5d: {  	_ =	shalt  }
0x5e: {  	_ =	shalt  }
0x5f: {  	_ =	shalt  }
0x60: {  	_ =	shalt  }
0x61: {  	_ =	shalt  }
0x62: {  	_ =	shalt  }
0x63: {  	_ =	shalt  }
0x64: {  	_ =	shalt  }
0x65: {  	_ =	shalt  }
0x66: {  	_ =	shalt  }
0x67: {  	_ =	shalt  }
0x68: {  	_ =	shalt  }
0x69: {  	_ =	shalt  }
0x6a: {  	_ =	shalt  }
0x6b: {  	_ =	shalt  }
0x6c: {  	_ =	shalt  }
0x6d: {  	_ =	shalt  }
0x6e: {  	_ =	shalt  }
0x6f: {  	_ =	shalt  }
0x70: {  	_ =	shalt  }
0x71: {  	_ =	shalt  }
0x72: {  	_ =	shalt  }
0x73: {  	_ =	shalt  }
0x74: {  	_ =	shalt  }
0x75: {  	_ =	shalt  }
0x76: {  	_ =	shalt  }
0x77: {  	_ =	shalt  }
0x78: {  	_ =	shalt  }
0x79: {  	_ =	shalt  }
0x7a: {  	_ =	shalt  }
0x7b: {  	_ =	shalt  }
0x7c: {  	_ =	shalt  }
0x7d: {  	_ =	shalt  }
0x7e: {  	_ =	shalt  }
0x7f: {  	_ =	shalt  }
0x80: {  	_ =	shalt  }
0x81: {  	_ =	shalt  }
0x82: {  	_ =	shalt  }
0x83: {  	_ =	shalt  }
0x84: {  	_ =	shalt  }
0x85: {  	_ =	shalt  }
0x86: {  	_ =	shalt  }
0x87: {  	_ =	shalt  }
.Lfunc_end0:
.L_simem_size_0:
called_computation_lowered:
.L_overlay_start_0:
0x88: {  	s2 =	sld [smem:$0x3FD9]  }
0x89: {  	s3 =	sld [smem:$0x3FFE];
	_ =	sdelay $0x1  }
0x8a: {  	s1 =	srdreg.scid  }
0x8b: {  	s0 =	sand.u32 $0x1, s1  }
0x8c: {  	s17 =	sshll.u32 s0, $0xA;
	s2 =	sadd.s32 s3, s2  }
0x8d: {  	s2 =	sadd.s32 s2, s17  }
0x8e: {  	[smem:$0x3FC6] =	sst s2  }
0x8f: {  	_ = 	snop  }
0x90: {  	s2 =	sld [smem:$0x3FC9]  }
0x91: {  	s18 =	sld [smem:$0x3FD0];
	(tm) =	ssettm $0x1  }
0x92: {  	s4 =	sld [smem:$0x3FFB];
	_ =	sdelay $0x3  }
0x93: {  	_ =	strace s4  }
0x94: {  	s4 =	sld [smem:$0x3FFC];
	_ =	sdelay $0x3  }
0x95: {  	_ =	strace s4  }
0x96: {  	s4 =	sld [smem:$0x3FFD];
	_ =	sdelay $0x3  }
0x97: {  	_ =	strace s4  }
0x98: {  	_ =	strace $0x8FFFFFFF  }
0x99: {  	s19 =	sld [smem:$0x3FDB];
	_ =	sdelay $0x1  }
0x9a: {  	s5 =	simm.s32 $_scs_section_size  }
0x9b: {  	s6 =	simm.s32 $_size__tile_overlayer_lowered;
	s7 =	simm.s32 $_tile_overlayer_lowered  }
0x9c: {  	s22 =	simm.s32 $0x1BFF;
	s21 =	sshll.u32 s7, $0x1;
	s4 =	sadd.s32 s5, s19  }
0x9d: {  	s8 =	simm.s32 $0x0;
	s20 =	sshll.u32 s6, $0x1;
	s6 =	sadd.s32 s21, s4  }
0x9e: {  	[timem:s8], [sflag:s22] =	dma.local [hbm:s6], s20  }
0x9f: {  	_ =	swait.ge [sflag:s22], s20  }
0xa0: {  	s5 =	ssub.s32 $0x0, s20;
	[sflag:s22] =	ssyncset.done $0x0  }
0xa1: {  	[sflag:s22] =	ssyncadd.s32 s5;
	_ =	sdelay $0x1  }
0xa2: {  	s23 =	simm.s32 $0x1B8B  }
0xa3: {  	_ =	swait.ge [sflag:s23], $0x1  }
0xa4: {  	[sflag:s23] =	ssyncset.done $0x0  }
0xa5: {  	s25 =	simm.s32 $0x1B8E;
	s24 =	sld [smem:$0x3FFE];
	[sflag:s23] =	ssyncadd.s32 $0xFFFFFFFF  }
0xa6: {  	s26 =	simm.s32 $execute0_lowered;
	[smem:$0x3FD2] =	sst s25  }
0xa7: {  	s6 =	sshll.u32 s26, $0x1;
	_ =	strace $0x80000046;
	[dreg:$0x1] =	wrdreg $0xFFFFFFFF  }
0xa8: {  	s28 =	simm.s32 $_size_execute0_lowered;
	s4 =	sadd.s32 s4, s6;
	[dreg:$0x0] =	wrdreg $0x0  }
0xa9: {  	s6 =	sshll.u32 s28, $0x1;
	[dreg:$0x2] =	wrdreg s4  }
0xaa: {  	[dreg:$0x3] =	wrdreg s6  }
0xab: {  	[dreg:$0x4] =	wrdreg $0xC0  }
0xac: {  	_ =	task [dreg:s8], $0x5FFFF  }
0xad: {  	[dreg:$0x1] =	wrdreg $0xFFFFFFFF  }
0xae: {  	[dreg:$0x0] =	wrdreg $0x60  }
0xaf: {  	[dreg:$0x2] =	wrdreg s2  }
0xb0: {  	[dreg:$0x3] =	wrdreg s24  }
0xb1: {  	[dreg:$0x4] =	wrdreg s18  }
0xb2: {  	[dreg:$0x5] =	wrdreg $0x9  }
0xb3: {  	_ =	task.clear_ibuf [dreg:s8], $0x6FFFF;
	_ =	strace $0x90000046  }
0xb4: {  	s29 =	simm.s32 $0x9;
	_ =	strace $0x80000048  }
0xb5: {  	_ =	swait.ge [sflag:s29], $0x1  }
0xb6: {  	[sflag:s29] =	ssyncadd.s32 $0xFFFFFFFF  }
0xb7: {  	_ =	strace $0x90000048  }
0xb8: {  	_ =	sfence  }
0xb9: {  	s30 =	sld [smem:$0x0];
	_ =	sdelay $0x2  }
0xba: {  	s31 =	sshll.u32 s1, $0xD;
	s1 =	sshrl.u32 s1, $0x2  }
0xbb: {  	s3 =	sand.u32 $0x4000, s31;
	s1 =	sadd.s32 s1, s30  }
0xbc: {  	s0 =	sor.u32 s3, s0;
	s1 =	sshll.u32 s1, $0x11  }
0xbd: {  	s0 =	sor.u32 s1, s0  }
0xbe: {  	s0 =	sadd.s32 $0x8F2B, s0  }
0xbf: {  	[sflag:s0] =	ssyncadd.remote.s32 $0x1  }
0xc0: {  	_ =	sfence.sel $0xFFFF  }
0xc1: {  	[dreg:$0x0] =	wrdreg $0xFFFFFFFF;
	(pc) =	sbr.abs _section_cstart, $3  }
0xc2: {  	[dreg:$0x1] =	wrdreg $0xFFFFFFFF  }
0xc3: {  	_ =	task.clear_ibuf [dreg:s8], $0x2FFFF;
	_ =	strace $0x9FFFFFFF  }
0xc4: {  	(tm) =	ssettm $0x7FFFFFFF  }
0xc5: {  	_ =	shalt  }
tec
execute0_lowered:
.L_overlay_start_1:
0x0: {  	(tag) =	ssettag $0x1  }
0x1: {  	s2 =	rddreg [dreg:$0x0]  }
0x2: {  	s4 =	rddreg [dreg:$0x1]  }
0x3: {  	s5 =	rddreg [dreg:$0x2];
	s3 =	srdreg.scid  }
0x4: {  	s1 =	stileid.u32;
	s0 =	rddreg [dreg:$0x3]  }
0x5: {  	s12 =	simm.s32 $0x6780;
	s13 =	simm.s32 $0xA780;
	s14 =	simm.s32 $0x1  }
0x6: {  	s15 =	simm.s32 $0x2;
	s16 =	simm.s32 $0x3;
	s17 =	simm.s32 $0x2680  }
0x7: {  	s18 =	simm.s32 $0xE780;
	s19 =	simm.s32 $0x2700;
	s20 =	simm.s32 $0x20  }
0x8: {  	s21 =	simm.s32 $0x0;
	s6 =	sand.u32 $0x1, s3;
	s7 =	sshll.u32 s1, $0x1  }
0x9: {  	s3 =	simm.s32 $0x0;
	s10 =	sadd.s32 $0x400, s4;
	p0 =	sgt.u32 s1, $0x7  }
0xa: {  	s8 =	ssub.s32 $0x2, s6;
	s6 =	sor.u32 s6, s7;
	[smem:$0x7FF] =	sst s3  }
0xb: {  	s29 =	sshrl.u32 s8, $0x1;
	s9 =	smul.u32 $0x4E0, s6;
	_ =	strace $0x80000047  }
0xc: {  	s30 =	sor.u32 $0x2700, s6;
	s31 =	sshll.u32 s6, $0x4;
	s6 =	smul.u32 $0x1380, s6  }
.Ltmp0:
0xd: {  	s8 =	ssub.s32 s8, s29;
	s11 =	sshll.u32 s30, $0x4;
	(pc) =	sbr.rel .LBB2_1-.Ltmp0, $4  }
0xe: {  	s7 =	sshll.u32 s30, $0x2;
	s4 =	sadd.s32 s10, s9;
	s9 =	sand.u32 $0x70, s31  }
0xf: {  	s11 =	sand.u32 $0x27080, s11;
	s8 =	smax.u32 s8, $0x1;
	s9 =	sadd.s32 s5, s9  }
0x10: {  	s5 =	sadd.s32 s5, s6;
	s6 =	sadd.s32 s10, s7;
	s10 =	simm.s32 $0x80  }
0x11: {  	s7 =	sadd.s32 s11, s9;
	s9 =	simm.s32 $0x4;
	s11 =	simm.s32 $0x2780  }
.LBB2_5:
0x12: {  	s21 =	sadd.s32 $0x1, s21  }
0x13: {  	p1 =	sne.s32 s21, s8  }
.Ltmp1:
0x14: {  	_ = 	snop;
	(pc) =	sbr.rel @!p1 .LBB2_6-.Ltmp1, $1  }
0x15: {  	_ =	sdelay $0x3  }
.LBB2_1:
0x16: {  	[tilespmem:s3], [sflag:$0x4] =	stream.linear.gather [hbm4b:s4+s3], $0x2700, $0x38;
	[tilespmem:$0x18380] =	vst v63  }
0x17: {  	_ =	swait.ge [sflag:s9], $0x2700  }
0x18: {  	[sflag:s9] =	ssyncset.done $0x0  }
0x19: {  	[sflag:s9] =	ssyncadd.s32 $0xFFFFD900  }
0x1a: {  	[tilespmem:s11], [sflag:$0x1] =	stream.indirect.gather [hbm4b:s2+s10], $0x80, s3, s10, $0xb8;
	[tilespmem:$0x18380] =	vst v63  }
0x1b: {  	_ = 	snop  }
0x1c: {  	[tilespmem:s12], [sflag:$0x2] =	stream.indirect.gather [hbm4b:s2+s10], $0x80, s10, s10, $0xb8;
	[tilespmem:$0x18380] =	vst v63  }
0x1d: {  	s22 =	simm.s32 $0x100  }
0x1e: {  	[tilespmem:s13], [sflag:$0x3] =	stream.indirect.gather [hbm4b:s2+s10], $0x80, s22, s10, $0xb8;
	[tilespmem:$0x18380] =	vst v63  }
0x1f: {  	_ =	swait.ge [sflag:s14], $0x4000  }
0x20: {  	[sflag:s14] =	ssyncset.done $0x0  }
0x21: {  	s30 =	simm.s32 $0x180;
	[sflag:s14] =	ssyncadd.s32 $0xFFFFC000  }
0x22: {  	[tilespmem:s11], [sflag:$0x1] =	stream.indirect.gather [hbm4b:s2+s10], $0x80, s30, s10, $0xb8;
	[tilespmem:$0x18380] =	vst v63  }
0x23: {  	_ =	swait.ge [sflag:s15], $0x4000  }
0x24: {  	[sflag:s15] =	ssyncset.done $0x0  }
0x25: {  	s31 =	simm.s32 $0x200;
	[sflag:s15] =	ssyncadd.s32 $0xFFFFC000  }
0x26: {  	[tilespmem:s12], [sflag:$0x2] =	stream.indirect.gather [hbm4b:s2+s10], $0x80, s31, s10, $0xb8;
	[tilespmem:$0x18380] =	vst v63  }
0x27: {  	_ =	swait.ge [sflag:s16], $0x4000  }
0x28: {  	s23 =	simm.s32 $0xFFFF7600;
	s22 =	simm.s32 $0xFFFFDC00;
	[sflag:s16] =	ssyncset.done $0x0  }
.LBB2_2:
0x29: {  	s24 =	sadd.s32 $0x2680, s22  }
0x2a: {  	[sflag:s16] =	ssyncadd.s32 $0xFFFFC000;
	s25 =	smov.u32 s23;
	s26 =	sadd.s32 $0x600, s23  }
0x2b: {  	[tilespmem:s13], [sflag:$0x3] =	stream.indirect.gather [hbm4b:s2+s10], $0x80, s24, s10, $0xb8;
	[tilespmem:$0x18380] =	vst v63  }
0x2c: {  	p1 =	sne.s32 s23, $0xFFFFFA00;
	_ =	swait.ge [sflag:s14], $0x4000  }
0x2d: {  	[sflag:s14] =	ssyncset.done $0x0  }
0x2e: {  	s23 =	sadd.s32 $0x2700, s22;
	[sflag:s14] =	ssyncadd.s32 $0xFFFFC000  }
0x2f: {  	[tilespmem:s11], [sflag:$0x1] =	stream.indirect.gather [hbm4b:s2+s10], $0x80, s23, s10, $0xb8;
	[tilespmem:$0x18380] =	vst v63  }
0x30: {  	_ =	swait.ge [sflag:s15], $0x4000  }
.Ltmp2:
0x31: {  	[sflag:s15] =	ssyncset.done $0x0;
	(pc) =	sbr.rel @p1 .LBB2_2-.Ltmp2, $4  }
0x32: {  	s22 =	sadd.s32 $0x2780, s22;
	[sflag:s15] =	ssyncadd.s32 $0xFFFFC000  }
0x33: {  	[tilespmem:s12], [sflag:$0x2] =	stream.indirect.gather [hbm4b:s2+s10], $0x80, s22, s10, $0xb8;
	[tilespmem:$0x18380] =	vst v63  }
0x34: {  	_ =	swait.ge [sflag:s16], $0x4000  }
0x35: {  	s23 =	smov.u32 s26;
	s22 =	sshra.s32 s25, $0x2;
	[sflag:s16] =	ssyncset.done $0x0  }
0x36: {  	s23 =	sadd.s32 $0x2680, s22;
	[sflag:s16] =	ssyncadd.s32 $0xFFFFC000  }
0x37: {  	[tilespmem:s13], [sflag:$0x3] =	stream.indirect.gather [hbm4b:s2+s10], $0x80, s23, s10, $0xb8;
	[tilespmem:$0x18380] =	vst v63  }
0x38: {  	_ =	swait.ge [sflag:s14], $0x4000  }
0x39: {  	[sflag:s14] =	ssyncset.done $0x0  }
0x3a: {  	s30 =	sadd.s32 $0x2700, s22;
	[sflag:s14] =	ssyncadd.s32 $0xFFFFC000  }
0x3b: {  	[tilespmem:s11], [sflag:$0x1] =	stream.indirect.gather [hbm4b:s2+s10], $0x80, s30, s10, $0xb8;
	[tilespmem:$0x18380] =	vst v63  }
0x3c: {  	_ =	swait.ge [sflag:s15], $0x4000  }
0x3d: {  	[sflag:s15] =	ssyncset.done $0x0  }
0x3e: {  	s31 =	sadd.s32 $0x2780, s22;
	[sflag:s15] =	ssyncadd.s32 $0xFFFFC000  }
0x3f: {  	[tilespmem:s12], [sflag:$0x2] =	stream.indirect.gather [hbm4b:s2+s10], $0x80, s31, s10, $0xb8;
	[tilespmem:$0x18380] =	vst v63  }
0x40: {  	_ =	swait.ge [sflag:s16], $0x4000  }
0x41: {  	[sflag:s16] =	ssyncset.done $0x0  }
0x42: {  	[sflag:s16] =	ssyncadd.s32 $0xFFFFC000  }
0x43: {  	[tilespmem:s13], [sflag:$0x3] =	stream.indirect.gather [hbm4b:s2+s10], $0x80, s17, s10, $0xb8;
	[tilespmem:$0x18380] =	vst v63  }
0x44: {  	_ =	swait.ge [sflag:s14], $0x4000  }
0x45: {  	[sflag:s14] =	ssyncset.done $0x0  }
0x46: {  	[sflag:s14] =	ssyncadd.s32 $0xFFFFC000  }
0x47: {  	_ =	swait.ge [sflag:s15], $0x4000  }
0x48: {  	[sflag:s15] =	ssyncset.done $0x0  }
0x49: {  	[sflag:s15] =	ssyncadd.s32 $0xFFFFC000  }
0x4a: {  	_ =	swait.ge [sflag:s16], $0x4000  }
0x4b: {  	[sflag:s16] =	ssyncset.done $0x0  }
.Ltmp3:
0x4c: {  	[sflag:s16] =	ssyncadd.s32 $0xFFFFC000;
	(pc) =	sbr.rel @p0 .LBB2_5-.Ltmp3, $4  }
0x4d: {  	[hbm4b:s5+s3] =	stream.linear.scatter [tilespmem:s18], [sflag:$0x4], $0x9C00, $0x38;
	[tilespmem:$0x18380] =	vst v63  }
0x4e: {  	_ =	swait.ge [sflag:s9], $0x9C00  }
0x4f: {  	[sflag:s9] =	ssyncset.done $0x0  }
0x50: {  	[sflag:s9] =	ssyncadd.s32 $0xFFFF6400  }
0x51: {  	[tilespmem:s19], [sflag:$0x4] =	stream.linear.gather [hbm4b:s6+s3], $0x20, $0x38;
	[tilespmem:$0x18380] =	vst v63  }
0x52: {  	_ =	swait.ge [sflag:s9], $0x20  }
0x53: {  	[sflag:s9] =	ssyncset.done $0x0  }
0x54: {  	[sflag:s9] =	ssyncadd.s32 $0xFFFFFFE0  }
0x55: {  	[tilespmem:s11], [sflag:$0x1] =	stream.indirect.gather [hbm4b:s2+s20], $0x80, s19, s20, $0xb8;
	[tilespmem:$0x18380] =	vst v63  }
0x56: {  	_ =	swait.ge [sflag:s14], $0x1000  }
0x57: {  	[sflag:s14] =	ssyncset.done $0x0  }
0x58: {  	[sflag:s14] =	ssyncadd.s32 $0xFFFFF000  }
0x59: {  	v42 =	vld [tilespmem:$0x2780]  }
0x5a: {  	v40 =	vld [tilespmem:$0x2800]  }
0x5b: {  	v44 =	vld [tilespmem:$0x2880]  }
0x5c: {  	v48 =	vld [tilespmem:$0x2900]  }
0x5d: {  	v52 =	vld [tilespmem:$0x2980]  }
0x5e: {  	v56 =	vld [tilespmem:$0x2A00]  }
0x5f: {  	v60 =	vld [tilespmem:$0x2A80]  }
0x60: {  	v0 =	vld [tilespmem:$0x2B00]  }
0x61: {  	v25 =	vld [tilespmem:$0x2B80]  }
0x62: {  	v26 =	vld [tilespmem:$0x2C00]  }
0x63: {  	v27 =	vld [tilespmem:$0x2C80]  }
0x64: {  	v28 =	vld [tilespmem:$0x2D00]  }
0x65: {  	v29 =	vld [tilespmem:$0x2D80]  }
0x66: {  	v30 =	vld [tilespmem:$0x2E00]  }
0x67: {  	v31 =	vld [tilespmem:$0x2E80]  }
0x68: {  	v32 =	vld [tilespmem:$0x2F00]  }
0x69: {  	v33 =	vld [tilespmem:$0x2F80]  }
0x6a: {  	v34 =	vld [tilespmem:$0x3000]  }
0x6b: {  	v35 =	vld [tilespmem:$0x3080]  }
0x6c: {  	v36 =	vld [tilespmem:$0x3100]  }
0x6d: {  	v37 =	vld [tilespmem:$0x3180]  }
0x6e: {  	v38 =	vld [tilespmem:$0x3200]  }
0x6f: {  	v39 =	vld [tilespmem:$0x3280]  }
0x70: {  	v41 =	vld [tilespmem:$0x3300]  }
0x71: {  	v43 =	vld [tilespmem:$0x3380]  }
0x72: {  	v45 =	vld [tilespmem:$0x3400]  }
0x73: {  	v46 =	vld [tilespmem:$0x3480]  }
0x74: {  	v47 =	vld [tilespmem:$0x3500]  }
0x75: {  	v49 =	vld [tilespmem:$0x3580]  }
0x76: {  	v50 =	vld [tilespmem:$0x3600]  }
0x77: {  	v51 =	vld [tilespmem:$0x3680]  }
0x78: {  	v53 =	vld [tilespmem:$0x3700]  }
0x79: {  	v22 =	vld [tilespmem:$0x2790]  }
0x7a: {  	v20 =	vld [tilespmem:$0x2810]  }
0x7b: {  	v24 =	vld [tilespmem:$0x2890]  }
0x7c: {  	v57 =	vld [tilespmem:$0x2D10]  }
0x7d: {  	v61 =	vld [tilespmem:$0x2D90]  }
0x7e: {  	v54 =	vld [tilespmem:$0x2E10]  }
0x7f: {  	v55 =	vld [tilespmem:$0x2E90]  }
0x80: {  	v58 =	vld [tilespmem:$0x2F10]  }
0x81: {  	v59 =	vld [tilespmem:$0x2F90]  }
0x82: {  	v62 =	vld [tilespmem:$0x3010]  }
0x83: {  	v63 =	vld [tilespmem:$0x3090]  }
0x84: {  	v4 =	vld [tilespmem:$0x3110]  }
0x85: {  	v5 =	vld [tilespmem:$0x3190]  }
0x86: {  	v6 =	vld [tilespmem:$0x3210]  }
0x87: {  	v7 =	vld [tilespmem:$0x3290]  }
0x88: {  	v8 =	vld [tilespmem:$0x3310]  }
0x89: {  	v9 =	vld [tilespmem:$0x3390]  }
0x8a: {  	v10 =	vld [tilespmem:$0x3410]  }
0x8b: {  	v11 =	vld [tilespmem:$0x3490]  }
0x8c: {  	v12 =	vld [tilespmem:$0x3510]  }
0x8d: {  	v13 =	vld [tilespmem:$0x3590]  }
0x8e: {  	v14 =	vld [tilespmem:$0x3610]  }
0x8f: {  	v15 =	vld [tilespmem:$0x3690]  }
0x90: {  	v16 =	vld [tilespmem:$0x3710]  }
0x91: {  	v18 =	vld [tilespmem:$0x2AA0]  }
0x92: {  	v21 =	vld [tilespmem:$0x2B20]  }
0x93: {  	v17 =	vld [tilespmem:$0x3120]  }
0x94: {  	v19 =	vld [tilespmem:$0x31A0]  }
0x95: {  	v23 =	vld [tilespmem:$0x3220]  }
0x96: {  	v1 =	vld [tilespmem:$0x27B0]  }
0x97: {  	v2 =	vld [tilespmem:$0x28B0]  }
0x98: {  	v3 =	vld [tilespmem:$0x2930]  }
0x99: {  	[tilespmem:$0x1FAA0] =	vst v27;
	v27 =	vld [tilespmem:$0x2910]  }
0x9a: {  	[tilespmem:$0x1FAD0] =	vst v30;
	v30 =	vld [tilespmem:$0x2990]  }
0x9b: {  	[tilespmem:$0x1FB30] =	vst v33;
	v33 =	vld [tilespmem:$0x2A10]  }
0x9c: {  	[tilespmem:$0x1FB90] =	vst v36;
	v36 =	vld [tilespmem:$0x2A90]  }
0x9d: {  	[tilespmem:$0x1FC10] =	vst v39;
	v39 =	vld [tilespmem:$0x2B10]  }
0x9e: {  	[tilespmem:$0x1FCA0] =	vst v45;
	v45 =	vld [tilespmem:$0x2B90]  }
0x9f: {  	[tilespmem:$0x1FD60] =	vst v49;
	v49 =	vld [tilespmem:$0x2C10]  }
0xa0: {  	[tilespmem:$0x1FE20] =	vst v53;
	v53 =	vld [tilespmem:$0x2C90]  }
0xa1: {  	[tilespmem:$0x1FC60] =	vst v8;
	v8 =	vld [tilespmem:$0x27A0]  }
0xa2: {  	[tilespmem:$0x1FC30] =	vst v7;
	v7 =	vld [tilespmem:$0x2820]  }
0xa3: {  	[tilespmem:$0x1FCC0] =	vst v10;
	v10 =	vld [tilespmem:$0x28A0]  }
0xa4: {  	[tilespmem:$0x1FD40] =	vst v12;
	v12 =	vld [tilespmem:$0x2920]  }
0xa5: {  	[tilespmem:$0x1FDC0] =	vst v14;
	v14 =	vld [tilespmem:$0x29A0]  }
0xa6: {  	[tilespmem:$0x1FE40] =	vst v16;
	v16 =	vld [tilespmem:$0x2A20]  }
0xa7: {  	[tilespmem:$0x1FA80] =	vst v25;
	v25 =	vld [tilespmem:$0x2BA0]  }
0xa8: {  	[tilespmem:$0x1FAB0] =	vst v28;
	v28 =	vld [tilespmem:$0x2C20]  }
0xa9: {  	[tilespmem:$0x1FAF0] =	vst v31;
	v31 =	vld [tilespmem:$0x2CA0]  }
0xaa: {  	[tilespmem:$0x1FB50] =	vst v34;
	v34 =	vld [tilespmem:$0x2D20]  }
0xab: {  	[tilespmem:$0x1FBB0] =	vst v37;
	v37 =	vld [tilespmem:$0x2DA0]  }
0xac: {  	[tilespmem:$0x1FC40] =	vst v41;
	v41 =	vld [tilespmem:$0x2E20]  }
0xad: {  	[tilespmem:$0x1FCE0] =	vst v46;
	v46 =	vld [tilespmem:$0x2EA0]  }
0xae: {  	[tilespmem:$0x1FDA0] =	vst v50;
	v50 =	vld [tilespmem:$0x2F20]  }
0xaf: {  	[tilespmem:$0x1FAE0] =	vst v54;
	v54 =	vld [tilespmem:$0x2FA0]  }
0xb0: {  	[tilespmem:$0x1FB20] =	vst v58;
	v58 =	vld [tilespmem:$0x3020]  }
0xb1: {  	[tilespmem:$0x1FB60] =	vst v62;
	v62 =	vld [tilespmem:$0x30A0]  }
0xb2: {  	[tilespmem:$0x1FA90] =	vst v26;
	v26 =	vld [tilespmem:$0x32A0]  }
0xb3: {  	[tilespmem:$0x1FAC0] =	vst v29;
	v29 =	vld [tilespmem:$0x3320]  }
0xb4: {  	[tilespmem:$0x1FB10] =	vst v32;
	v32 =	vld [tilespmem:$0x33A0]  }
0xb5: {  	[tilespmem:$0x1FB70] =	vst v35;
	v35 =	vld [tilespmem:$0x3420]  }
0xb6: {  	[tilespmem:$0x1FBE0] =	vst v38;
	v38 =	vld [tilespmem:$0x34A0]  }
0xb7: {  	[tilespmem:$0x1FC70] =	vst v43;
	v43 =	vld [tilespmem:$0x3520]  }
0xb8: {  	[tilespmem:$0x1FD20] =	vst v47;
	v47 =	vld [tilespmem:$0x35A0]  }
0xb9: {  	[tilespmem:$0x1FDE0] =	vst v51;
	v51 =	vld [tilespmem:$0x3620]  }
0xba: {  	[tilespmem:$0x1FB00] =	vst v55;
	v55 =	vld [tilespmem:$0x36A0]  }
0xbb: {  	[tilespmem:$0x1FB40] =	vst v59;
	v59 =	vld [tilespmem:$0x3720]  }
0xbc: {  	[tilespmem:$0x1FA70] =	vst v0;
	v0 =	vld [tilespmem:$0x2830]  }
0xbd: {  	[tilespmem:$0x1FBA0] =	vst v4;
	v4 =	vld [tilespmem:$0x29B0]  }
0xbe: {  	[tilespmem:$0x1FBD0] =	vst v5;
	v5 =	vld [tilespmem:$0x2A30]  }
0xbf: {  	[tilespmem:$0x1FC00] =	vst v6;
	v6 =	vld [tilespmem:$0x2AB0]  }
0xc0: {  	[tilespmem:$0x1FC90] =	vst v9;
	v9 =	vld [tilespmem:$0x2B30]  }
0xc1: {  	[tilespmem:$0x1FD00] =	vst v11;
	v11 =	vld [tilespmem:$0x2BB0]  }
0xc2: {  	[tilespmem:$0x1FD80] =	vst v13;
	v13 =	vld [tilespmem:$0x2C30]  }
0xc3: {  	[tilespmem:$0x1FE00] =	vst v15;
	v15 =	vld [tilespmem:$0x2CB0]  }
0xc4: {  	[tilespmem:$0x1FBC0] =	vst v17;
	v17 =	vld [tilespmem:$0x2D30]  }
0xc5: {  	[tilespmem:$0x1FBF0] =	vst v19;
	v19 =	vld [tilespmem:$0x2DB0]  }
0xc6: {  	[tilespmem:$0x1FC20] =	vst v23;
	v23 =	vld [tilespmem:$0x2E30]  }
0xc7: {  	[tilespmem:$0x1FB80] =	vst v63;
	v63 =	vld [tilespmem:$0x33B0]  }
0xc8: {  	v40 =	vadd.f32 v40, v42;
	v42 =	vld [tilespmem:$0x2BC0]  }
0xc9: {  	[tilespmem:$0x1FC50] =	vst v26;
	v26 =	vld [tilespmem:$0x2EB0]  }
0xca: {  	[tilespmem:$0x1FC80] =	vst v29;
	v29 =	vld [tilespmem:$0x2F30]  }
0xcb: {  	[tilespmem:$0x1FCB0] =	vst v32;
	v32 =	vld [tilespmem:$0x2FB0]  }
0xcc: {  	[tilespmem:$0x1FCF0] =	vst v35;
	v35 =	vld [tilespmem:$0x3030]  }
0xcd: {  	[tilespmem:$0x1FD30] =	vst v38;
	v38 =	vld [tilespmem:$0x30B0]  }
0xce: {  	[tilespmem:$0x1FD70] =	vst v43;
	v43 =	vld [tilespmem:$0x3130]  }
0xcf: {  	[tilespmem:$0x1FDB0] =	vst v47;
	v47 =	vld [tilespmem:$0x31B0]  }
0xd0: {  	[tilespmem:$0x1FDF0] =	vst v51;
	v51 =	vld [tilespmem:$0x3230]  }
0xd1: {  	[tilespmem:$0x1FE30] =	vst v55;
	v55 =	vld [tilespmem:$0x32B0]  }
0xd2: {  	v20 =	vadd.f32 v20, v22;
	[tilespmem:$0x1FE60] =	vst v59;
	v59 =	vld [tilespmem:$0x3330]  }
0xd3: {  	[tilespmem:$0x1FCD0] =	vst v63;
	v63 =	vld [tilespmem:$0x3430]  }
0xd4: {  	[tilespmem:$0x1FF00] =	vst v42;
	v7 =	vadd.f32 v7, v8;
	v42 =	vadd.f32 v24, v20;
	v20 =	vld [tilespmem:$0x2E40]  }
0xd5: {  	v24 =	vld [tilespmem:$0x2EC0]  }
0xd6: {  	v7 =	vadd.f32 v10, v7;
	v10 =	vld [tilespmem:$0x2DC0]  }
0xd7: {  	v8 =	vadd.f32 v27, v42;
	v27 =	vld [tilespmem:$0x2F40]  }
0xd8: {  	v42 =	vld [tilespmem:$0x30C0]  }
0xd9: {  	v22 =	vadd.f32 v30, v8;
	v8 =	vld [tilespmem:$0x1FA90]  }
0xda: {  	v12 =	vadd.f32 v12, v7;
	v7 =	vld [tilespmem:$0x3550]  }
0xdb: {  	[tilespmem:$0x1FD10] =	vst v63;
	v63 =	vld [tilespmem:$0x34B0]  }
0xdc: {  	[tilespmem:$0x1FF50] =	vst v20;
	v20 =	vld [tilespmem:$0x1FB40]  }
0xdd: {  	v0 =	vadd.f32 v0, v1;
	[tilespmem:$0x1FF60] =	vst v24;
	v24 =	vld [tilespmem:$0x2BD0]  }
0xde: {  	v30 =	vadd.f32 v33, v22;
	v33 =	vld [tilespmem:$0x2FC0]  }
0xdf: {  	v0 =	vadd.f32 v2, v0;
	v2 =	vadd.f32 v14, v12;
	v12 =	vld [tilespmem:$0x1FAC0]  }
0xe0: {  	v14 =	vld [tilespmem:$0x1FAE0]  }
0xe1: {  	v22 =	vld [tilespmem:$0x1FB60]  }
0xe2: {  	[tilespmem:$0x1FF40] =	vst v10;
	v10 =	vld [tilespmem:$0x1FAA0]  }
0xe3: {  	[tilespmem:$0x1FF70] =	vst v27;
	v27 =	vld [tilespmem:$0x2C50]  }
0xe4: {  	v0 =	vadd.f32 v3, v0;
	[tilespmem:$0x1FFA0] =	vst v42;
	v42 =	vld [tilespmem:$0x1FC00]  }
0xe5: {  	v3 =	vadd.f32 v36, v30;
	v30 =	vld [tilespmem:$0x2850]  }
0xe6: {  	v0 =	vadd.f32 v4, v0;
	v2 =	vadd.f32 v16, v2;
	v16 =	vld [tilespmem:$0x1FB00]  }
0xe7: {  	v36 =	vld [tilespmem:$0x2A50]  }
0xe8: {  	v0 =	vadd.f32 v5, v0;
	v5 =	vld [tilespmem:$0x35D0]  }
0xe9: {  	[tilespmem:$0x1FD50] =	vst v63;
	v63 =	vld [tilespmem:$0x3530]  }
0xea: {  	v2 =	vadd.f32 v18, v2;
	v18 =	vld [tilespmem:$0x1FB20]  }
0xeb: {  	v3 =	vadd.f32 v39, v3;
	v0 =	vadd.f32 v6, v0;
	v39 =	vld [tilespmem:$0x1FBD0]  }
0xec: {  	[tilespmem:$0x1FF80] =	vst v33;
	v33 =	vld [tilespmem:$0x2950]  }
0xed: {  	v0 =	vadd.f32 v9, v0;
	v9 =	vld [tilespmem:$0x3340]  }
0xee: {  	v3 =	vadd.f32 v45, v3;
	v45 =	vld [tilespmem:$0x36C0]  }
0xef: {  	v2 =	vadd.f32 v21, v2;
	v21 =	vld [tilespmem:$0x1FB50]  }
0xf0: {  	v0 =	vadd.f32 v11, v0;
	v11 =	vld [tilespmem:$0x1FAB0]  }
0xf1: {  	[tilespmem:$0x1FD90] =	vst v63;
	v63 =	vld [tilespmem:$0x35B0]  }
0xf2: {  	v3 =	vadd.f32 v49, v3;
	v49 =	vld [tilespmem:$0x35C0]  }
0xf3: {  	v2 =	vadd.f32 v25, v2;
	v25 =	vld [tilespmem:$0x1FB80]  }
0xf4: {  	v3 =	vadd.f32 v53, v3;
	v53 =	vld [tilespmem:$0x34C0]  }
0xf5: {  	v0 =	vadd.f32 v13, v0;
	v13 =	vld [tilespmem:$0x1FAD0]  }
0xf6: {  	[tilespmem:$0x1FDD0] =	vst v63;
	v63 =	vld [tilespmem:$0x3630]  }
0xf7: {  	v2 =	vadd.f32 v28, v2;
	v28 =	vld [tilespmem:$0x27D0]  }
0xf8: {  	[tilespmem:$0x1FFF0] =	vst v9;
	v9 =	vld [tilespmem:$0x33D0]  }
0xf9: {  	v0 =	vadd.f32 v15, v0;
	v15 =	vld [tilespmem:$0x1FAF0]  }
0xfa: {  	v2 =	vadd.f32 v31, v2;
	v31 =	vld [tilespmem:$0x28D0]  }
0xfb: {  	[tilespmem:$0x1FE10] =	vst v63;
	v63 =	vld [tilespmem:$0x36B0]  }
0xfc: {  	v3 =	vadd.f32 v57, v3;
	v57 =	vld [tilespmem:$0x1FC80]  }
0xfd: {  	v0 =	vadd.f32 v17, v0;
	v17 =	vld [tilespmem:$0x1FB10]  }
0xfe: {  	v2 =	vadd.f32 v34, v2;
	v34 =	vld [tilespmem:$0x29D0]  }
0xff: {  	v3 =	vadd.f32 v61, v3;
	v61 =	vld [tilespmem:$0x1FCB0]  }
0x100: {  	[tilespmem:$0x1FE50] =	vst v63;
	v63 =	vld [tilespmem:$0x3730]  }
0x101: {  	v0 =	vadd.f32 v19, v0;
	v19 =	vld [tilespmem:$0x1FB30]  }
0x102: {  	v2 =	vadd.f32 v37, v2;
	v37 =	vld [tilespmem:$0x2B50]  }
0x103: {  	v3 =	vadd.f32 v14, v3;
	v14 =	vld [tilespmem:$0x31D0]  }
0x104: {  	v0 =	vadd.f32 v23, v0;
	v23 =	vld [tilespmem:$0x1FB70]  }
0x105: {  	[tilespmem:$0x1FE90] =	vst v63;
	v63 =	vld [tilespmem:$0x27C0]  }
0x106: {  	v28 =	vadd.f32 v30, v28;
	v2 =	vadd.f32 v41, v2;
	v41 =	vld [tilespmem:$0x1FBF0]  }
0x107: {  	v3 =	vadd.f32 v16, v3;
	v16 =	vld [tilespmem:$0x3150]  }
0x108: {  	v28 =	vadd.f32 v31, v28;
	v0 =	vadd.f32 v26, v0;
	v26 =	vld [tilespmem:$0x1FB90]  }
0x109: {  	v3 =	vadd.f32 v18, v3;
	v18 =	vld [tilespmem:$0x2E50]  }
0x10a: {  	v28 =	vadd.f32 v33, v28;
	[tilespmem:$0x1FE70] =	vst v63;
	v63 =	vld [tilespmem:$0x2840]  }
0x10b: {  	v2 =	vadd.f32 v46, v2;
	v46 =	vld [tilespmem:$0x1FC20]  }
0x10c: {  	v28 =	vadd.f32 v34, v28;
	v34 =	vld [tilespmem:$0x30E0]  }
0x10d: {  	v0 =	vadd.f32 v29, v0;
	v29 =	vld [tilespmem:$0x2AD0]  }
0x10e: {  	v3 =	vadd.f32 v20, v3;
	v20 =	vld [tilespmem:$0x2F50]  }
0x10f: {  	[tilespmem:$0x1FE80] =	vst v63;
	v63 =	vld [tilespmem:$0x28C0]  }
0x110: {  	v2 =	vadd.f32 v50, v2;
	v50 =	vld [tilespmem:$0x1FC40]  }
0x111: {  	v0 =	vadd.f32 v32, v0;
	v32 =	vld [tilespmem:$0x1FBA0]  }
0x112: {  	v3 =	vadd.f32 v22, v3;
	v22 =	vld [tilespmem:$0x2ED0]  }
0x113: {  	v2 =	vadd.f32 v54, v2;
	v54 =	vld [tilespmem:$0x1FC60]  }
0x114: {  	[tilespmem:$0x1FEA0] =	vst v63;
	v63 =	vld [tilespmem:$0x2940]  }
0x115: {  	v3 =	vadd.f32 v25, v3;
	v25 =	vld [tilespmem:$0x2CD0]  }
0x116: {  	v0 =	vadd.f32 v35, v0;
	v35 =	vld [tilespmem:$0x1FBB0]  }
0x117: {  	v2 =	vadd.f32 v58, v2;
	v58 =	vld [tilespmem:$0x1FC90]  }
0x118: {  	v28 =	vadd.f32 v36, v28;
	v0 =	vadd.f32 v38, v0;
	v38 =	vld [tilespmem:$0x1FBC0]  }
0x119: {  	[tilespmem:$0x1FEB0] =	vst v63;
	v63 =	vld [tilespmem:$0x29C0]  }
0x11a: {  	v28 =	vadd.f32 v29, v28;
	v2 =	vadd.f32 v62, v2;
	v62 =	vld [tilespmem:$0x1FCC0]  }
0x11b: {  	v3 =	vadd.f32 v32, v3;
	v32 =	vld [tilespmem:$0x1FD10]  }
0x11c: {  	v28 =	vadd.f32 v37, v28;
	v37 =	vld [tilespmem:$0x2DF0]  }
0x11d: {  	v0 =	vadd.f32 v43, v0;
	v43 =	vld [tilespmem:$0x1FC10]  }
0x11e: {  	[tilespmem:$0x1FEC0] =	vst v63;
	v63 =	vld [tilespmem:$0x2A40]  }
0x11f: {  	v3 =	vadd.f32 v39, v3;
	v39 =	vld [tilespmem:$0x1FD40]  }
0x120: {  	v0 =	vadd.f32 v47, v0;
	v47 =	vld [tilespmem:$0x1FC30]  }
0x121: {  	v2 =	vadd.f32 v38, v2;
	v38 =	vld [tilespmem:$0x1FD30]  }
0x122: {  	v3 =	vadd.f32 v42, v3;
	v42 =	vld [tilespmem:$0x1FD70]  }
0x123: {  	[tilespmem:$0x1FED0] =	vst v63;
	v63 =	vld [tilespmem:$0x2AC0]  }
0x124: {  	v0 =	vadd.f32 v51, v0;
	v51 =	vld [tilespmem:$0x1FC50]  }
0x125: {  	v2 =	vadd.f32 v41, v2;
	v41 =	vld [tilespmem:$0x1FD60]  }
0x126: {  	v0 =	vadd.f32 v55, v0;
	v55 =	vld [tilespmem:$0x1FC70]  }
0x127: {  	v2 =	vadd.f32 v46, v2;
	v46 =	vld [tilespmem:$0x1FD90]  }
0x128: {  	[tilespmem:$0x1FEE0] =	vst v63;
	v63 =	vld [tilespmem:$0x2B40]  }
0x129: {  	v3 =	vadd.f32 v47, v3;
	v47 =	vld [tilespmem:$0x1FDA0]  }
0x12a: {  	v0 =	vadd.f32 v59, v0;
	v59 =	vld [tilespmem:$0x1FCA0]  }
0x12b: {  	v2 =	vadd.f32 v51, v2;
	v51 =	vld [tilespmem:$0x1FDC0]  }
0x12c: {  	v3 =	vadd.f32 v54, v3;
	v54 =	vld [tilespmem:$0x1FDD0]  }
0x12d: {  	[tilespmem:$0x1FEF0] =	vst v63;
	v63 =	vadd.f32 v44, v40;
	v44 =	vld [tilespmem:$0x2CC0]  }
0x12e: {  	v2 =	vadd.f32 v57, v2;
	v57 =	vld [tilespmem:$0x1FDF0]  }
0x12f: {  	v3 =	vadd.f32 v58, v3;
	v58 =	vld [tilespmem:$0x1FE00];
	v48 =	vadd.f32 v48, v63  }
0x130: {  	v2 =	vadd.f32 v61, v2;
	v61 =	vld [tilespmem:$0x1FE20]  }
0x131: {  	v40 =	vld [tilespmem:$0x2C40];
	v1 =	vadd.f32 v52, v48  }
0x132: {  	[tilespmem:$0x1FF20] =	vst v44;
	v44 =	vld [tilespmem:$0x1FA70]  }
0x133: {  	v63 =	vld [tilespmem:$0x2D40];
	v1 =	vadd.f32 v56, v1  }
0x134: {  	v56 =	vld [tilespmem:$0x1FA80]  }
0x135: {  	v3 =	vadd.f32 v62, v3;
	v62 =	vld [tilespmem:$0x1FE30];
	v1 =	vadd.f32 v60, v1  }
0x136: {  	v48 =	vld [tilespmem:$0x3140]  }
0x137: {  	v52 =	vld [tilespmem:$0x31C0];
	v1 =	vadd.f32 v44, v1  }
0x138: {  	[tilespmem:$0x1FF10] =	vst v40;
	v40 =	vld [tilespmem:$0x3040]  }
0x139: {  	[tilespmem:$0x1FF30] =	vst v63;
	v63 =	vld [tilespmem:$0x32C0];
	v1 =	vadd.f32 v56, v1  }
0x13a: {  	v60 =	vld [tilespmem:$0x3240]  }
0x13b: {  	v36 =	vld [tilespmem:$0x1FF30];
	v1 =	vadd.f32 v8, v1  }
0x13c: {  	[tilespmem:$0x1FFC0] =	vst v52;
	v52 =	vld [tilespmem:$0x3540]  }
0x13d: {  	[tilespmem:$0x1FFB0] =	vst v48;
	v48 =	vld [tilespmem:$0x3640];
	v1 =	vadd.f32 v10, v1  }
0x13e: {  	[tilespmem:$0x1FF90] =	vst v40;
	v40 =	vld [tilespmem:$0x1FBE0]  }
0x13f: {  	[tilespmem:$0x1FFE0] =	vst v63;
	v63 =	vld [tilespmem:$0x1FCD0];
	v1 =	vadd.f32 v11, v1  }
0x140: {  	v56 =	vld [tilespmem:$0x3440]  }
0x141: {  	[tilespmem:$0x1FFD0] =	vst v60;
	v60 =	vld [tilespmem:$0x33C0];
	v1 =	vadd.f32 v12, v1  }
0x142: {  	v8 =	vld [tilespmem:$0x1FCE0]  }
0x143: {  	v10 =	vld [tilespmem:$0x3350];
	v1 =	vadd.f32 v13, v1  }
0x144: {  	v0 =	vadd.f32 v63, v0;
	v11 =	vld [tilespmem:$0x1FCF0]  }
0x145: {  	v63 =	vld [tilespmem:$0x2870];
	v1 =	vadd.f32 v15, v1  }
0x146: {  	v0 =	vadd.f32 v32, v0;
	v32 =	vld [tilespmem:$0x27E0]  }
0x147: {  	v12 =	vld [tilespmem:$0x32D0];
	v1 =	vadd.f32 v17, v1  }
0x148: {  	v13 =	vld [tilespmem:$0x30D0]  }
0x149: {  	v2 =	vadd.f32 v11, v2;
	v11 =	vld [tilespmem:$0x3450];
	v1 =	vadd.f32 v19, v1  }
0x14a: {  	v15 =	vld [tilespmem:$0x1FD00]  }
0x14b: {  	v2 =	vadd.f32 v38, v2;
	v38 =	vld [tilespmem:$0x27F0];
	v1 =	vadd.f32 v21, v1  }
0x14c: {  	v17 =	vld [tilespmem:$0x3250]  }
0x14d: {  	v4 =	vadd.f32 v42, v2;
	v2 =	vld [tilespmem:$0x3650];
	v1 =	vadd.f32 v23, v1  }
0x14e: {  	v42 =	vld [tilespmem:$0x2BF0]  }
0x14f: {  	v19 =	vld [tilespmem:$0x2FD0];
	v1 =	vadd.f32 v26, v1  }
0x150: {  	v21 =	vld [tilespmem:$0x3050]  }
0x151: {  	v63 =	vadd.f32 v63, v38;
	v38 =	vld [tilespmem:$0x2E60];
	v1 =	vadd.f32 v35, v1  }
0x152: {  	v23 =	vld [tilespmem:$0x2DD0]  }
0x153: {  	v1 =	vadd.f32 v40, v1;
	v40 =	vld [tilespmem:$0x1FD50]  }
0x154: {  	v26 =	vld [tilespmem:$0x2D50]  }
0x155: {  	v1 =	vadd.f32 v43, v1;
	v43 =	vld [tilespmem:$0x1FD80]  }
0x156: {  	v3 =	vadd.f32 v15, v3;
	v35 =	vld [tilespmem:$0x1FD20]  }
0x157: {  	v1 =	vadd.f32 v50, v1;
	v50 =	vld [tilespmem:$0x1FDB0]  }
0x158: {  	v3 =	vadd.f32 v39, v3;
	v0 =	vadd.f32 v40, v0;
	v40 =	vld [tilespmem:$0x2BE0]  }
0x159: {  	v1 =	vadd.f32 v55, v1;
	v55 =	vld [tilespmem:$0x1FDE0]  }
0x15a: {  	v6 =	vadd.f32 v43, v3;
	v3 =	vld [tilespmem:$0x36D0]  }
0x15b: {  	v0 =	vadd.f32 v46, v0;
	v46 =	vld [tilespmem:$0x1FE40]  }
0x15c: {  	v43 =	vld [tilespmem:$0x2C60]  }
0x15d: {  	v1 =	vadd.f32 v59, v1;
	v59 =	vld [tilespmem:$0x1FE10]  }
0x15e: {  	v4 =	vadd.f32 v50, v4;
	v50 =	vld [tilespmem:$0x28E0]  }
0x15f: {  	v6 =	vadd.f32 v51, v6;
	v51 =	vld [tilespmem:$0x1FE60]  }
0x160: {  	v0 =	vadd.f32 v54, v0;
	v54 =	vld [tilespmem:$0x1FE70]  }
0x161: {  	v1 =	vadd.f32 v8, v1;
	v8 =	vld [tilespmem:$0x34D0]  }
0x162: {  	v4 =	vadd.f32 v57, v4;
	v57 =	vld [tilespmem:$0x28F0]  }
0x163: {  	v6 =	vadd.f32 v58, v6;
	v58 =	vld [tilespmem:$0x1FE90]  }
0x164: {  	v1 =	vadd.f32 v35, v1;
	v35 =	vld [tilespmem:$0x2860]  }
0x165: {  	v0 =	vadd.f32 v59, v0;
	v59 =	vld [tilespmem:$0x2960]  }
0x166: {  	v39 =	vadd.f32 v62, v4;
	v62 =	vld [tilespmem:$0x2970]  }
0x167: {  	v4 =	vadd.f32 v46, v6;
	v46 =	vld [tilespmem:$0x29E0]  }
0x168: {  	v1 =	vadd.f32 v41, v1;
	v41 =	vld [tilespmem:$0x1FEF0]  }
0x169: {  	v6 =	vadd.f32 v51, v39;
	v51 =	vld [tilespmem:$0x2A60]  }
0x16a: {  	v15 =	vadd.f32 v47, v1;
	v1 =	vld [tilespmem:$0x3750]  }
0x16b: {  	v47 =	vld [tilespmem:$0x1FE50]  }
0x16c: {  	v31 =	vadd.f32 v57, v63;
	v57 =	vld [tilespmem:$0x2AE0]  }
0x16d: {  	v63 =	vld [tilespmem:$0x2B70]  }
0x16e: {  	v32 =	vadd.f32 v35, v32;
	v15 =	vadd.f32 v55, v15;
	v55 =	vld [tilespmem:$0x1FE80]  }
0x16f: {  	v31 =	vadd.f32 v62, v31;
	v62 =	vld [tilespmem:$0x1FEE0]  }
0x170: {  	v32 =	vadd.f32 v50, v32;
	v50 =	vld [tilespmem:$0x29F0]  }
0x171: {  	v15 =	vadd.f32 v61, v15;
	v61 =	vld [tilespmem:$0x1FEA0]  }
0x172: {  	v0 =	vadd.f32 v47, v0;
	v47 =	vld [tilespmem:$0x1FEB0]  }
0x173: {  	v30 =	vadd.f32 v59, v32;
	v59 =	vld [tilespmem:$0x2AF0]  }
0x174: {  	v39 =	vadd.f32 v55, v54;
	v54 =	vld [tilespmem:$0x1FEC0]  }
0x175: {  	v55 =	vld [tilespmem:$0x2A70]  }
0x176: {  	v0 =	vadd.f32 v58, v0;
	v58 =	vld [tilespmem:$0x1FED0];
	v30 =	vadd.f32 v46, v30  }
0x177: {  	v39 =	vadd.f32 v61, v39;
	v61 =	vld [tilespmem:$0x2B60]  }
0x178: {  	v46 =	vld [tilespmem:$0x1FF00];
	v30 =	vadd.f32 v51, v30  }
0x179: {  	v51 =	vld [tilespmem:$0x2CE0];
	v39 =	vadd.f32 v47, v39  }
0x17a: {  	v30 =	vadd.f32 v57, v30;
	v47 =	vld [tilespmem:$0x2C70]  }
0x17b: {  	v31 =	vadd.f32 v50, v31;
	v39 =	vadd.f32 v54, v39;
	v54 =	vld [tilespmem:$0x1FF10]  }
0x17c: {  	v30 =	vadd.f32 v61, v30;
	v61 =	vld [tilespmem:$0x2D70]  }
0x17d: {  	v35 =	vadd.f32 v58, v39;
	v39 =	vadd.f32 v55, v31;
	v55 =	vld [tilespmem:$0x2CF0]  }
0x17e: {  	v58 =	vld [tilespmem:$0x2D60]  }
0x17f: {  	v30 =	vadd.f32 v40, v30;
	v40 =	vld [tilespmem:$0x2E70]  }
0x180: {  	v29 =	vadd.f32 v59, v39;
	v59 =	vld [tilespmem:$0x1FF20]  }
0x181: {  	v39 =	vld [tilespmem:$0x1FF40]  }
0x182: {  	v35 =	vadd.f32 v62, v35;
	v30 =	vadd.f32 v43, v30;
	v43 =	vld [tilespmem:$0x1FF50]  }
0x183: {  	v50 =	vadd.f32 v63, v29;
	v63 =	vld [tilespmem:$0x2DE0]  }
0x184: {  	v32 =	vadd.f32 v41, v35;
	v35 =	vld [tilespmem:$0x1FF90]  }
0x185: {  	v24 =	vadd.f32 v24, v28;
	v29 =	vadd.f32 v51, v30;
	v51 =	vld [tilespmem:$0x1FF60]  }
0x186: {  	v32 =	vadd.f32 v46, v32;
	v57 =	vadd.f32 v42, v50;
	v42 =	vld [tilespmem:$0x2EE0]  }
0x187: {  	v24 =	vadd.f32 v27, v24;
	v46 =	vld [tilespmem:$0x2EF0]  }
0x188: {  	v50 =	vld [tilespmem:$0x2F60];
	v32 =	vadd.f32 v54, v32  }
0x189: {  	v24 =	vadd.f32 v25, v24;
	v28 =	vadd.f32 v58, v29;
	v58 =	vld [tilespmem:$0x1FF70]  }
0x18a: {  	v62 =	vadd.f32 v47, v57;
	v54 =	vld [tilespmem:$0x2F70];
	v32 =	vadd.f32 v59, v32  }
0x18b: {  	v24 =	vadd.f32 v26, v24;
	v57 =	vld [tilespmem:$0x2FE0];
	v27 =	vadd.f32 v63, v28  }
0x18c: {  	v63 =	vld [tilespmem:$0x1FF80];
	v25 =	vadd.f32 v55, v62;
	v32 =	vadd.f32 v36, v32  }
0x18d: {  	v23 =	vadd.f32 v23, v24;
	v59 =	vld [tilespmem:$0x2FF0]  }
0x18e: {  	v62 =	vld [tilespmem:$0x3060];
	v41 =	vadd.f32 v61, v25;
	v31 =	vadd.f32 v39, v32  }
0x18f: {  	v18 =	vadd.f32 v18, v23;
	v26 =	vadd.f32 v38, v27;
	v38 =	vld [tilespmem:$0x1FFA0]  }
0x190: {  	v36 =	vld [tilespmem:$0x30F0];
	v47 =	vadd.f32 v37, v41;
	v31 =	vadd.f32 v43, v31  }
0x191: {  	v18 =	vadd.f32 v22, v18;
	v25 =	vadd.f32 v42, v26;
	v42 =	vld [tilespmem:$0x1FFB0]  }
0x192: {  	v32 =	vld [tilespmem:$0x3070];
	v55 =	vadd.f32 v40, v47;
	v30 =	vadd.f32 v51, v31  }
0x193: {  	v18 =	vadd.f32 v20, v18;
	v37 =	vld [tilespmem:$0x3160];
	v24 =	vadd.f32 v50, v25  }
0x194: {  	v39 =	vld [tilespmem:$0x3170];
	v61 =	vadd.f32 v46, v55;
	v29 =	vadd.f32 v58, v30  }
0x195: {  	v18 =	vadd.f32 v19, v18;
	v41 =	vld [tilespmem:$0x31E0];
	v23 =	vadd.f32 v57, v24  }
0x196: {  	v50 =	vld [tilespmem:$0x1FFC0];
	v33 =	vadd.f32 v54, v61;
	v28 =	vadd.f32 v63, v29  }
0x197: {  	v18 =	vadd.f32 v21, v18;
	v43 =	vld [tilespmem:$0x31F0];
	v22 =	vadd.f32 v62, v23  }
0x198: {  	v47 =	vld [tilespmem:$0x3260];
	v19 =	vadd.f32 v59, v33;
	v27 =	vadd.f32 v35, v28  }
0x199: {  	v13 =	vadd.f32 v13, v18;
	v57 =	vld [tilespmem:$0x1FFD0];
	v20 =	vadd.f32 v34, v22  }
0x19a: {  	v51 =	vld [tilespmem:$0x3270];
	v40 =	vadd.f32 v32, v19;
	v26 =	vadd.f32 v38, v27  }
0x19b: {  	v13 =	vadd.f32 v16, v13;
	v55 =	vld [tilespmem:$0x32E0];
	v20 =	vadd.f32 v37, v20  }
0x19c: {  	v58 =	vld [tilespmem:$0x32F0];
	v46 =	vadd.f32 v36, v40;
	v25 =	vadd.f32 v42, v26  }
0x19d: {  	v13 =	vadd.f32 v14, v13;
	v61 =	vld [tilespmem:$0x1FFE0];
	v19 =	vadd.f32 v41, v20  }
0x19e: {  	v59 =	vld [tilespmem:$0x3360];
	v54 =	vadd.f32 v39, v46;
	v24 =	vadd.f32 v50, v25  }
0x19f: {  	v13 =	vadd.f32 v17, v13;
	v18 =	vadd.f32 v47, v19;
	v25 =	vld [tilespmem:$0x1FFF0]  }
0x1a0: {  	v14 =	vadd.f32 v43, v54;
	v23 =	vadd.f32 v57, v24;
	v24 =	vld [tilespmem:$0x33E0]  }
0x1a1: {  	v12 =	vadd.f32 v12, v13;
	v62 =	vld [tilespmem:$0x3370];
	v16 =	vadd.f32 v55, v18  }
0x1a2: {  	v28 =	vld [tilespmem:$0x3460];
	v63 =	vadd.f32 v51, v14;
	v22 =	vadd.f32 v61, v23  }
0x1a3: {  	v10 =	vadd.f32 v10, v12;
	v26 =	vld [tilespmem:$0x33F0];
	v16 =	vadd.f32 v59, v16  }
0x1a4: {  	v32 =	vld [tilespmem:$0x34E0];
	v27 =	vadd.f32 v58, v63;
	v21 =	vadd.f32 v25, v22  }
0x1a5: {  	v9 =	vadd.f32 v9, v10;
	v30 =	vld [tilespmem:$0x3470];
	v14 =	vadd.f32 v24, v16  }
0x1a6: {  	v35 =	vld [tilespmem:$0x3560];
	v31 =	vadd.f32 v62, v27;
	v29 =	vadd.f32 v60, v21  }
0x1a7: {  	v9 =	vadd.f32 v11, v9;
	v34 =	vld [tilespmem:$0x34F0];
	v13 =	vadd.f32 v28, v14  }
0x1a8: {  	v39 =	vld [tilespmem:$0x35E0];
	v10 =	vadd.f32 v26, v31;
	v33 =	vadd.f32 v56, v29  }
0x1a9: {  	v8 =	vadd.f32 v8, v9;
	v37 =	vld [tilespmem:$0x3570];
	v12 =	vadd.f32 v32, v13  }
0x1aa: {  	v41 =	vld [tilespmem:$0x35F0];
	v38 =	vadd.f32 v30, v10;
	v36 =	vadd.f32 v53, v33  }
0x1ab: {  	v7 =	vadd.f32 v7, v8;
	v43 =	vld [tilespmem:$0x3660];
	v11 =	vadd.f32 v35, v12  }
0x1ac: {  	v47 =	vld [tilespmem:$0x3670];
	v42 =	vadd.f32 v34, v38;
	v40 =	vadd.f32 v52, v36  }
0x1ad: {  	v5 =	vadd.f32 v5, v7;
	v50 =	vld [tilespmem:$0x36E0];
	v10 =	vadd.f32 v39, v11  }
0x1ae: {  	v54 =	vld [tilespmem:$0x3760];
	v46 =	vadd.f32 v49, v40;
	v49 =	vadd.f32 v37, v42  }
0x1af: {  	v2 =	vadd.f32 v2, v5;
	v52 =	vld [tilespmem:$0x36F0]  }
0x1b0: {  	v44 =	vld [tilespmem:$0x3740];
	v9 =	vadd.f32 v43, v10;
	v53 =	vadd.f32 v41, v49  }
0x1b1: {  	[tilespmem:$0xE790] =	vst v4;
	v2 =	vadd.f32 v3, v2;
	v56 =	vld [tilespmem:$0x3770];
	v51 =	vadd.f32 v48, v46  }
0x1b2: {  	[tilespmem:$0xE7A0] =	vst v6;
	v59 =	vadd.f32 v50, v9;
	v57 =	vadd.f32 v47, v53  }
0x1b3: {  	[tilespmem:$0xE780] =	vst v15;
	v60 =	vadd.f32 v1, v2;
	v55 =	vadd.f32 v45, v51  }
0x1b4: {  	[tilespmem:$0xE7B0] =	vst v0;
	v62 =	vadd.f32 v54, v59;
	v61 =	vadd.f32 v52, v57  }
0x1b5: {  	[tilespmem:$0xE7D0] =	vst v60;
	v58 =	vadd.f32 v44, v55  }
0x1b6: {  	[tilespmem:$0xE7E0] =	vst v62;
	v63 =	vadd.f32 v56, v61  }
0x1b7: {  	[tilespmem:$0xE7C0] =	vst v58  }
.Ltmp4:
0x1b8: {  	[tilespmem:$0xE7F0] =	vst v63;
	(pc) =	sbr.rel .LBB2_5-.Ltmp4, $4  }
0x1b9: {  	[hbm4b:s7+s3] =	stream.linear.scatter [tilespmem:s18], [sflag:$0x4], $0x80, $0x38;
	[tilespmem:$0x18380] =	vst v63  }
0x1ba: {  	_ =	swait.ge [sflag:s9], $0x80  }
0x1bb: {  	[sflag:s9] =	ssyncset.done $0x0  }
0x1bc: {  	[sflag:s9] =	ssyncadd.s32 $0xFFFFFF80  }
.LBB2_6:
0x1bd: {  	_ =	sfence.sel $0x180000  }
0x1be: {  	[bflag:$0x0] =	sbarrier.arrive $0xFFFF  }
0x1bf: {  	p0 =	sne.s32 s1, $0x0;
	_ =	strace $0x90000047  }
0x1c0: {  	s0 =	sadd.s32 @!p0 $0x100000, s0;
	[bflag:$0x2] =	sbarrier.arrive $0xFFFF  }
0x1c1: {  	[sflag:s0] =	ssyncadd.tile.s32 @!p0 $0x1;
	_ =	shalt  }
.Lfunc_end2:
_tile_overlayer_lowered:
.L_overlay_start_2:
0x1c2: {  	(tag) =	ssettag $0x2  }
0x1c3: {  	s0 =	rddreg [dreg:$0x0];
	s2 =	stileid.u32  }
0x1c4: {  	s1 =	rddreg [dreg:$0x1];
	p0 =	sne.s32 s2, $0x0  }
0x1c5: {  	s3 =	rddreg [dreg:$0x2];
	[bflag:$0x3] =	sbarrier.arrive $0xFFFF;
	s2 =	simm.s32 @!p0 $0x1C04  }
0x1c6: {  	[timem:s3], [sflag:s2] =	dma.local @!p0 [hbm:s0], s1  }
0x1c7: {  	s0 =	simm.s32 @!p0 $0x4  }
0x1c8: {  	_ =	swait.ge @!p0 [sflag:s0], s1  }
0x1c9: {  	s1 =	ssub.s32 @!p0 $0x0, s1;
	[sflag:s0] =	ssyncset.done @!p0 $0x0  }
0x1ca: {  	[sflag:s0] =	ssyncadd.s32 @!p0 s1  }
0x1cb: {  	[bflag:$0x3] =	sbarrier.arrive $0xFFFF  }
0x1cc: {  	_ =	shalt  }

</sc_bundles>
